<compile_context>
chip_gen: v7x
topology: tpu7x:2x2x1
jax: 0.10.2.dev20260603
libtpu: 0.0.44.dev20260713+nightly
codegen_flags: <defaults>
</compile_context>

<pallas_src>
import functools

import jax
import jax.numpy as jnp
from jax import lax
from jax.experimental import pallas as pl
from jax.experimental.pallas import tpu as pltpu
from jax.experimental.pallas import tpu_sc as plsc

N = 10000
E = 320000
D = 128
DH = D // 2

NC = 2
NS = 16

C = 128
STEPS = 160
EPT = STEPS * C
E_PAD = NS * EPT
NT = 10112
RPT = NT // NS
TRASH = NT - N
NBUF = 4

_MESH = plsc.VectorSubcoreMesh(core_axis_name="c", subcore_axis_name="s")


def _sc_agg_body(with_deg, x1_hbm, x2_hbm, src_hbm, dst_hbm, z64_hbm,
                 z16_hbm, ones_hbm, out_hbm, deg_hbm, srcv, dstv, rows,
                 onesv, agg_sh, deg_sh, gsem, ssem, dsem):
    cid = lax.axis_index("c")
    sid = lax.axis_index("s")
    pltpu.sync_copy(src_hbm.at[pl.ds(sid * STEPS, STEPS)], srcv)
    pltpu.sync_copy(dst_hbm.at[pl.ds(sid * STEPS, STEPS)], dstv)
    if with_deg:
        pltpu.sync_copy(ones_hbm, onesv)

    pltpu.sync_copy(z64_hbm.at[pl.ds(sid * RPT, RPT)],
                    agg_sh.at[pl.ds(sid * RPT, RPT)])
    if with_deg:
        pltpu.sync_copy(z16_hbm.at[pl.ds(sid * RPT, RPT)],
                        deg_sh.at[pl.ds(sid * RPT, RPT)])
    plsc.subcore_barrier()

    def gstart(j, b):
        @pl.when(cid == 0)
        def _():
            pltpu.async_copy(x1_hbm.at[srcv.at[j]], rows.at[b], gsem.at[b])

        @pl.when(cid == 1)
        def _():
            pltpu.async_copy(x2_hbm.at[srcv.at[j]], rows.at[b], gsem.at[b])

    def gwait(j, b):
        pltpu.make_async_copy(x1_hbm.at[srcv.at[j]], rows.at[b],
                              gsem.at[b]).wait()

    def sstart(j, b):
        pltpu.async_copy(rows.at[b], agg_sh.at[dstv.at[j]], ssem.at[b],
                         add=True)

    def swait(j, b):
        pltpu.make_async_copy(rows.at[b], agg_sh.at[dstv.at[j]],
                              ssem.at[b]).wait()

    def dstart(j, b):
        pltpu.async_copy(onesv, deg_sh.at[dstv.at[j]], dsem.at[b], add=True)

    def dwait(j, b):
        pltpu.make_async_copy(onesv, deg_sh.at[dstv.at[j]],
                              dsem.at[b]).wait()

    for j in range(NBUF):
        gstart(j, j)

    @pl.loop(0, STEPS, step=NBUF)
    def _(i):
        for b in range(NBUF):
            j = i + b
            gwait(j, b)
            pltpu.sync_copy(rows.at[b], agg_sh.at[dstv.at[j]], add=True)
            if with_deg:
                @pl.when(b % 2 == cid)
                def _():
                    @pl.when(i > 0)
                    def _():
                        dwait(i - NBUF + b, b)
                    dstart(j, b)
            nxt = j + NBUF

            @pl.when(nxt < STEPS)
            def _():
                gstart(nxt, b)

    if with_deg:
        for b in range(NBUF):
            @pl.when(b % 2 == cid)
            def _():
                dwait(STEPS - NBUF + b, b)

    plsc.subcore_barrier()
    pltpu.sync_copy(agg_sh.at[pl.ds(sid * RPT, RPT)],
                    out_hbm.at[cid].at[pl.ds(sid * RPT, RPT)])
    if with_deg:
        pltpu.sync_copy(deg_sh.at[pl.ds(sid * RPT, RPT)],
                        deg_hbm.at[cid].at[pl.ds(sid * RPT, RPT)])


def _make_sc_agg(with_deg):
    out_type = [jax.ShapeDtypeStruct((NC, NT, DH), jnp.float32)]
    if with_deg:
        out_type.append(jax.ShapeDtypeStruct((NC, NT, 16), jnp.float32))
    scratch = [
        pltpu.VMEM((STEPS, C), jnp.int32),
        pltpu.VMEM((STEPS, C), jnp.int32),
        pltpu.VMEM((NBUF, C, DH), jnp.float32),
        pltpu.VMEM((C, 16), jnp.float32),
        pltpu.VMEM_SHARED((NT, DH), jnp.float32),
        pltpu.VMEM_SHARED((NT, 16), jnp.float32),
        pltpu.SemaphoreType.DMA((NBUF,)),
        pltpu.SemaphoreType.DMA((NBUF,)),
        pltpu.SemaphoreType.DMA((NBUF,)),
    ]

    cp = pltpu.CompilerParams(use_tc_tiling_on_sc=False)
    if with_deg:
        @functools.partial(pl.kernel, out_type=out_type, mesh=_MESH,
                           scratch_types=scratch, compiler_params=cp)
        def sc_agg(x1, x2, src_hbm, dst_hbm, z64, z16, ones_hbm,
                   out_hbm, deg_hbm, srcv, dstv, rows, onesv, agg_sh, deg_sh,
                   gsem, ssem, dsem):
            _sc_agg_body(True, x1, x2, src_hbm, dst_hbm, z64, z16,
                         ones_hbm, out_hbm, deg_hbm, srcv, dstv, rows, onesv,
                         agg_sh, deg_sh, gsem, ssem, dsem)
    else:
        @functools.partial(pl.kernel, out_type=out_type, mesh=_MESH,
                           scratch_types=scratch, compiler_params=cp)
        def sc_agg(x1, x2, src_hbm, dst_hbm, z64, z16, ones_hbm,
                   out_hbm, srcv, dstv, rows, onesv, agg_sh, deg_sh, gsem,
                   ssem, dsem):
            _sc_agg_body(False, x1, x2, src_hbm, dst_hbm, z64, z16,
                         ones_hbm, out_hbm, None, srcv, dstv, rows, onesv,
                         agg_sh, deg_sh, gsem, ssem, dsem)
    return sc_agg


_sc_agg_deg = _make_sc_agg(True)
_sc_agg_nodeg = _make_sc_agg(False)

BN = 10000


def _tc_layer_kernel(p_ref, deg_ref, xa_ref, xb_ref, wl_ref, wr_ref, b_ref,
                     *out_refs, act, split):
    agg = jnp.concatenate([p_ref[0], p_ref[1]], axis=1)
    deg = deg_ref[0, :, 0] + deg_ref[1, :, 0]
    inv = 1.0 / jnp.maximum(deg, 1.0)
    agg = agg * inv[:, None]
    x = jnp.concatenate([xa_ref[...], xb_ref[...]], axis=1)
    h = (jnp.dot(agg, wl_ref[...].T, preferred_element_type=jnp.float32)
         + jnp.dot(x, wr_ref[...].T, preferred_element_type=jnp.float32)
         + b_ref[...])
    if act == "relu":
        h = jnp.maximum(h, 0.0)
    else:
        m = jnp.max(h, axis=1, keepdims=True)
        s = h - m
        lse = jnp.log(jnp.sum(jnp.exp(s), axis=1, keepdims=True))
        h = s - lse
    if split:
        out_refs[0][...] = h[:, :DH]
        out_refs[1][...] = h[:, DH:]
    else:
        out_refs[0][...] = h


def _tc_layer(p, deg, xa, xb, wl, wr, b, act, split):
    if split:
        out_shape = [jax.ShapeDtypeStruct((N, DH), jnp.float32)] * 2
        out_specs = [pl.BlockSpec((BN, DH), lambda i: (i, 0))] * 2
    else:
        out_shape = [jax.ShapeDtypeStruct((N, D), jnp.float32)]
        out_specs = [pl.BlockSpec((BN, D), lambda i: (i, 0))]
    return pl.pallas_call(
        functools.partial(_tc_layer_kernel, act=act, split=split),
        grid=(N // BN,),
        in_specs=[
            pl.BlockSpec((NC, BN, DH), lambda i: (0, i, 0)),
            pl.BlockSpec((NC, BN, 16), lambda i: (0, i, 0)),
            pl.BlockSpec((BN, DH), lambda i: (i, 0)),
            pl.BlockSpec((BN, DH), lambda i: (i, 0)),
            pl.BlockSpec((D, D), lambda i: (0, 0)),
            pl.BlockSpec((D, D), lambda i: (0, 0)),
            pl.BlockSpec((1, D), lambda i: (0, 0)),
        ],
        out_specs=out_specs,
        out_shape=out_shape,
    )(p, deg, xa, xb, wl, wr, b)


def kernel(x, edge_index, W1_l, W1_r, b1, W2_l, W2_r, b2):
    pad = E_PAD - E
    pad_src = (jnp.arange(pad, dtype=jnp.int32) * 97) % N
    pad_dst = N + (jnp.arange(pad, dtype=jnp.int32) % TRASH)
    src = jnp.concatenate([edge_index[0], pad_src]).reshape(E_PAD // C, C)
    dst = jnp.concatenate([edge_index[1], pad_dst]).reshape(E_PAD // C, C)
    z64 = jnp.zeros((NT, DH), jnp.float32)
    z16 = jnp.zeros((NT, 16), jnp.float32)
    ones = jnp.ones((C, 16), jnp.float32)

    x1 = x[:, :DH]
    x2 = x[:, DH:]
    p1, deg = _sc_agg_deg(x1, x2, src, dst, z64, z16, ones)
    h1, h2 = _tc_layer(p1, deg, x1, x2, W1_l, W1_r, b1.reshape(1, D),
                       "relu", True)
    (p2,) = _sc_agg_nodeg(h1, h2, src, dst, z64, z16, ones)
    (out,) = _tc_layer(p2, deg, h1, h2, W2_l, W2_r, b2.reshape(1, D),
                       "log_softmax", False)
    return out

# --- scband reference (transcript-rebuilt; emitter-appended) ---
"""Pipeline reference for scband-graph-sage-21311627723552 (READ-ONLY COPY).

The authoritative reference and input builder live on the scoring server;
editing this copy changes nothing except your own understanding.
"""

import jax, jax.numpy as jnp
import numpy as np

N = 10000
E = 320000
D_IN = 128
D_HID = 128
D_OUT = 128


def _glorot(key, shape):
    fan_in = shape[1]
    return jax.random.normal(key, shape, dtype=jnp.float32) * (1.0 / np.sqrt(fan_in))


def setup_inputs(seed: int = 0) -> dict:
    key = jax.random.key(seed)
    ks = jax.random.split(key, 8)
    x = jax.random.normal(ks[0], (N, D_IN), dtype=jnp.float32)
    edge_index = jax.random.randint(ks[1], (2, E), 0, N).astype(jnp.int32)
    W1_l = _glorot(ks[2], (D_HID, D_IN))
    W1_r = _glorot(ks[3], (D_HID, D_IN))
    b1 = jnp.zeros((D_HID,), dtype=jnp.float32)
    W2_l = _glorot(ks[4], (D_OUT, D_HID))
    W2_r = _glorot(ks[5], (D_OUT, D_HID))
    b2 = jnp.zeros((D_OUT,), dtype=jnp.float32)
    return {"x": x, "edge_index": edge_index, "W1_l": W1_l, "W1_r": W1_r, "b1": b1, "W2_l": W2_l, "W2_r": W2_r, "b2": b2}


def _sage_conv(x, edge_index, W_l, W_r, b):
    # PyG SAGEConv with mean aggregation:
    # out = W_l @ mean_{j in N(i)} x_j + W_r @ x_i + b
    n = x.shape[0]
    src = edge_index[0]
    dst = edge_index[1]
    msg = jnp.take(x, src, axis=0)                      # gather [E, d]
    agg = jax.ops.segment_sum(msg, dst, num_segments=n)  # scatter-add [N, d]
    deg = jax.ops.segment_sum(jnp.ones((src.shape[0],), dtype=x.dtype), dst, num_segments=n)
    agg = agg / jnp.maximum(deg, 1.0)[:, None]
    return agg @ W_l.T + x @ W_r.T + b


def reference(x, edge_index, W1_l, W1_r, b1, W2_l, W2_r, b2):
    h = _sage_conv(x, edge_index, W1_l, W1_r, b1)
    h = jax.nn.relu(h)
    # dropout p=0.5 evaluated in inference mode (identity) for determinism
    h = _sage_conv(h, edge_index, W2_l, W2_r, b2)
    return jax.nn.log_softmax(h, axis=1)

if __name__ == "__main__":
    import jax
    _d = setup_inputs()
    print(jax.jit(kernel)(*tuple(_d.values())))

</pallas_src>

<mosaic_0001>
#map = affine_map<(d0, d1) -> (0, 0)>
#map1 = affine_map<(d0, d1) -> (0, 0, 0)>
module attributes {stable_mosaic.version = 14 : i64} {
  func.func @sc_agg(%arg0: i32, %arg1: i32, %arg2: memref<10000x64xf32, #tpu.memory_space<hbm>>, %arg3: memref<10000x64xf32, #tpu.memory_space<hbm>>, %arg4: memref<2560x128xi32, #tpu.memory_space<hbm>>, %arg5: memref<2560x128xi32, #tpu.memory_space<hbm>>, %arg6: memref<10112x64xf32, #tpu.memory_space<hbm>>, %arg7: memref<10112x16xf32, #tpu.memory_space<hbm>>, %arg8: memref<128x16xf32, #tpu.memory_space<hbm>>, %arg9: memref<2x10112x64xf32, #tpu.memory_space<hbm>>, %arg10: memref<160x128xi32, #tpu.memory_space<vmem>>, %arg11: memref<160x128xi32, #tpu.memory_space<vmem>>, %arg12: memref<4x128x64xf32, #tpu.memory_space<vmem>>, %arg13: memref<128x16xf32, #tpu.memory_space<vmem>>, %arg14: memref<10112x64xf32, #tpu.memory_space<vmem_shared>>, %arg15: memref<10112x16xf32, #tpu.memory_space<vmem_shared>>, %arg16: memref<4x!tpu.dma_semaphore, #tpu.memory_space<semaphore_mem>>, %arg17: memref<4x!tpu.dma_semaphore, #tpu.memory_space<semaphore_mem>>, %arg18: memref<4x!tpu.dma_semaphore, #tpu.memory_space<semaphore_mem>>) attributes {dimension_semantics = [#tpu.dimension_semantics<core_parallel>, #tpu.dimension_semantics<subcore_parallel>], iteration_bounds = array<i64: 2, 16>, scalar_prefetch = 0 : i64, scratch_operands = 9 : i64, tpu.core_type = #tpu.core_type<sc_vector_subcore>, window_params = [{transform_indices = #map}, {transform_indices = #map}, {transform_indices = #map}, {transform_indices = #map}, {transform_indices = #map}, {transform_indices = #map}, {transform_indices = #map}, {transform_indices = #map1}]} {
    %mul3A = arith.constant 160 : i32
    %mul3A_0 = arith.muli %arg1, %mul3A : i32
    "tpu.region"() ({
      %run_scoped3A = tpu.sem_alloc : memref<!tpu.dma_semaphore, #tpu.memory_space<semaphore_mem>>
      %dma_start3A = arith.constant 0 : i32
      %dma_start3A_53 = tpu.memref_slice %arg4[%mul3A_0, %dma_start3A] : memref<2560x128xi32, #tpu.memory_space<hbm>> -> memref<160x128xi32, #tpu.memory_space<hbm>>
      %dma_start3A_54 = arith.constant 0 : i32
      %dma_start3A_55 = tpu.memref_slice %arg4[%mul3A_0, %dma_start3A_54] : memref<2560x128xi32, #tpu.memory_space<hbm>> -> memref<160x128xi32, #tpu.memory_space<hbm>>
      tpu.enqueue_dma source(%dma_start3A_55 : memref<160x128xi32, #tpu.memory_space<hbm>>) target(%arg10 : memref<160x128xi32, #tpu.memory_space<vmem>>) target_semaphore(%run_scoped3A : memref<!tpu.dma_semaphore, #tpu.memory_space<semaphore_mem>>)
      %dma_wait3A = arith.constant 0 : i32
      %dma_wait3A_56 = tpu.memref_slice %arg4[%mul3A_0, %dma_wait3A] : memref<2560x128xi32, #tpu.memory_space<hbm>> -> memref<160x128xi32, #tpu.memory_space<hbm>>
      %dma_wait3A_57 = arith.constant 0 : i32
      %dma_wait3A_58 = tpu.memref_slice %arg4[%mul3A_0, %dma_wait3A_57] : memref<2560x128xi32, #tpu.memory_space<hbm>> -> memref<160x128xi32, #tpu.memory_space<hbm>>
      tpu.wait_dma2 semaphore(%run_scoped3A : memref<!tpu.dma_semaphore, #tpu.memory_space<semaphore_mem>>) src(%dma_wait3A_58 : memref<160x128xi32, #tpu.memory_space<hbm>>) dst(%arg10 : memref<160x128xi32, #tpu.memory_space<vmem>>)
      tpu.yield
    }) : () -> ()
    %mul3A_1 = arith.constant 160 : i32
    %mul3A_2 = arith.muli %arg1, %mul3A_1 : i32
    "tpu.region"() ({
      %run_scoped3A = tpu.sem_alloc : memref<!tpu.dma_semaphore, #tpu.memory_space<semaphore_mem>>
      %dma_start3A = arith.constant 0 : i32
      %dma_start3A_53 = tpu.memref_slice %arg5[%mul3A_2, %dma_start3A] : memref<2560x128xi32, #tpu.memory_space<hbm>> -> memref<160x128xi32, #tpu.memory_space<hbm>>
      %dma_start3A_54 = arith.constant 0 : i32
      %dma_start3A_55 = tpu.memref_slice %arg5[%mul3A_2, %dma_start3A_54] : memref<2560x128xi32, #tpu.memory_space<hbm>> -> memref<160x128xi32, #tpu.memory_space<hbm>>
      tpu.enqueue_dma source(%dma_start3A_55 : memref<160x128xi32, #tpu.memory_space<hbm>>) target(%arg11 : memref<160x128xi32, #tpu.memory_space<vmem>>) target_semaphore(%run_scoped3A : memref<!tpu.dma_semaphore, #tpu.memory_space<semaphore_mem>>)
      %dma_wait3A = arith.constant 0 : i32
      %dma_wait3A_56 = tpu.memref_slice %arg5[%mul3A_2, %dma_wait3A] : memref<2560x128xi32, #tpu.memory_space<hbm>> -> memref<160x128xi32, #tpu.memory_space<hbm>>
      %dma_wait3A_57 = arith.constant 0 : i32
      %dma_wait3A_58 = tpu.memref_slice %arg5[%mul3A_2, %dma_wait3A_57] : memref<2560x128xi32, #tpu.memory_space<hbm>> -> memref<160x128xi32, #tpu.memory_space<hbm>>
      tpu.wait_dma2 semaphore(%run_scoped3A : memref<!tpu.dma_semaphore, #tpu.memory_space<semaphore_mem>>) src(%dma_wait3A_58 : memref<160x128xi32, #tpu.memory_space<hbm>>) dst(%arg11 : memref<160x128xi32, #tpu.memory_space<vmem>>)
      tpu.yield
    }) : () -> ()
    %mul3A_3 = arith.constant 632 : i32
    %mul3A_4 = arith.muli %arg1, %mul3A_3 : i32
    %mul3A_5 = arith.constant 632 : i32
    %mul3A_6 = arith.muli %arg1, %mul3A_5 : i32
    "tpu.region"() ({
      %run_scoped3A = tpu.sem_alloc : memref<!tpu.dma_semaphore, #tpu.memory_space<semaphore_mem>>
      %dma_start3A = arith.constant 0 : i32
      %dma_start3A_53 = tpu.memref_slice %arg14[%mul3A_6, %dma_start3A] : memref<10112x64xf32, #tpu.memory_space<vmem_shared>> -> memref<632x64xf32, #tpu.memory_space<vmem_shared>>
      %dma_start3A_54 = arith.constant 0 : i32
      %dma_start3A_55 = tpu.memref_slice %arg6[%mul3A_4, %dma_start3A_54] : memref<10112x64xf32, #tpu.memory_space<hbm>> -> memref<632x64xf32, #tpu.memory_space<hbm>>
      tpu.enqueue_dma source(%dma_start3A_55 : memref<632x64xf32, #tpu.memory_space<hbm>>) target(%dma_start3A_53 : memref<632x64xf32, #tpu.memory_space<vmem_shared>>) target_semaphore(%run_scoped3A : memref<!tpu.dma_semaphore, #tpu.memory_space<semaphore_mem>>)
      %dma_wait3A = arith.constant 0 : i32
      %dma_wait3A_56 = tpu.memref_slice %arg14[%mul3A_6, %dma_wait3A] : memref<10112x64xf32, #tpu.memory_space<vmem_shared>> -> memref<632x64xf32, #tpu.memory_space<vmem_shared>>
      %dma_wait3A_57 = arith.constant 0 : i32
      %dma_wait3A_58 = tpu.memref_slice %arg6[%mul3A_4, %dma_wait3A_57] : memref<10112x64xf32, #tpu.memory_space<hbm>> -> memref<632x64xf32, #tpu.memory_space<hbm>>
      tpu.wait_dma2 semaphore(%run_scoped3A : memref<!tpu.dma_semaphore, #tpu.memory_space<semaphore_mem>>) src(%dma_wait3A_58 : memref<632x64xf32, #tpu.memory_space<hbm>>) dst(%dma_wait3A_56 : memref<632x64xf32, #tpu.memory_space<vmem_shared>>)
      tpu.yield
    }) : () -> ()
    %barrier3A = arith.constant 0 : index
    tpu.barrier barrier_id(%barrier3A)
    %eq3A = arith.constant 0 : i32
    %eq3A_7 = arith.cmpi eq, %arg0, %eq3A : i32
    %convert_element_type3A = arith.extui %eq3A_7 : i1 to i32
    %cond3A = arith.constant 0 : i32
    %cond3A_8 = arith.cmpi ne, %convert_element_type3A, %cond3A : i32
    scf.if %cond3A_8 {
      %dma_start3A = arith.constant 0 : i32
      %dma_start3A_53 = arith.constant 0 : i32
      %dma_start3A_54 = arith.constant 0 : i32
      %dma_start3A_55 = arith.constant 0 : i32
      %dma_start3A_56 = arith.constant 0 : i32
      %dma_start3A_57 = tpu.memref_slice %arg12[%dma_start3A_53, %dma_start3A_55, %dma_start3A_56] : memref<4x128x64xf32, #tpu.memory_space<vmem>> -> memref<1x128x64xf32, #tpu.memory_space<vmem>>
      %dma_start3A_58 = tpu.memref_squeeze %dma_start3A_57 : memref<1x128x64xf32, #tpu.memory_space<vmem>> -> memref<128x64xf32, #tpu.memory_space<vmem>>
      %dma_start3A_59 = arith.constant 0 : i32
      %dma_start3A_60 = tpu.memref_slice %arg10[%dma_start3A, %dma_start3A_59] : memref<160x128xi32, #tpu.memory_space<vmem>> -> memref<1x128xi32, #tpu.memory_space<vmem>>
      %dma_start3A_61 = tpu.memref_squeeze %dma_start3A_60 : memref<1x128xi32, #tpu.memory_space<vmem>> -> memref<128xi32, #tpu.memory_space<vmem>>
      %dma_start3A_62 = arith.constant 0 : i32
      %dma_start3A_63 = arith.constant 0 : i32
      %dma_start3A_64 = tpu.memref_slice %arg2[%dma_start3A_62, %dma_start3A_63] : memref<10000x64xf32, #tpu.memory_space<hbm>> -> memref<10000x64xf32, #tpu.memory_space<hbm>>
      %dma_start3A_65 = tpu.memref_slice %arg16[%dma_start3A_54] : memref<4x!tpu.dma_semaphore, #tpu.memory_space<semaphore_mem>> -> memref<1x!tpu.dma_semaphore, #tpu.memory_space<semaphore_mem>>
      %dma_start3A_66 = tpu.memref_squeeze %dma_start3A_65 : memref<1x!tpu.dma_semaphore, #tpu.memory_space<semaphore_mem>> -> memref<!tpu.dma_semaphore, #tpu.memory_space<semaphore_mem>>
      tpu.enqueue_indirect_dma source(%dma_start3A_64 : memref<10000x64xf32, #tpu.memory_space<hbm>>) target(%dma_start3A_58 : memref<128x64xf32, #tpu.memory_space<vmem>>) offsets(%dma_start3A_61 : memref<128xi32, #tpu.memory_space<vmem>>) semaphore(%dma_start3A_66 : memref<!tpu.dma_semaphore, #tpu.memory_space<semaphore_mem>>)
    } else {
    }
    %eq3A_9 = arith.constant 1 : i32
    %eq3A_10 = arith.cmpi eq, %arg0, %eq3A_9 : i32
    %convert_element_type3A_11 = arith.extui %eq3A_10 : i1 to i32
    %cond3A_12 = arith.constant 0 : i32
    %cond3A_13 = arith.cmpi ne, %convert_element_type3A_11, %cond3A_12 : i32
    scf.if %cond3A_13 {
      %dma_start3A = arith.constant 0 : i32
      %dma_start3A_53 = arith.constant 0 : i32
      %dma_start3A_54 = arith.constant 0 : i32
      %dma_start3A_55 = arith.constant 0 : i32
      %dma_start3A_56 = arith.constant 0 : i32
      %dma_start3A_57 = tpu.memref_slice %arg12[%dma_start3A_53, %dma_start3A_55, %dma_start3A_56] : memref<4x128x64xf32, #tpu.memory_space<vmem>> -> memref<1x128x64xf32, #tpu.memory_space<vmem>>
      %dma_start3A_58 = tpu.memref_squeeze %dma_start3A_57 : memref<1x128x64xf32, #tpu.memory_space<vmem>> -> memref<128x64xf32, #tpu.memory_space<vmem>>
      %dma_start3A_59 = arith.constant 0 : i32
      %dma_start3A_60 = tpu.memref_slice %arg10[%dma_start3A, %dma_start3A_59] : memref<160x128xi32, #tpu.memory_space<vmem>> -> memref<1x128xi32, #tpu.memory_space<vmem>>
      %dma_start3A_61 = tpu.memref_squeeze %dma_start3A_60 : memref<1x128xi32, #tpu.memory_space<vmem>> -> memref<128xi32, #tpu.memory_space<vmem>>
      %dma_start3A_62 = arith.constant 0 : i32
      %dma_start3A_63 = arith.constant 0 : i32
      %dma_start3A_64 = tpu.memref_slice %arg3[%dma_start3A_62, %dma_start3A_63] : memref<10000x64xf32, #tpu.memory_space<hbm>> -> memref<10000x64xf32, #tpu.memory_space<hbm>>
      %dma_start3A_65 = tpu.memref_slice %arg16[%dma_start3A_54] : memref<4x!tpu.dma_semaphore, #tpu.memory_space<semaphore_mem>> -> memref<1x!tpu.dma_semaphore, #tpu.memory_space<semaphore_mem>>
      %dma_start3A_66 = tpu.memref_squeeze %dma_start3A_65 : memref<1x!tpu.dma_semaphore, #tpu.memory_space<semaphore_mem>> -> memref<!tpu.dma_semaphore, #tpu.memory_space<semaphore_mem>>
      tpu.enqueue_indirect_dma source(%dma_start3A_64 : memref<10000x64xf32, #tpu.memory_space<hbm>>) target(%dma_start3A_58 : memref<128x64xf32, #tpu.memory_space<vmem>>) offsets(%dma_start3A_61 : memref<128xi32, #tpu.memory_space<vmem>>) semaphore(%dma_start3A_66 : memref<!tpu.dma_semaphore, #tpu.memory_space<semaphore_mem>>)
    } else {
    }
    %eq3A_14 = arith.constant 0 : i32
    %eq3A_15 = arith.cmpi eq, %arg0, %eq3A_14 : i32
    %convert_element_type3A_16 = arith.extui %eq3A_15 : i1 to i32
    %cond3A_17 = arith.constant 0 : i32
    %cond3A_18 = arith.cmpi ne, %convert_element_type3A_16, %cond3A_17 : i32
    scf.if %cond3A_18 {
      %dma_start3A = arith.constant 1 : i32
      %dma_start3A_53 = arith.constant 1 : i32
      %dma_start3A_54 = arith.constant 1 : i32
      %dma_start3A_55 = arith.constant 0 : i32
      %dma_start3A_56 = arith.constant 0 : i32
      %dma_start3A_57 = tpu.memref_slice %arg12[%dma_start3A_53, %dma_start3A_55, %dma_start3A_56] : memref<4x128x64xf32, #tpu.memory_space<vmem>> -> memref<1x128x64xf32, #tpu.memory_space<vmem>>
      %dma_start3A_58 = tpu.memref_squeeze %dma_start3A_57 : memref<1x128x64xf32, #tpu.memory_space<vmem>> -> memref<128x64xf32, #tpu.memory_space<vmem>>
      %dma_start3A_59 = arith.constant 0 : i32
      %dma_start3A_60 = tpu.memref_slice %arg10[%dma_start3A, %dma_start3A_59] : memref<160x128xi32, #tpu.memory_space<vmem>> -> memref<1x128xi32, #tpu.memory_space<vmem>>
      %dma_start3A_61 = tpu.memref_squeeze %dma_start3A_60 : memref<1x128xi32, #tpu.memory_space<vmem>> -> memref<128xi32, #tpu.memory_space<vmem>>
      %dma_start3A_62 = arith.constant 0 : i32
      %dma_start3A_63 = arith.constant 0 : i32
      %dma_start3A_64 = tpu.memref_slice %arg2[%dma_start3A_62, %dma_start3A_63] : memref<10000x64xf32, #tpu.memory_space<hbm>> -> memref<10000x64xf32, #tpu.memory_space<hbm>>
      %dma_start3A_65 = tpu.memref_slice %arg16[%dma_start3A_54] : memref<4x!tpu.dma_semaphore, #tpu.memory_space<semaphore_mem>> -> memref<1x!tpu.dma_semaphore, #tpu.memory_space<semaphore_mem>>
      %dma_start3A_66 = tpu.memref_squeeze %dma_start3A_65 : memref<1x!tpu.dma_semaphore, #tpu.memory_space<semaphore_mem>> -> memref<!tpu.dma_semaphore, #tpu.memory_space<semaphore_mem>>
      tpu.enqueue_indirect_dma source(%dma_start3A_64 : memref<10000x64xf32, #tpu.memory_space<hbm>>) target(%dma_start3A_58 : memref<128x64xf32, #tpu.memory_space<vmem>>) offsets(%dma_start3A_61 : memref<128xi32, #tpu.memory_space<vmem>>) semaphore(%dma_start3A_66 : memref<!tpu.dma_semaphore, #tpu.memory_space<semaphore_mem>>)
    } else {
    }
    %eq3A_19 = arith.constant 1 : i32
    %eq3A_20 = arith.cmpi eq, %arg0, %eq3A_19 : i32
    %convert_element_type3A_21 = arith.extui %eq3A_20 : i1 to i32
    %cond3A_22 = arith.constant 0 : i32
    %cond3A_23 = arith.cmpi ne, %convert_element_type3A_21, %cond3A_22 : i32
    scf.if %cond3A_23 {
      %dma_start3A = arith.constant 1 : i32
      %dma_start3A_53 = arith.constant 1 : i32
      %dma_start3A_54 = arith.constant 1 : i32
      %dma_start3A_55 = arith.constant 0 : i32
      %dma_start3A_56 = arith.constant 0 : i32
      %dma_start3A_57 = tpu.memref_slice %arg12[%dma_start3A_53, %dma_start3A_55, %dma_start3A_56] : memref<4x128x64xf32, #tpu.memory_space<vmem>> -> memref<1x128x64xf32, #tpu.memory_space<vmem>>
      %dma_start3A_58 = tpu.memref_squeeze %dma_start3A_57 : memref<1x128x64xf32, #tpu.memory_space<vmem>> -> memref<128x64xf32, #tpu.memory_space<vmem>>
      %dma_start3A_59 = arith.constant 0 : i32
      %dma_start3A_60 = tpu.memref_slice %arg10[%dma_start3A, %dma_start3A_59] : memref<160x128xi32, #tpu.memory_space<vmem>> -> memref<1x128xi32, #tpu.memory_space<vmem>>
      %dma_start3A_61 = tpu.memref_squeeze %dma_start3A_60 : memref<1x128xi32, #tpu.memory_space<vmem>> -> memref<128xi32, #tpu.memory_space<vmem>>
      %dma_start3A_62 = arith.constant 0 : i32
      %dma_start3A_63 = arith.constant 0 : i32
      %dma_start3A_64 = tpu.memref_slice %arg3[%dma_start3A_62, %dma_start3A_63] : memref<10000x64xf32, #tpu.memory_space<hbm>> -> memref<10000x64xf32, #tpu.memory_space<hbm>>
      %dma_start3A_65 = tpu.memref_slice %arg16[%dma_start3A_54] : memref<4x!tpu.dma_semaphore, #tpu.memory_space<semaphore_mem>> -> memref<1x!tpu.dma_semaphore, #tpu.memory_space<semaphore_mem>>
      %dma_start3A_66 = tpu.memref_squeeze %dma_start3A_65 : memref<1x!tpu.dma_semaphore, #tpu.memory_space<semaphore_mem>> -> memref<!tpu.dma_semaphore, #tpu.memory_space<semaphore_mem>>
      tpu.enqueue_indirect_dma source(%dma_start3A_64 : memref<10000x64xf32, #tpu.memory_space<hbm>>) target(%dma_start3A_58 : memref<128x64xf32, #tpu.memory_space<vmem>>) offsets(%dma_start3A_61 : memref<128xi32, #tpu.memory_space<vmem>>) semaphore(%dma_start3A_66 : memref<!tpu.dma_semaphore, #tpu.memory_space<semaphore_mem>>)
    } else {
    }
    %eq3A_24 = arith.constant 0 : i32
    %eq3A_25 = arith.cmpi eq, %arg0, %eq3A_24 : i32
    %convert_element_type3A_26 = arith.extui %eq3A_25 : i1 to i32
    %cond3A_27 = arith.constant 0 : i32
    %cond3A_28 = arith.cmpi ne, %convert_element_type3A_26, %cond3A_27 : i32
    scf.if %cond3A_28 {
      %dma_start3A = arith.constant 2 : i32
      %dma_start3A_53 = arith.constant 2 : i32
      %dma_start3A_54 = arith.constant 2 : i32
      %dma_start3A_55 = arith.constant 0 : i32
      %dma_start3A_56 = arith.constant 0 : i32
      %dma_start3A_57 = tpu.memref_slice %arg12[%dma_start3A_53, %dma_start3A_55, %dma_start3A_56] : memref<4x128x64xf32, #tpu.memory_space<vmem>> -> memref<1x128x64xf32, #tpu.memory_space<vmem>>
      %dma_start3A_58 = tpu.memref_squeeze %dma_start3A_57 : memref<1x128x64xf32, #tpu.memory_space<vmem>> -> memref<128x64xf32, #tpu.memory_space<vmem>>
      %dma_start3A_59 = arith.constant 0 : i32
      %dma_start3A_60 = tpu.memref_slice %arg10[%dma_start3A, %dma_start3A_59] : memref<160x128xi32, #tpu.memory_space<vmem>> -> memref<1x128xi32, #tpu.memory_space<vmem>>
      %dma_start3A_61 = tpu.memref_squeeze %dma_start3A_60 : memref<1x128xi32, #tpu.memory_space<vmem>> -> memref<128xi32, #tpu.memory_space<vmem>>
      %dma_start3A_62 = arith.constant 0 : i32
      %dma_start3A_63 = arith.constant 0 : i32
      %dma_start3A_64 = tpu.memref_slice %arg2[%dma_start3A_62, %dma_start3A_63] : memref<10000x64xf32, #tpu.memory_space<hbm>> -> memref<10000x64xf32, #tpu.memory_space<hbm>>
      %dma_start3A_65 = tpu.memref_slice %arg16[%dma_start3A_54] : memref<4x!tpu.dma_semaphore, #tpu.memory_space<semaphore_mem>> -> memref<1x!tpu.dma_semaphore, #tpu.memory_space<semaphore_mem>>
      %dma_start3A_66 = tpu.memref_squeeze %dma_start3A_65 : memref<1x!tpu.dma_semaphore, #tpu.memory_space<semaphore_mem>> -> memref<!tpu.dma_semaphore, #tpu.memory_space<semaphore_mem>>
      tpu.enqueue_indirect_dma source(%dma_start3A_64 : memref<10000x64xf32, #tpu.memory_space<hbm>>) target(%dma_start3A_58 : memref<128x64xf32, #tpu.memory_space<vmem>>) offsets(%dma_start3A_61 : memref<128xi32, #tpu.memory_space<vmem>>) semaphore(%dma_start3A_66 : memref<!tpu.dma_semaphore, #tpu.memory_space<semaphore_mem>>)
    } else {
    }
    %eq3A_29 = arith.constant 1 : i32
    %eq3A_30 = arith.cmpi eq, %arg0, %eq3A_29 : i32
    %convert_element_type3A_31 = arith.extui %eq3A_30 : i1 to i32
    %cond3A_32 = arith.constant 0 : i32
    %cond3A_33 = arith.cmpi ne, %convert_element_type3A_31, %cond3A_32 : i32
    scf.if %cond3A_33 {
      %dma_start3A = arith.constant 2 : i32
      %dma_start3A_53 = arith.constant 2 : i32
      %dma_start3A_54 = arith.constant 2 : i32
      %dma_start3A_55 = arith.constant 0 : i32
      %dma_start3A_56 = arith.constant 0 : i32
      %dma_start3A_57 = tpu.memref_slice %arg12[%dma_start3A_53, %dma_start3A_55, %dma_start3A_56] : memref<4x128x64xf32, #tpu.memory_space<vmem>> -> memref<1x128x64xf32, #tpu.memory_space<vmem>>
      %dma_start3A_58 = tpu.memref_squeeze %dma_start3A_57 : memref<1x128x64xf32, #tpu.memory_space<vmem>> -> memref<128x64xf32, #tpu.memory_space<vmem>>
      %dma_start3A_59 = arith.constant 0 : i32
      %dma_start3A_60 = tpu.memref_slice %arg10[%dma_start3A, %dma_start3A_59] : memref<160x128xi32, #tpu.memory_space<vmem>> -> memref<1x128xi32, #tpu.memory_space<vmem>>
      %dma_start3A_61 = tpu.memref_squeeze %dma_start3A_60 : memref<1x128xi32, #tpu.memory_space<vmem>> -> memref<128xi32, #tpu.memory_space<vmem>>
      %dma_start3A_62 = arith.constant 0 : i32
      %dma_start3A_63 = arith.constant 0 : i32
      %dma_start3A_64 = tpu.memref_slice %arg3[%dma_start3A_62, %dma_start3A_63] : memref<10000x64xf32, #tpu.memory_space<hbm>> -> memref<10000x64xf32, #tpu.memory_space<hbm>>
      %dma_start3A_65 = tpu.memref_slice %arg16[%dma_start3A_54] : memref<4x!tpu.dma_semaphore, #tpu.memory_space<semaphore_mem>> -> memref<1x!tpu.dma_semaphore, #tpu.memory_space<semaphore_mem>>
      %dma_start3A_66 = tpu.memref_squeeze %dma_start3A_65 : memref<1x!tpu.dma_semaphore, #tpu.memory_space<semaphore_mem>> -> memref<!tpu.dma_semaphore, #tpu.memory_space<semaphore_mem>>
      tpu.enqueue_indirect_dma source(%dma_start3A_64 : memref<10000x64xf32, #tpu.memory_space<hbm>>) target(%dma_start3A_58 : memref<128x64xf32, #tpu.memory_space<vmem>>) offsets(%dma_start3A_61 : memref<128xi32, #tpu.memory_space<vmem>>) semaphore(%dma_start3A_66 : memref<!tpu.dma_semaphore, #tpu.memory_space<semaphore_mem>>)
    } else {
    }
    %eq3A_34 = arith.constant 0 : i32
    %eq3A_35 = arith.cmpi eq, %arg0, %eq3A_34 : i32
    %convert_element_type3A_36 = arith.extui %eq3A_35 : i1 to i32
    %cond3A_37 = arith.constant 0 : i32
    %cond3A_38 = arith.cmpi ne, %convert_element_type3A_36, %cond3A_37 : i32
    scf.if %cond3A_38 {
      %dma_start3A = arith.constant 3 : i32
      %dma_start3A_53 = arith.constant 3 : i32
      %dma_start3A_54 = arith.constant 3 : i32
      %dma_start3A_55 = arith.constant 0 : i32
      %dma_start3A_56 = arith.constant 0 : i32
      %dma_start3A_57 = tpu.memref_slice %arg12[%dma_start3A_53, %dma_start3A_55, %dma_start3A_56] : memref<4x128x64xf32, #tpu.memory_space<vmem>> -> memref<1x128x64xf32, #tpu.memory_space<vmem>>
      %dma_start3A_58 = tpu.memref_squeeze %dma_start3A_57 : memref<1x128x64xf32, #tpu.memory_space<vmem>> -> memref<128x64xf32, #tpu.memory_space<vmem>>
      %dma_start3A_59 = arith.constant 0 : i32
      %dma_start3A_60 = tpu.memref_slice %arg10[%dma_start3A, %dma_start3A_59] : memref<160x128xi32, #tpu.memory_space<vmem>> -> memref<1x128xi32, #tpu.memory_space<vmem>>
      %dma_start3A_61 = tpu.memref_squeeze %dma_start3A_60 : memref<1x128xi32, #tpu.memory_space<vmem>> -> memref<128xi32, #tpu.memory_space<vmem>>
      %dma_start3A_62 = arith.constant 0 : i32
      %dma_start3A_63 = arith.constant 0 : i32
      %dma_start3A_64 = tpu.memref_slice %arg2[%dma_start3A_62, %dma_start3A_63] : memref<10000x64xf32, #tpu.memory_space<hbm>> -> memref<10000x64xf32, #tpu.memory_space<hbm>>
      %dma_start3A_65 = tpu.memref_slice %arg16[%dma_start3A_54] : memref<4x!tpu.dma_semaphore, #tpu.memory_space<semaphore_mem>> -> memref<1x!tpu.dma_semaphore, #tpu.memory_space<semaphore_mem>>
      %dma_start3A_66 = tpu.memref_squeeze %dma_start3A_65 : memref<1x!tpu.dma_semaphore, #tpu.memory_space<semaphore_mem>> -> memref<!tpu.dma_semaphore, #tpu.memory_space<semaphore_mem>>
      tpu.enqueue_indirect_dma source(%dma_start3A_64 : memref<10000x64xf32, #tpu.memory_space<hbm>>) target(%dma_start3A_58 : memref<128x64xf32, #tpu.memory_space<vmem>>) offsets(%dma_start3A_61 : memref<128xi32, #tpu.memory_space<vmem>>) semaphore(%dma_start3A_66 : memref<!tpu.dma_semaphore, #tpu.memory_space<semaphore_mem>>)
    } else {
    }
    %eq3A_39 = arith.constant 1 : i32
    %eq3A_40 = arith.cmpi eq, %arg0, %eq3A_39 : i32
    %convert_element_type3A_41 = arith.extui %eq3A_40 : i1 to i32
    %cond3A_42 = arith.constant 0 : i32
    %cond3A_43 = arith.cmpi ne, %convert_element_type3A_41, %cond3A_42 : i32
    scf.if %cond3A_43 {
      %dma_start3A = arith.constant 3 : i32
      %dma_start3A_53 = arith.constant 3 : i32
      %dma_start3A_54 = arith.constant 3 : i32
      %dma_start3A_55 = arith.constant 0 : i32
      %dma_start3A_56 = arith.constant 0 : i32
      %dma_start3A_57 = tpu.memref_slice %arg12[%dma_start3A_53, %dma_start3A_55, %dma_start3A_56] : memref<4x128x64xf32, #tpu.memory_space<vmem>> -> memref<1x128x64xf32, #tpu.memory_space<vmem>>
      %dma_start3A_58 = tpu.memref_squeeze %dma_start3A_57 : memref<1x128x64xf32, #tpu.memory_space<vmem>> -> memref<128x64xf32, #tpu.memory_space<vmem>>
      %dma_start3A_59 = arith.constant 0 : i32
      %dma_start3A_60 = tpu.memref_slice %arg10[%dma_start3A, %dma_start3A_59] : memref<160x128xi32, #tpu.memory_space<vmem>> -> memref<1x128xi32, #tpu.memory_space<vmem>>
      %dma_start3A_61 = tpu.memref_squeeze %dma_start3A_60 : memref<1x128xi32, #tpu.memory_space<vmem>> -> memref<128xi32, #tpu.memory_space<vmem>>
      %dma_start3A_62 = arith.constant 0 : i32
      %dma_start3A_63 = arith.constant 0 : i32
      %dma_start3A_64 = tpu.memref_slice %arg3[%dma_start3A_62, %dma_start3A_63] : memref<10000x64xf32, #tpu.memory_space<hbm>> -> memref<10000x64xf32, #tpu.memory_space<hbm>>
      %dma_start3A_65 = tpu.memref_slice %arg16[%dma_start3A_54] : memref<4x!tpu.dma_semaphore, #tpu.memory_space<semaphore_mem>> -> memref<1x!tpu.dma_semaphore, #tpu.memory_space<semaphore_mem>>
      %dma_start3A_66 = tpu.memref_squeeze %dma_start3A_65 : memref<1x!tpu.dma_semaphore, #tpu.memory_space<semaphore_mem>> -> memref<!tpu.dma_semaphore, #tpu.memory_space<semaphore_mem>>
      tpu.enqueue_indirect_dma source(%dma_start3A_64 : memref<10000x64xf32, #tpu.memory_space<hbm>>) target(%dma_start3A_58 : memref<128x64xf32, #tpu.memory_space<vmem>>) offsets(%dma_start3A_61 : memref<128xi32, #tpu.memory_space<vmem>>) semaphore(%dma_start3A_66 : memref<!tpu.dma_semaphore, #tpu.memory_space<semaphore_mem>>)
    } else {
    }
    %scan3A = arith.constant 0 : i32
    %scan3A_44 = arith.constant 40 : i32
    %scan3A_45 = arith.addi %scan3A, %scan3A_44 : i32
    %scan3A_46 = arith.constant 1 : i32
    scf.for %scan3A_53 = %scan3A to %scan3A_45 step %scan3A_46  : i32 {
      %mul3A_54 = arith.constant 4 : i32
      %mul3A_55 = arith.muli %scan3A_53, %mul3A_54 : i32
      %add3A = arith.constant 0 : i32
      %add3A_56 = arith.addi %add3A, %mul3A_55 : i32
      %add3A_57 = arith.constant 0 : i32
      %add3A_58 = arith.addi %add3A_56, %add3A_57 : i32
      %dma_wait3A = arith.constant 0 : i32
      %dma_wait3A_59 = arith.constant 0 : i32
      %dma_wait3A_60 = arith.constant 0 : i32
      %dma_wait3A_61 = arith.constant 0 : i32
      %dma_wait3A_62 = tpu.memref_slice %arg12[%dma_wait3A, %dma_wait3A_60, %dma_wait3A_61] : memref<4x128x64xf32, #tpu.memory_space<vmem>> -> memref<1x128x64xf32, #tpu.memory_space<vmem>>
      %dma_wait3A_63 = tpu.memref_squeeze %dma_wait3A_62 : memref<1x128x64xf32, #tpu.memory_space<vmem>> -> memref<128x64xf32, #tpu.memory_space<vmem>>
      %dma_wait3A_64 = arith.constant 0 : i32
      %dma_wait3A_65 = tpu.memref_slice %arg10[%add3A_58, %dma_wait3A_64] : memref<160x128xi32, #tpu.memory_space<vmem>> -> memref<1x128xi32, #tpu.memory_space<vmem>>
      %dma_wait3A_66 = tpu.memref_squeeze %dma_wait3A_65 : memref<1x128xi32, #tpu.memory_space<vmem>> -> memref<128xi32, #tpu.memory_space<vmem>>
      %dma_wait3A_67 = arith.constant 0 : i32
      %dma_wait3A_68 = arith.constant 0 : i32
      %dma_wait3A_69 = tpu.memref_slice %arg2[%dma_wait3A_67, %dma_wait3A_68] : memref<10000x64xf32, #tpu.memory_space<hbm>> -> memref<10000x64xf32, #tpu.memory_space<hbm>>
      %dma_wait3A_70 = tpu.memref_slice %arg16[%dma_wait3A_59] : memref<4x!tpu.dma_semaphore, #tpu.memory_space<semaphore_mem>> -> memref<1x!tpu.dma_semaphore, #tpu.memory_space<semaphore_mem>>
      %dma_wait3A_71 = tpu.memref_squeeze %dma_wait3A_70 : memref<1x!tpu.dma_semaphore, #tpu.memory_space<semaphore_mem>> -> memref<!tpu.dma_semaphore, #tpu.memory_space<semaphore_mem>>
      tpu.wait_indirect_dma semaphore(%dma_wait3A_71 : memref<!tpu.dma_semaphore, #tpu.memory_space<semaphore_mem>>) src(%dma_wait3A_69 : memref<10000x64xf32, #tpu.memory_space<hbm>>) dst(%dma_wait3A_63 : memref<128x64xf32, #tpu.memory_space<vmem>>)
      %run_scoped3A = arith.constant 0 : i32
      "tpu.region"() ({
        %run_scoped3A_150 = tpu.sem_alloc : memref<!tpu.dma_semaphore, #tpu.memory_space<semaphore_mem>>
        %dma_start3A = arith.constant 0 : i32
        %dma_start3A_151 = arith.constant 0 : i32
        %dma_start3A_152 = tpu.memref_slice %arg12[%run_scoped3A, %dma_start3A, %dma_start3A_151] : memref<4x128x64xf32, #tpu.memory_space<vmem>> -> memref<1x128x64xf32, #tpu.memory_space<vmem>>
        %dma_start3A_153 = tpu.memref_squeeze %dma_start3A_152 : memref<1x128x64xf32, #tpu.memory_space<vmem>> -> memref<128x64xf32, #tpu.memory_space<vmem>>
        %dma_start3A_154 = arith.constant 0 : i32
        %dma_start3A_155 = tpu.memref_slice %arg11[%add3A_58, %dma_start3A_154] : memref<160x128xi32, #tpu.memory_space<vmem>> -> memref<1x128xi32, #tpu.memory_space<vmem>>
        %dma_start3A_156 = tpu.memref_squeeze %dma_start3A_155 : memref<1x128xi32, #tpu.memory_space<vmem>> -> memref<128xi32, #tpu.memory_space<vmem>>
        %dma_start3A_157 = arith.constant 0 : i32
        %dma_start3A_158 = arith.constant 0 : i32
        %dma_start3A_159 = tpu.memref_slice %arg14[%dma_start3A_157, %dma_start3A_158] : memref<10112x64xf32, #tpu.memory_space<vmem_shared>> -> memref<10112x64xf32, #tpu.memory_space<vmem_shared>>
        tpu.enqueue_indirect_dma source(%dma_start3A_153 : memref<128x64xf32, #tpu.memory_space<vmem>>) target(%dma_start3A_159 : memref<10112x64xf32, #tpu.memory_space<vmem_shared>>) offsets(%dma_start3A_156 : memref<128xi32, #tpu.memory_space<vmem>>) semaphore(%run_scoped3A_150 : memref<!tpu.dma_semaphore, #tpu.memory_space<semaphore_mem>>) {add = true}
        %dma_wait3A_160 = arith.constant 0 : i32
        %dma_wait3A_161 = arith.constant 0 : i32
        %dma_wait3A_162 = tpu.memref_slice %arg12[%run_scoped3A, %dma_wait3A_160, %dma_wait3A_161] : memref<4x128x64xf32, #tpu.memory_space<vmem>> -> memref<1x128x64xf32, #tpu.memory_space<vmem>>
        %dma_wait3A_163 = tpu.memref_squeeze %dma_wait3A_162 : memref<1x128x64xf32, #tpu.memory_space<vmem>> -> memref<128x64xf32, #tpu.memory_space<vmem>>
        %dma_wait3A_164 = arith.constant 0 : i32
        %dma_wait3A_165 = tpu.memref_slice %arg11[%add3A_58, %dma_wait3A_164] : memref<160x128xi32, #tpu.memory_space<vmem>> -> memref<1x128xi32, #tpu.memory_space<vmem>>
        %dma_wait3A_166 = tpu.memref_squeeze %dma_wait3A_165 : memref<1x128xi32, #tpu.memory_space<vmem>> -> memref<128xi32, #tpu.memory_space<vmem>>
        %dma_wait3A_167 = arith.constant 0 : i32
        %dma_wait3A_168 = arith.constant 0 : i32
        %dma_wait3A_169 = tpu.memref_slice %arg14[%dma_wait3A_167, %dma_wait3A_168] : memref<10112x64xf32, #tpu.memory_space<vmem_shared>> -> memref<10112x64xf32, #tpu.memory_space<vmem_shared>>
        tpu.wait_indirect_dma semaphore(%run_scoped3A_150 : memref<!tpu.dma_semaphore, #tpu.memory_space<semaphore_mem>>) src(%dma_wait3A_163 : memref<128x64xf32, #tpu.memory_space<vmem>>) dst(%dma_wait3A_169 : memref<10112x64xf32, #tpu.memory_space<vmem_shared>>)
        tpu.yield
      }) : () -> ()
      %add3A_72 = arith.constant 4 : i32
      %add3A_73 = arith.addi %add3A_58, %add3A_72 : i32
      %lt3A = arith.constant 160 : i32
      %lt3A_74 = arith.cmpi slt, %add3A_73, %lt3A : i32
      %convert_element_type3A_75 = arith.extui %lt3A_74 : i1 to i32
      %cond3A_76 = arith.constant 0 : i32
      %cond3A_77 = arith.cmpi ne, %convert_element_type3A_75, %cond3A_76 : i32
      scf.if %cond3A_77 {
        %eq3A_150 = arith.constant 0 : i32
        %eq3A_151 = arith.cmpi eq, %arg0, %eq3A_150 : i32
        %convert_element_type3A_152 = arith.extui %eq3A_151 : i1 to i32
        %cond3A_153 = arith.constant 0 : i32
        %cond3A_154 = arith.cmpi ne, %convert_element_type3A_152, %cond3A_153 : i32
        scf.if %cond3A_154 {
          %dma_start3A = arith.constant 0 : i32
          %dma_start3A_160 = arith.constant 0 : i32
          %dma_start3A_161 = arith.constant 0 : i32
          %dma_start3A_162 = arith.constant 0 : i32
          %dma_start3A_163 = tpu.memref_slice %arg12[%dma_start3A, %dma_start3A_161, %dma_start3A_162] : memref<4x128x64xf32, #tpu.memory_space<vmem>> -> memref<1x128x64xf32, #tpu.memory_space<vmem>>
          %dma_start3A_164 = tpu.memref_squeeze %dma_start3A_163 : memref<1x128x64xf32, #tpu.memory_space<vmem>> -> memref<128x64xf32, #tpu.memory_space<vmem>>
          %dma_start3A_165 = arith.constant 0 : i32
          %dma_start3A_166 = tpu.memref_slice %arg10[%add3A_73, %dma_start3A_165] : memref<160x128xi32, #tpu.memory_space<vmem>> -> memref<1x128xi32, #tpu.memory_space<vmem>>
          %dma_start3A_167 = tpu.memref_squeeze %dma_start3A_166 : memref<1x128xi32, #tpu.memory_space<vmem>> -> memref<128xi32, #tpu.memory_space<vmem>>
          %dma_start3A_168 = arith.constant 0 : i32
          %dma_start3A_169 = arith.constant 0 : i32
          %dma_start3A_170 = tpu.memref_slice %arg2[%dma_start3A_168, %dma_start3A_169] : memref<10000x64xf32, #tpu.memory_space<hbm>> -> memref<10000x64xf32, #tpu.memory_space<hbm>>
          %dma_start3A_171 = tpu.memref_slice %arg16[%dma_start3A_160] : memref<4x!tpu.dma_semaphore, #tpu.memory_space<semaphore_mem>> -> memref<1x!tpu.dma_semaphore, #tpu.memory_space<semaphore_mem>>
          %dma_start3A_172 = tpu.memref_squeeze %dma_start3A_171 : memref<1x!tpu.dma_semaphore, #tpu.memory_space<semaphore_mem>> -> memref<!tpu.dma_semaphore, #tpu.memory_space<semaphore_mem>>
          tpu.enqueue_indirect_dma source(%dma_start3A_170 : memref<10000x64xf32, #tpu.memory_space<hbm>>) target(%dma_start3A_164 : memref<128x64xf32, #tpu.memory_space<vmem>>) offsets(%dma_start3A_167 : memref<128xi32, #tpu.memory_space<vmem>>) semaphore(%dma_start3A_172 : memref<!tpu.dma_semaphore, #tpu.memory_space<semaphore_mem>>)
        } else {
        }
        %eq3A_155 = arith.constant 1 : i32
        %eq3A_156 = arith.cmpi eq, %arg0, %eq3A_155 : i32
        %convert_element_type3A_157 = arith.extui %eq3A_156 : i1 to i32
        %cond3A_158 = arith.constant 0 : i32
        %cond3A_159 = arith.cmpi ne, %convert_element_type3A_157, %cond3A_158 : i32
        scf.if %cond3A_159 {
          %dma_start3A = arith.constant 0 : i32
          %dma_start3A_160 = arith.constant 0 : i32
          %dma_start3A_161 = arith.constant 0 : i32
          %dma_start3A_162 = arith.constant 0 : i32
          %dma_start3A_163 = tpu.memref_slice %arg12[%dma_start3A, %dma_start3A_161, %dma_start3A_162] : memref<4x128x64xf32, #tpu.memory_space<vmem>> -> memref<1x128x64xf32, #tpu.memory_space<vmem>>
          %dma_start3A_164 = tpu.memref_squeeze %dma_start3A_163 : memref<1x128x64xf32, #tpu.memory_space<vmem>> -> memref<128x64xf32, #tpu.memory_space<vmem>>
          %dma_start3A_165 = arith.constant 0 : i32
          %dma_start3A_166 = tpu.memref_slice %arg10[%add3A_73, %dma_start3A_165] : memref<160x128xi32, #tpu.memory_space<vmem>> -> memref<1x128xi32, #tpu.memory_space<vmem>>
          %dma_start3A_167 = tpu.memref_squeeze %dma_start3A_166 : memref<1x128xi32, #tpu.memory_space<vmem>> -> memref<128xi32, #tpu.memory_space<vmem>>
          %dma_start3A_168 = arith.constant 0 : i32
          %dma_start3A_169 = arith.constant 0 : i32
          %dma_start3A_170 = tpu.memref_slice %arg3[%dma_start3A_168, %dma_start3A_169] : memref<10000x64xf32, #tpu.memory_space<hbm>> -> memref<10000x64xf32, #tpu.memory_space<hbm>>
          %dma_start3A_171 = tpu.memref_slice %arg16[%dma_start3A_160] : memref<4x!tpu.dma_semaphore, #tpu.memory_space<semaphore_mem>> -> memref<1x!tpu.dma_semaphore, #tpu.memory_space<semaphore_mem>>
          %dma_start3A_172 = tpu.memref_squeeze %dma_start3A_171 : memref<1x!tpu.dma_semaphore, #tpu.memory_space<semaphore_mem>> -> memref<!tpu.dma_semaphore, #tpu.memory_space<semaphore_mem>>
          tpu.enqueue_indirect_dma source(%dma_start3A_170 : memref<10000x64xf32, #tpu.memory_space<hbm>>) target(%dma_start3A_164 : memref<128x64xf32, #tpu.memory_space<vmem>>) offsets(%dma_start3A_167 : memref<128xi32, #tpu.memory_space<vmem>>) semaphore(%dma_start3A_172 : memref<!tpu.dma_semaphore, #tpu.memory_space<semaphore_mem>>)
        } else {
        }
      } else {
      }
      %add3A_78 = arith.constant 1 : i32
      %add3A_79 = arith.addi %add3A_56, %add3A_78 : i32
      %dma_wait3A_80 = arith.constant 1 : i32
      %dma_wait3A_81 = arith.constant 1 : i32
      %dma_wait3A_82 = arith.constant 0 : i32
      %dma_wait3A_83 = arith.constant 0 : i32
      %dma_wait3A_84 = tpu.memref_slice %arg12[%dma_wait3A_80, %dma_wait3A_82, %dma_wait3A_83] : memref<4x128x64xf32, #tpu.memory_space<vmem>> -> memref<1x128x64xf32, #tpu.memory_space<vmem>>
      %dma_wait3A_85 = tpu.memref_squeeze %dma_wait3A_84 : memref<1x128x64xf32, #tpu.memory_space<vmem>> -> memref<128x64xf32, #tpu.memory_space<vmem>>
      %dma_wait3A_86 = arith.constant 0 : i32
      %dma_wait3A_87 = tpu.memref_slice %arg10[%add3A_79, %dma_wait3A_86] : memref<160x128xi32, #tpu.memory_space<vmem>> -> memref<1x128xi32, #tpu.memory_space<vmem>>
      %dma_wait3A_88 = tpu.memref_squeeze %dma_wait3A_87 : memref<1x128xi32, #tpu.memory_space<vmem>> -> memref<128xi32, #tpu.memory_space<vmem>>
      %dma_wait3A_89 = arith.constant 0 : i32
      %dma_wait3A_90 = arith.constant 0 : i32
      %dma_wait3A_91 = tpu.memref_slice %arg2[%dma_wait3A_89, %dma_wait3A_90] : memref<10000x64xf32, #tpu.memory_space<hbm>> -> memref<10000x64xf32, #tpu.memory_space<hbm>>
      %dma_wait3A_92 = tpu.memref_slice %arg16[%dma_wait3A_81] : memref<4x!tpu.dma_semaphore, #tpu.memory_space<semaphore_mem>> -> memref<1x!tpu.dma_semaphore, #tpu.memory_space<semaphore_mem>>
      %dma_wait3A_93 = tpu.memref_squeeze %dma_wait3A_92 : memref<1x!tpu.dma_semaphore, #tpu.memory_space<semaphore_mem>> -> memref<!tpu.dma_semaphore, #tpu.memory_space<semaphore_mem>>
      tpu.wait_indirect_dma semaphore(%dma_wait3A_93 : memref<!tpu.dma_semaphore, #tpu.memory_space<semaphore_mem>>) src(%dma_wait3A_91 : memref<10000x64xf32, #tpu.memory_space<hbm>>) dst(%dma_wait3A_85 : memref<128x64xf32, #tpu.memory_space<vmem>>)
      %run_scoped3A_94 = arith.constant 1 : i32
      "tpu.region"() ({
        %run_scoped3A_150 = tpu.sem_alloc : memref<!tpu.dma_semaphore, #tpu.memory_space<semaphore_mem>>
        %dma_start3A = arith.constant 0 : i32
        %dma_start3A_151 = arith.constant 0 : i32
        %dma_start3A_152 = tpu.memref_slice %arg12[%run_scoped3A_94, %dma_start3A, %dma_start3A_151] : memref<4x128x64xf32, #tpu.memory_space<vmem>> -> memref<1x128x64xf32, #tpu.memory_space<vmem>>
        %dma_start3A_153 = tpu.memref_squeeze %dma_start3A_152 : memref<1x128x64xf32, #tpu.memory_space<vmem>> -> memref<128x64xf32, #tpu.memory_space<vmem>>
        %dma_start3A_154 = arith.constant 0 : i32
        %dma_start3A_155 = tpu.memref_slice %arg11[%add3A_79, %dma_start3A_154] : memref<160x128xi32, #tpu.memory_space<vmem>> -> memref<1x128xi32, #tpu.memory_space<vmem>>
        %dma_start3A_156 = tpu.memref_squeeze %dma_start3A_155 : memref<1x128xi32, #tpu.memory_space<vmem>> -> memref<128xi32, #tpu.memory_space<vmem>>
        %dma_start3A_157 = arith.constant 0 : i32
        %dma_start3A_158 = arith.constant 0 : i32
        %dma_start3A_159 = tpu.memref_slice %arg14[%dma_start3A_157, %dma_start3A_158] : memref<10112x64xf32, #tpu.memory_space<vmem_shared>> -> memref<10112x64xf32, #tpu.memory_space<vmem_shared>>
        tpu.enqueue_indirect_dma source(%dma_start3A_153 : memref<128x64xf32, #tpu.memory_space<vmem>>) target(%dma_start3A_159 : memref<10112x64xf32, #tpu.memory_space<vmem_shared>>) offsets(%dma_start3A_156 : memref<128xi32, #tpu.memory_space<vmem>>) semaphore(%run_scoped3A_150 : memref<!tpu.dma_semaphore, #tpu.memory_space<semaphore_mem>>) {add = true}
        %dma_wait3A_160 = arith.constant 0 : i32
        %dma_wait3A_161 = arith.constant 0 : i32
        %dma_wait3A_162 = tpu.memref_slice %arg12[%run_scoped3A_94, %dma_wait3A_160, %dma_wait3A_161] : memref<4x128x64xf32, #tpu.memory_space<vmem>> -> memref<1x128x64xf32, #tpu.memory_space<vmem>>
        %dma_wait3A_163 = tpu.memref_squeeze %dma_wait3A_162 : memref<1x128x64xf32, #tpu.memory_space<vmem>> -> memref<128x64xf32, #tpu.memory_space<vmem>>
        %dma_wait3A_164 = arith.constant 0 : i32
        %dma_wait3A_165 = tpu.memref_slice %arg11[%add3A_79, %dma_wait3A_164] : memref<160x128xi32, #tpu.memory_space<vmem>> -> memref<1x128xi32, #tpu.memory_space<vmem>>
        %dma_wait3A_166 = tpu.memref_squeeze %dma_wait3A_165 : memref<1x128xi32, #tpu.memory_space<vmem>> -> memref<128xi32, #tpu.memory_space<vmem>>
        %dma_wait3A_167 = arith.constant 0 : i32
        %dma_wait3A_168 = arith.constant 0 : i32
        %dma_wait3A_169 = tpu.memref_slice %arg14[%dma_wait3A_167, %dma_wait3A_168] : memref<10112x64xf32, #tpu.memory_space<vmem_shared>> -> memref<10112x64xf32, #tpu.memory_space<vmem_shared>>
        tpu.wait_indirect_dma semaphore(%run_scoped3A_150 : memref<!tpu.dma_semaphore, #tpu.memory_space<semaphore_mem>>) src(%dma_wait3A_163 : memref<128x64xf32, #tpu.memory_space<vmem>>) dst(%dma_wait3A_169 : memref<10112x64xf32, #tpu.memory_space<vmem_shared>>)
        tpu.yield
      }) : () -> ()
      %add3A_95 = arith.constant 4 : i32
      %add3A_96 = arith.addi %add3A_79, %add3A_95 : i32
      %lt3A_97 = arith.constant 160 : i32
      %lt3A_98 = arith.cmpi slt, %add3A_96, %lt3A_97 : i32
      %convert_element_type3A_99 = arith.extui %lt3A_98 : i1 to i32
      %cond3A_100 = arith.constant 0 : i32
      %cond3A_101 = arith.cmpi ne, %convert_element_type3A_99, %cond3A_100 : i32
      scf.if %cond3A_101 {
        %eq3A_150 = arith.constant 0 : i32
        %eq3A_151 = arith.cmpi eq, %arg0, %eq3A_150 : i32
        %convert_element_type3A_152 = arith.extui %eq3A_151 : i1 to i32
        %cond3A_153 = arith.constant 0 : i32
        %cond3A_154 = arith.cmpi ne, %convert_element_type3A_152, %cond3A_153 : i32
        scf.if %cond3A_154 {
          %dma_start3A = arith.constant 1 : i32
          %dma_start3A_160 = arith.constant 1 : i32
          %dma_start3A_161 = arith.constant 0 : i32
          %dma_start3A_162 = arith.constant 0 : i32
          %dma_start3A_163 = tpu.memref_slice %arg12[%dma_start3A, %dma_start3A_161, %dma_start3A_162] : memref<4x128x64xf32, #tpu.memory_space<vmem>> -> memref<1x128x64xf32, #tpu.memory_space<vmem>>
          %dma_start3A_164 = tpu.memref_squeeze %dma_start3A_163 : memref<1x128x64xf32, #tpu.memory_space<vmem>> -> memref<128x64xf32, #tpu.memory_space<vmem>>
          %dma_start3A_165 = arith.constant 0 : i32
          %dma_start3A_166 = tpu.memref_slice %arg10[%add3A_96, %dma_start3A_165] : memref<160x128xi32, #tpu.memory_space<vmem>> -> memref<1x128xi32, #tpu.memory_space<vmem>>
          %dma_start3A_167 = tpu.memref_squeeze %dma_start3A_166 : memref<1x128xi32, #tpu.memory_space<vmem>> -> memref<128xi32, #tpu.memory_space<vmem>>
          %dma_start3A_168 = arith.constant 0 : i32
          %dma_start3A_169 = arith.constant 0 : i32
          %dma_start3A_170 = tpu.memref_slice %arg2[%dma_start3A_168, %dma_start3A_169] : memref<10000x64xf32, #tpu.memory_space<hbm>> -> memref<10000x64xf32, #tpu.memory_space<hbm>>
          %dma_start3A_171 = tpu.memref_slice %arg16[%dma_start3A_160] : memref<4x!tpu.dma_semaphore, #tpu.memory_space<semaphore_mem>> -> memref<1x!tpu.dma_semaphore, #tpu.memory_space<semaphore_mem>>
          %dma_start3A_172 = tpu.memref_squeeze %dma_start3A_171 : memref<1x!tpu.dma_semaphore, #tpu.memory_space<semaphore_mem>> -> memref<!tpu.dma_semaphore, #tpu.memory_space<semaphore_mem>>
          tpu.enqueue_indirect_dma source(%dma_start3A_170 : memref<10000x64xf32, #tpu.memory_space<hbm>>) target(%dma_start3A_164 : memref<128x64xf32, #tpu.memory_space<vmem>>) offsets(%dma_start3A_167 : memref<128xi32, #tpu.memory_space<vmem>>) semaphore(%dma_start3A_172 : memref<!tpu.dma_semaphore, #tpu.memory_space<semaphore_mem>>)
        } else {
        }
        %eq3A_155 = arith.constant 1 : i32
        %eq3A_156 = arith.cmpi eq, %arg0, %eq3A_155 : i32
        %convert_element_type3A_157 = arith.extui %eq3A_156 : i1 to i32
        %cond3A_158 = arith.constant 0 : i32
        %cond3A_159 = arith.cmpi ne, %convert_element_type3A_157, %cond3A_158 : i32
        scf.if %cond3A_159 {
          %dma_start3A = arith.constant 1 : i32
          %dma_start3A_160 = arith.constant 1 : i32
          %dma_start3A_161 = arith.constant 0 : i32
          %dma_start3A_162 = arith.constant 0 : i32
          %dma_start3A_163 = tpu.memref_slice %arg12[%dma_start3A, %dma_start3A_161, %dma_start3A_162] : memref<4x128x64xf32, #tpu.memory_space<vmem>> -> memref<1x128x64xf32, #tpu.memory_space<vmem>>
          %dma_start3A_164 = tpu.memref_squeeze %dma_start3A_163 : memref<1x128x64xf32, #tpu.memory_space<vmem>> -> memref<128x64xf32, #tpu.memory_space<vmem>>
          %dma_start3A_165 = arith.constant 0 : i32
          %dma_start3A_166 = tpu.memref_slice %arg10[%add3A_96, %dma_start3A_165] : memref<160x128xi32, #tpu.memory_space<vmem>> -> memref<1x128xi32, #tpu.memory_space<vmem>>
          %dma_start3A_167 = tpu.memref_squeeze %dma_start3A_166 : memref<1x128xi32, #tpu.memory_space<vmem>> -> memref<128xi32, #tpu.memory_space<vmem>>
          %dma_start3A_168 = arith.constant 0 : i32
          %dma_start3A_169 = arith.constant 0 : i32
          %dma_start3A_170 = tpu.memref_slice %arg3[%dma_start3A_168, %dma_start3A_169] : memref<10000x64xf32, #tpu.memory_space<hbm>> -> memref<10000x64xf32, #tpu.memory_space<hbm>>
          %dma_start3A_171 = tpu.memref_slice %arg16[%dma_start3A_160] : memref<4x!tpu.dma_semaphore, #tpu.memory_space<semaphore_mem>> -> memref<1x!tpu.dma_semaphore, #tpu.memory_space<semaphore_mem>>
          %dma_start3A_172 = tpu.memref_squeeze %dma_start3A_171 : memref<1x!tpu.dma_semaphore, #tpu.memory_space<semaphore_mem>> -> memref<!tpu.dma_semaphore, #tpu.memory_space<semaphore_mem>>
          tpu.enqueue_indirect_dma source(%dma_start3A_170 : memref<10000x64xf32, #tpu.memory_space<hbm>>) target(%dma_start3A_164 : memref<128x64xf32, #tpu.memory_space<vmem>>) offsets(%dma_start3A_167 : memref<128xi32, #tpu.memory_space<vmem>>) semaphore(%dma_start3A_172 : memref<!tpu.dma_semaphore, #tpu.memory_space<semaphore_mem>>)
        } else {
        }
      } else {
      }
      %add3A_102 = arith.constant 2 : i32
      %add3A_103 = arith.addi %add3A_56, %add3A_102 : i32
      %dma_wait3A_104 = arith.constant 2 : i32
      %dma_wait3A_105 = arith.constant 2 : i32
      %dma_wait3A_106 = arith.constant 0 : i32
      %dma_wait3A_107 = arith.constant 0 : i32
      %dma_wait3A_108 = tpu.memref_slice %arg12[%dma_wait3A_104, %dma_wait3A_106, %dma_wait3A_107] : memref<4x128x64xf32, #tpu.memory_space<vmem>> -> memref<1x128x64xf32, #tpu.memory_space<vmem>>
      %dma_wait3A_109 = tpu.memref_squeeze %dma_wait3A_108 : memref<1x128x64xf32, #tpu.memory_space<vmem>> -> memref<128x64xf32, #tpu.memory_space<vmem>>
      %dma_wait3A_110 = arith.constant 0 : i32
      %dma_wait3A_111 = tpu.memref_slice %arg10[%add3A_103, %dma_wait3A_110] : memref<160x128xi32, #tpu.memory_space<vmem>> -> memref<1x128xi32, #tpu.memory_space<vmem>>
      %dma_wait3A_112 = tpu.memref_squeeze %dma_wait3A_111 : memref<1x128xi32, #tpu.memory_space<vmem>> -> memref<128xi32, #tpu.memory_space<vmem>>
      %dma_wait3A_113 = arith.constant 0 : i32
      %dma_wait3A_114 = arith.constant 0 : i32
      %dma_wait3A_115 = tpu.memref_slice %arg2[%dma_wait3A_113, %dma_wait3A_114] : memref<10000x64xf32, #tpu.memory_space<hbm>> -> memref<10000x64xf32, #tpu.memory_space<hbm>>
      %dma_wait3A_116 = tpu.memref_slice %arg16[%dma_wait3A_105] : memref<4x!tpu.dma_semaphore, #tpu.memory_space<semaphore_mem>> -> memref<1x!tpu.dma_semaphore, #tpu.memory_space<semaphore_mem>>
      %dma_wait3A_117 = tpu.memref_squeeze %dma_wait3A_116 : memref<1x!tpu.dma_semaphore, #tpu.memory_space<semaphore_mem>> -> memref<!tpu.dma_semaphore, #tpu.memory_space<semaphore_mem>>
      tpu.wait_indirect_dma semaphore(%dma_wait3A_117 : memref<!tpu.dma_semaphore, #tpu.memory_space<semaphore_mem>>) src(%dma_wait3A_115 : memref<10000x64xf32, #tpu.memory_space<hbm>>) dst(%dma_wait3A_109 : memref<128x64xf32, #tpu.memory_space<vmem>>)
      %run_scoped3A_118 = arith.constant 2 : i32
      "tpu.region"() ({
        %run_scoped3A_150 = tpu.sem_alloc : memref<!tpu.dma_semaphore, #tpu.memory_space<semaphore_mem>>
        %dma_start3A = arith.constant 0 : i32
        %dma_start3A_151 = arith.constant 0 : i32
        %dma_start3A_152 = tpu.memref_slice %arg12[%run_scoped3A_118, %dma_start3A, %dma_start3A_151] : memref<4x128x64xf32, #tpu.memory_space<vmem>> -> memref<1x128x64xf32, #tpu.memory_space<vmem>>
        %dma_start3A_153 = tpu.memref_squeeze %dma_start3A_152 : memref<1x128x64xf32, #tpu.memory_space<vmem>> -> memref<128x64xf32, #tpu.memory_space<vmem>>
        %dma_start3A_154 = arith.constant 0 : i32
        %dma_start3A_155 = tpu.memref_slice %arg11[%add3A_103, %dma_start3A_154] : memref<160x128xi32, #tpu.memory_space<vmem>> -> memref<1x128xi32, #tpu.memory_space<vmem>>
        %dma_start3A_156 = tpu.memref_squeeze %dma_start3A_155 : memref<1x128xi32, #tpu.memory_space<vmem>> -> memref<128xi32, #tpu.memory_space<vmem>>
        %dma_start3A_157 = arith.constant 0 : i32
        %dma_start3A_158 = arith.constant 0 : i32
        %dma_start3A_159 = tpu.memref_slice %arg14[%dma_start3A_157, %dma_start3A_158] : memref<10112x64xf32, #tpu.memory_space<vmem_shared>> -> memref<10112x64xf32, #tpu.memory_space<vmem_shared>>
        tpu.enqueue_indirect_dma source(%dma_start3A_153 : memref<128x64xf32, #tpu.memory_space<vmem>>) target(%dma_start3A_159 : memref<10112x64xf32, #tpu.memory_space<vmem_shared>>) offsets(%dma_start3A_156 : memref<128xi32, #tpu.memory_space<vmem>>) semaphore(%run_scoped3A_150 : memref<!tpu.dma_semaphore, #tpu.memory_space<semaphore_mem>>) {add = true}
        %dma_wait3A_160 = arith.constant 0 : i32
        %dma_wait3A_161 = arith.constant 0 : i32
        %dma_wait3A_162 = tpu.memref_slice %arg12[%run_scoped3A_118, %dma_wait3A_160, %dma_wait3A_161] : memref<4x128x64xf32, #tpu.memory_space<vmem>> -> memref<1x128x64xf32, #tpu.memory_space<vmem>>
        %dma_wait3A_163 = tpu.memref_squeeze %dma_wait3A_162 : memref<1x128x64xf32, #tpu.memory_space<vmem>> -> memref<128x64xf32, #tpu.memory_space<vmem>>
        %dma_wait3A_164 = arith.constant 0 : i32
        %dma_wait3A_165 = tpu.memref_slice %arg11[%add3A_103, %dma_wait3A_164] : memref<160x128xi32, #tpu.memory_space<vmem>> -> memref<1x128xi32, #tpu.memory_space<vmem>>
        %dma_wait3A_166 = tpu.memref_squeeze %dma_wait3A_165 : memref<1x128xi32, #tpu.memory_space<vmem>> -> memref<128xi32, #tpu.memory_space<vmem>>
        %dma_wait3A_167 = arith.constant 0 : i32
        %dma_wait3A_168 = arith.constant 0 : i32
        %dma_wait3A_169 = tpu.memref_slice %arg14[%dma_wait3A_167, %dma_wait3A_168] : memref<10112x64xf32, #tpu.memory_space<vmem_shared>> -> memref<10112x64xf32, #tpu.memory_space<vmem_shared>>
        tpu.wait_indirect_dma semaphore(%run_scoped3A_150 : memref<!tpu.dma_semaphore, #tpu.memory_space<semaphore_mem>>) src(%dma_wait3A_163 : memref<128x64xf32, #tpu.memory_space<vmem>>) dst(%dma_wait3A_169 : memref<10112x64xf32, #tpu.memory_space<vmem_shared>>)
        tpu.yield
      }) : () -> ()
      %add3A_119 = arith.constant 4 : i32
      %add3A_120 = arith.addi %add3A_103, %add3A_119 : i32
      %lt3A_121 = arith.constant 160 : i32
      %lt3A_122 = arith.cmpi slt, %add3A_120, %lt3A_121 : i32
      %convert_element_type3A_123 = arith.extui %lt3A_122 : i1 to i32
      %cond3A_124 = arith.constant 0 : i32
      %cond3A_125 = arith.cmpi ne, %convert_element_type3A_123, %cond3A_124 : i32
      scf.if %cond3A_125 {
        %eq3A_150 = arith.constant 0 : i32
        %eq3A_151 = arith.cmpi eq, %arg0, %eq3A_150 : i32
        %convert_element_type3A_152 = arith.extui %eq3A_151 : i1 to i32
        %cond3A_153 = arith.constant 0 : i32
        %cond3A_154 = arith.cmpi ne, %convert_element_type3A_152, %cond3A_153 : i32
        scf.if %cond3A_154 {
          %dma_start3A = arith.constant 2 : i32
          %dma_start3A_160 = arith.constant 2 : i32
          %dma_start3A_161 = arith.constant 0 : i32
          %dma_start3A_162 = arith.constant 0 : i32
          %dma_start3A_163 = tpu.memref_slice %arg12[%dma_start3A, %dma_start3A_161, %dma_start3A_162] : memref<4x128x64xf32, #tpu.memory_space<vmem>> -> memref<1x128x64xf32, #tpu.memory_space<vmem>>
          %dma_start3A_164 = tpu.memref_squeeze %dma_start3A_163 : memref<1x128x64xf32, #tpu.memory_space<vmem>> -> memref<128x64xf32, #tpu.memory_space<vmem>>
          %dma_start3A_165 = arith.constant 0 : i32
          %dma_start3A_166 = tpu.memref_slice %arg10[%add3A_120, %dma_start3A_165] : memref<160x128xi32, #tpu.memory_space<vmem>> -> memref<1x128xi32, #tpu.memory_space<vmem>>
          %dma_start3A_167 = tpu.memref_squeeze %dma_start3A_166 : memref<1x128xi32, #tpu.memory_space<vmem>> -> memref<128xi32, #tpu.memory_space<vmem>>
          %dma_start3A_168 = arith.constant 0 : i32
          %dma_start3A_169 = arith.constant 0 : i32
          %dma_start3A_170 = tpu.memref_slice %arg2[%dma_start3A_168, %dma_start3A_169] : memref<10000x64xf32, #tpu.memory_space<hbm>> -> memref<10000x64xf32, #tpu.memory_space<hbm>>
          %dma_start3A_171 = tpu.memref_slice %arg16[%dma_start3A_160] : memref<4x!tpu.dma_semaphore, #tpu.memory_space<semaphore_mem>> -> memref<1x!tpu.dma_semaphore, #tpu.memory_space<semaphore_mem>>
          %dma_start3A_172 = tpu.memref_squeeze %dma_start3A_171 : memref<1x!tpu.dma_semaphore, #tpu.memory_space<semaphore_mem>> -> memref<!tpu.dma_semaphore, #tpu.memory_space<semaphore_mem>>
          tpu.enqueue_indirect_dma source(%dma_start3A_170 : memref<10000x64xf32, #tpu.memory_space<hbm>>) target(%dma_start3A_164 : memref<128x64xf32, #tpu.memory_space<vmem>>) offsets(%dma_start3A_167 : memref<128xi32, #tpu.memory_space<vmem>>) semaphore(%dma_start3A_172 : memref<!tpu.dma_semaphore, #tpu.memory_space<semaphore_mem>>)
        } else {
        }
        %eq3A_155 = arith.constant 1 : i32
        %eq3A_156 = arith.cmpi eq, %arg0, %eq3A_155 : i32
        %convert_element_type3A_157 = arith.extui %eq3A_156 : i1 to i32
        %cond3A_158 = arith.constant 0 : i32
        %cond3A_159 = arith.cmpi ne, %convert_element_type3A_157, %cond3A_158 : i32
        scf.if %cond3A_159 {
          %dma_start3A = arith.constant 2 : i32
          %dma_start3A_160 = arith.constant 2 : i32
          %dma_start3A_161 = arith.constant 0 : i32
          %dma_start3A_162 = arith.constant 0 : i32
          %dma_start3A_163 = tpu.memref_slice %arg12[%dma_start3A, %dma_start3A_161, %dma_start3A_162] : memref<4x128x64xf32, #tpu.memory_space<vmem>> -> memref<1x128x64xf32, #tpu.memory_space<vmem>>
          %dma_start3A_164 = tpu.memref_squeeze %dma_start3A_163 : memref<1x128x64xf32, #tpu.memory_space<vmem>> -> memref<128x64xf32, #tpu.memory_space<vmem>>
          %dma_start3A_165 = arith.constant 0 : i32
          %dma_start3A_166 = tpu.memref_slice %arg10[%add3A_120, %dma_start3A_165] : memref<160x128xi32, #tpu.memory_space<vmem>> -> memref<1x128xi32, #tpu.memory_space<vmem>>
          %dma_start3A_167 = tpu.memref_squeeze %dma_start3A_166 : memref<1x128xi32, #tpu.memory_space<vmem>> -> memref<128xi32, #tpu.memory_space<vmem>>
          %dma_start3A_168 = arith.constant 0 : i32
          %dma_start3A_169 = arith.constant 0 : i32
          %dma_start3A_170 = tpu.memref_slice %arg3[%dma_start3A_168, %dma_start3A_169] : memref<10000x64xf32, #tpu.memory_space<hbm>> -> memref<10000x64xf32, #tpu.memory_space<hbm>>
          %dma_start3A_171 = tpu.memref_slice %arg16[%dma_start3A_160] : memref<4x!tpu.dma_semaphore, #tpu.memory_space<semaphore_mem>> -> memref<1x!tpu.dma_semaphore, #tpu.memory_space<semaphore_mem>>
          %dma_start3A_172 = tpu.memref_squeeze %dma_start3A_171 : memref<1x!tpu.dma_semaphore, #tpu.memory_space<semaphore_mem>> -> memref<!tpu.dma_semaphore, #tpu.memory_space<semaphore_mem>>
          tpu.enqueue_indirect_dma source(%dma_start3A_170 : memref<10000x64xf32, #tpu.memory_space<hbm>>) target(%dma_start3A_164 : memref<128x64xf32, #tpu.memory_space<vmem>>) offsets(%dma_start3A_167 : memref<128xi32, #tpu.memory_space<vmem>>) semaphore(%dma_start3A_172 : memref<!tpu.dma_semaphore, #tpu.memory_space<semaphore_mem>>)
        } else {
        }
      } else {
      }
      %add3A_126 = arith.constant 3 : i32
      %add3A_127 = arith.addi %add3A_56, %add3A_126 : i32
      %dma_wait3A_128 = arith.constant 3 : i32
      %dma_wait3A_129 = arith.constant 3 : i32
      %dma_wait3A_130 = arith.constant 0 : i32
      %dma_wait3A_131 = arith.constant 0 : i32
      %dma_wait3A_132 = tpu.memref_slice %arg12[%dma_wait3A_128, %dma_wait3A_130, %dma_wait3A_131] : memref<4x128x64xf32, #tpu.memory_space<vmem>> -> memref<1x128x64xf32, #tpu.memory_space<vmem>>
      %dma_wait3A_133 = tpu.memref_squeeze %dma_wait3A_132 : memref<1x128x64xf32, #tpu.memory_space<vmem>> -> memref<128x64xf32, #tpu.memory_space<vmem>>
      %dma_wait3A_134 = arith.constant 0 : i32
      %dma_wait3A_135 = tpu.memref_slice %arg10[%add3A_127, %dma_wait3A_134] : memref<160x128xi32, #tpu.memory_space<vmem>> -> memref<1x128xi32, #tpu.memory_space<vmem>>
      %dma_wait3A_136 = tpu.memref_squeeze %dma_wait3A_135 : memref<1x128xi32, #tpu.memory_space<vmem>> -> memref<128xi32, #tpu.memory_space<vmem>>
      %dma_wait3A_137 = arith.constant 0 : i32
      %dma_wait3A_138 = arith.constant 0 : i32
      %dma_wait3A_139 = tpu.memref_slice %arg2[%dma_wait3A_137, %dma_wait3A_138] : memref<10000x64xf32, #tpu.memory_space<hbm>> -> memref<10000x64xf32, #tpu.memory_space<hbm>>
      %dma_wait3A_140 = tpu.memref_slice %arg16[%dma_wait3A_129] : memref<4x!tpu.dma_semaphore, #tpu.memory_space<semaphore_mem>> -> memref<1x!tpu.dma_semaphore, #tpu.memory_space<semaphore_mem>>
      %dma_wait3A_141 = tpu.memref_squeeze %dma_wait3A_140 : memref<1x!tpu.dma_semaphore, #tpu.memory_space<semaphore_mem>> -> memref<!tpu.dma_semaphore, #tpu.memory_space<semaphore_mem>>
      tpu.wait_indirect_dma semaphore(%dma_wait3A_141 : memref<!tpu.dma_semaphore, #tpu.memory_space<semaphore_mem>>) src(%dma_wait3A_139 : memref<10000x64xf32, #tpu.memory_space<hbm>>) dst(%dma_wait3A_133 : memref<128x64xf32, #tpu.memory_space<vmem>>)
      %run_scoped3A_142 = arith.constant 3 : i32
      "tpu.region"() ({
        %run_scoped3A_150 = tpu.sem_alloc : memref<!tpu.dma_semaphore, #tpu.memory_space<semaphore_mem>>
        %dma_start3A = arith.constant 0 : i32
        %dma_start3A_151 = arith.constant 0 : i32
        %dma_start3A_152 = tpu.memref_slice %arg12[%run_scoped3A_142, %dma_start3A, %dma_start3A_151] : memref<4x128x64xf32, #tpu.memory_space<vmem>> -> memref<1x128x64xf32, #tpu.memory_space<vmem>>
        %dma_start3A_153 = tpu.memref_squeeze %dma_start3A_152 : memref<1x128x64xf32, #tpu.memory_space<vmem>> -> memref<128x64xf32, #tpu.memory_space<vmem>>
        %dma_start3A_154 = arith.constant 0 : i32
        %dma_start3A_155 = tpu.memref_slice %arg11[%add3A_127, %dma_start3A_154] : memref<160x128xi32, #tpu.memory_space<vmem>> -> memref<1x128xi32, #tpu.memory_space<vmem>>
        %dma_start3A_156 = tpu.memref_squeeze %dma_start3A_155 : memref<1x128xi32, #tpu.memory_space<vmem>> -> memref<128xi32, #tpu.memory_space<vmem>>
        %dma_start3A_157 = arith.constant 0 : i32
        %dma_start3A_158 = arith.constant 0 : i32
        %dma_start3A_159 = tpu.memref_slice %arg14[%dma_start3A_157, %dma_start3A_158] : memref<10112x64xf32, #tpu.memory_space<vmem_shared>> -> memref<10112x64xf32, #tpu.memory_space<vmem_shared>>
        tpu.enqueue_indirect_dma source(%dma_start3A_153 : memref<128x64xf32, #tpu.memory_space<vmem>>) target(%dma_start3A_159 : memref<10112x64xf32, #tpu.memory_space<vmem_shared>>) offsets(%dma_start3A_156 : memref<128xi32, #tpu.memory_space<vmem>>) semaphore(%run_scoped3A_150 : memref<!tpu.dma_semaphore, #tpu.memory_space<semaphore_mem>>) {add = true}
        %dma_wait3A_160 = arith.constant 0 : i32
        %dma_wait3A_161 = arith.constant 0 : i32
        %dma_wait3A_162 = tpu.memref_slice %arg12[%run_scoped3A_142, %dma_wait3A_160, %dma_wait3A_161] : memref<4x128x64xf32, #tpu.memory_space<vmem>> -> memref<1x128x64xf32, #tpu.memory_space<vmem>>
        %dma_wait3A_163 = tpu.memref_squeeze %dma_wait3A_162 : memref<1x128x64xf32, #tpu.memory_space<vmem>> -> memref<128x64xf32, #tpu.memory_space<vmem>>
        %dma_wait3A_164 = arith.constant 0 : i32
        %dma_wait3A_165 = tpu.memref_slice %arg11[%add3A_127, %dma_wait3A_164] : memref<160x128xi32, #tpu.memory_space<vmem>> -> memref<1x128xi32, #tpu.memory_space<vmem>>
        %dma_wait3A_166 = tpu.memref_squeeze %dma_wait3A_165 : memref<1x128xi32, #tpu.memory_space<vmem>> -> memref<128xi32, #tpu.memory_space<vmem>>
        %dma_wait3A_167 = arith.constant 0 : i32
        %dma_wait3A_168 = arith.constant 0 : i32
        %dma_wait3A_169 = tpu.memref_slice %arg14[%dma_wait3A_167, %dma_wait3A_168] : memref<10112x64xf32, #tpu.memory_space<vmem_shared>> -> memref<10112x64xf32, #tpu.memory_space<vmem_shared>>
        tpu.wait_indirect_dma semaphore(%run_scoped3A_150 : memref<!tpu.dma_semaphore, #tpu.memory_space<semaphore_mem>>) src(%dma_wait3A_163 : memref<128x64xf32, #tpu.memory_space<vmem>>) dst(%dma_wait3A_169 : memref<10112x64xf32, #tpu.memory_space<vmem_shared>>)
        tpu.yield
      }) : () -> ()
      %add3A_143 = arith.constant 4 : i32
      %add3A_144 = arith.addi %add3A_127, %add3A_143 : i32
      %lt3A_145 = arith.constant 160 : i32
      %lt3A_146 = arith.cmpi slt, %add3A_144, %lt3A_145 : i32
      %convert_element_type3A_147 = arith.extui %lt3A_146 : i1 to i32
      %cond3A_148 = arith.constant 0 : i32
      %cond3A_149 = arith.cmpi ne, %convert_element_type3A_147, %cond3A_148 : i32
      scf.if %cond3A_149 {
        %eq3A_150 = arith.constant 0 : i32
        %eq3A_151 = arith.cmpi eq, %arg0, %eq3A_150 : i32
        %convert_element_type3A_152 = arith.extui %eq3A_151 : i1 to i32
        %cond3A_153 = arith.constant 0 : i32
        %cond3A_154 = arith.cmpi ne, %convert_element_type3A_152, %cond3A_153 : i32
        scf.if %cond3A_154 {
          %dma_start3A = arith.constant 3 : i32
          %dma_start3A_160 = arith.constant 3 : i32
          %dma_start3A_161 = arith.constant 0 : i32
          %dma_start3A_162 = arith.constant 0 : i32
          %dma_start3A_163 = tpu.memref_slice %arg12[%dma_start3A, %dma_start3A_161, %dma_start3A_162] : memref<4x128x64xf32, #tpu.memory_space<vmem>> -> memref<1x128x64xf32, #tpu.memory_space<vmem>>
          %dma_start3A_164 = tpu.memref_squeeze %dma_start3A_163 : memref<1x128x64xf32, #tpu.memory_space<vmem>> -> memref<128x64xf32, #tpu.memory_space<vmem>>
          %dma_start3A_165 = arith.constant 0 : i32
          %dma_start3A_166 = tpu.memref_slice %arg10[%add3A_144, %dma_start3A_165] : memref<160x128xi32, #tpu.memory_space<vmem>> -> memref<1x128xi32, #tpu.memory_space<vmem>>
          %dma_start3A_167 = tpu.memref_squeeze %dma_start3A_166 : memref<1x128xi32, #tpu.memory_space<vmem>> -> memref<128xi32, #tpu.memory_space<vmem>>
          %dma_start3A_168 = arith.constant 0 : i32
          %dma_start3A_169 = arith.constant 0 : i32
          %dma_start3A_170 = tpu.memref_slice %arg2[%dma_start3A_168, %dma_start3A_169] : memref<10000x64xf32, #tpu.memory_space<hbm>> -> memref<10000x64xf32, #tpu.memory_space<hbm>>
          %dma_start3A_171 = tpu.memref_slice %arg16[%dma_start3A_160] : memref<4x!tpu.dma_semaphore, #tpu.memory_space<semaphore_mem>> -> memref<1x!tpu.dma_semaphore, #tpu.memory_space<semaphore_mem>>
          %dma_start3A_172 = tpu.memref_squeeze %dma_start3A_171 : memref<1x!tpu.dma_semaphore, #tpu.memory_space<semaphore_mem>> -> memref<!tpu.dma_semaphore, #tpu.memory_space<semaphore_mem>>
          tpu.enqueue_indirect_dma source(%dma_start3A_170 : memref<10000x64xf32, #tpu.memory_space<hbm>>) target(%dma_start3A_164 : memref<128x64xf32, #tpu.memory_space<vmem>>) offsets(%dma_start3A_167 : memref<128xi32, #tpu.memory_space<vmem>>) semaphore(%dma_start3A_172 : memref<!tpu.dma_semaphore, #tpu.memory_space<semaphore_mem>>)
        } else {
        }
        %eq3A_155 = arith.constant 1 : i32
        %eq3A_156 = arith.cmpi eq, %arg0, %eq3A_155 : i32
        %convert_element_type3A_157 = arith.extui %eq3A_156 : i1 to i32
        %cond3A_158 = arith.constant 0 : i32
        %cond3A_159 = arith.cmpi ne, %convert_element_type3A_157, %cond3A_158 : i32
        scf.if %cond3A_159 {
          %dma_start3A = arith.constant 3 : i32
          %dma_start3A_160 = arith.constant 3 : i32
          %dma_start3A_161 = arith.constant 0 : i32
          %dma_start3A_162 = arith.constant 0 : i32
          %dma_start3A_163 = tpu.memref_slice %arg12[%dma_start3A, %dma_start3A_161, %dma_start3A_162] : memref<4x128x64xf32, #tpu.memory_space<vmem>> -> memref<1x128x64xf32, #tpu.memory_space<vmem>>
          %dma_start3A_164 = tpu.memref_squeeze %dma_start3A_163 : memref<1x128x64xf32, #tpu.memory_space<vmem>> -> memref<128x64xf32, #tpu.memory_space<vmem>>
          %dma_start3A_165 = arith.constant 0 : i32
          %dma_start3A_166 = tpu.memref_slice %arg10[%add3A_144, %dma_start3A_165] : memref<160x128xi32, #tpu.memory_space<vmem>> -> memref<1x128xi32, #tpu.memory_space<vmem>>
          %dma_start3A_167 = tpu.memref_squeeze %dma_start3A_166 : memref<1x128xi32, #tpu.memory_space<vmem>> -> memref<128xi32, #tpu.memory_space<vmem>>
          %dma_start3A_168 = arith.constant 0 : i32
          %dma_start3A_169 = arith.constant 0 : i32
          %dma_start3A_170 = tpu.memref_slice %arg3[%dma_start3A_168, %dma_start3A_169] : memref<10000x64xf32, #tpu.memory_space<hbm>> -> memref<10000x64xf32, #tpu.memory_space<hbm>>
          %dma_start3A_171 = tpu.memref_slice %arg16[%dma_start3A_160] : memref<4x!tpu.dma_semaphore, #tpu.memory_space<semaphore_mem>> -> memref<1x!tpu.dma_semaphore, #tpu.memory_space<semaphore_mem>>
          %dma_start3A_172 = tpu.memref_squeeze %dma_start3A_171 : memref<1x!tpu.dma_semaphore, #tpu.memory_space<semaphore_mem>> -> memref<!tpu.dma_semaphore, #tpu.memory_space<semaphore_mem>>
          tpu.enqueue_indirect_dma source(%dma_start3A_170 : memref<10000x64xf32, #tpu.memory_space<hbm>>) target(%dma_start3A_164 : memref<128x64xf32, #tpu.memory_space<vmem>>) offsets(%dma_start3A_167 : memref<128xi32, #tpu.memory_space<vmem>>) semaphore(%dma_start3A_172 : memref<!tpu.dma_semaphore, #tpu.memory_space<semaphore_mem>>)
        } else {
        }
      } else {
      }
    }
    %scan3A_47 = arith.constant 40 : i32
    %barrier3A_48 = arith.constant 0 : index
    tpu.barrier barrier_id(%barrier3A_48)
    %mul3A_49 = arith.constant 632 : i32
    %mul3A_50 = arith.muli %arg1, %mul3A_49 : i32
    %mul3A_51 = arith.constant 632 : i32
    %mul3A_52 = arith.muli %arg1, %mul3A_51 : i32
    "tpu.region"() ({
      %run_scoped3A = tpu.sem_alloc : memref<!tpu.dma_semaphore, #tpu.memory_space<semaphore_mem>>
      %dma_start3A = arith.constant 0 : i32
      %dma_start3A_53 = arith.constant 0 : i32
      %dma_start3A_54 = tpu.memref_slice %arg9[%arg0, %dma_start3A, %dma_start3A_53] : memref<2x10112x64xf32, #tpu.memory_space<hbm>> -> memref<1x10112x64xf32, #tpu.memory_space<hbm>>
      %dma_start3A_55 = tpu.memref_squeeze %dma_start3A_54 : memref<1x10112x64xf32, #tpu.memory_space<hbm>> -> memref<10112x64xf32, #tpu.memory_space<hbm>>
      %dma_start3A_56 = arith.constant 0 : i32
      %dma_start3A_57 = tpu.memref_slice %dma_start3A_55[%mul3A_52, %dma_start3A_56] : memref<10112x64xf32, #tpu.memory_space<hbm>> -> memref<632x64xf32, #tpu.memory_space<hbm>>
      %dma_start3A_58 = arith.constant 0 : i32
      %dma_start3A_59 = tpu.memref_slice %arg14[%mul3A_50, %dma_start3A_58] : memref<10112x64xf32, #tpu.memory_space<vmem_shared>> -> memref<632x64xf32, #tpu.memory_space<vmem_shared>>
      tpu.enqueue_dma source(%dma_start3A_59 : memref<632x64xf32, #tpu.memory_space<vmem_shared>>) target(%dma_start3A_57 : memref<632x64xf32, #tpu.memory_space<hbm>>) target_semaphore(%run_scoped3A : memref<!tpu.dma_semaphore, #tpu.memory_space<semaphore_mem>>)
      %dma_wait3A = arith.constant 0 : i32
      %dma_wait3A_60 = arith.constant 0 : i32
      %dma_wait3A_61 = tpu.memref_slice %arg9[%arg0, %dma_wait3A, %dma_wait3A_60] : memref<2x10112x64xf32, #tpu.memory_space<hbm>> -> memref<1x10112x64xf32, #tpu.memory_space<hbm>>
      %dma_wait3A_62 = tpu.memref_squeeze %dma_wait3A_61 : memref<1x10112x64xf32, #tpu.memory_space<hbm>> -> memref<10112x64xf32, #tpu.memory_space<hbm>>
      %dma_wait3A_63 = arith.constant 0 : i32
      %dma_wait3A_64 = tpu.memref_slice %dma_wait3A_62[%mul3A_52, %dma_wait3A_63] : memref<10112x64xf32, #tpu.memory_space<hbm>> -> memref<632x64xf32, #tpu.memory_space<hbm>>
      %dma_wait3A_65 = arith.constant 0 : i32
      %dma_wait3A_66 = tpu.memref_slice %arg14[%mul3A_50, %dma_wait3A_65] : memref<10112x64xf32, #tpu.memory_space<vmem_shared>> -> memref<632x64xf32, #tpu.memory_space<vmem_shared>>
      tpu.wait_dma2 semaphore(%run_scoped3A : memref<!tpu.dma_semaphore, #tpu.memory_space<semaphore_mem>>) src(%dma_wait3A_66 : memref<632x64xf32, #tpu.memory_space<vmem_shared>>) dst(%dma_wait3A_64 : memref<632x64xf32, #tpu.memory_space<hbm>>)
      tpu.yield
    }) : () -> ()
    return
  }
}

#map = affine_map<(d0, d1) -> (0, 0)>
#map1 = affine_map<(d0, d1) -> (0, 0, 0)>
module attributes {stable_mosaic.version = 14 : i64} {
  func.func @sc_agg(%arg0: i32, %arg1: i32, %arg2: memref<10000x64xf32, #tpu.memory_space<hbm>>, %arg3: memref<10000x64xf32, #tpu.memory_space<hbm>>, %arg4: memref<2560x128xi32, #tpu.memory_space<hbm>>, %arg5: memref<2560x128xi32, #tpu.memory_space<hbm>>, %arg6: memref<10112x64xf32, #tpu.memory_space<hbm>>, %arg7: memref<10112x16xf32, #tpu.memory_space<hbm>>, %arg8: memref<128x16xf32, #tpu.memory_space<hbm>>, %arg9: memref<2x10112x64xf32, #tpu.memory_space<hbm>>, %arg10: memref<2x10112x16xf32, #tpu.memory_space<hbm>>, %arg11: memref<160x128xi32, #tpu.memory_space<vmem>>, %arg12: memref<160x128xi32, #tpu.memory_space<vmem>>, %arg13: memref<4x128x64xf32, #tpu.memory_space<vmem>>, %arg14: memref<128x16xf32, #tpu.memory_space<vmem>>, %arg15: memref<10112x64xf32, #tpu.memory_space<vmem_shared>>, %arg16: memref<10112x16xf32, #tpu.memory_space<vmem_shared>>, %arg17: memref<4x!tpu.dma_semaphore, #tpu.memory_space<semaphore_mem>>, %arg18: memref<4x!tpu.dma_semaphore, #tpu.memory_space<semaphore_mem>>, %arg19: memref<4x!tpu.dma_semaphore, #tpu.memory_space<semaphore_mem>>) attributes {dimension_semantics = [#tpu.dimension_semantics<core_parallel>, #tpu.dimension_semantics<subcore_parallel>], iteration_bounds = array<i64: 2, 16>, scalar_prefetch = 0 : i64, scratch_operands = 9 : i64, tpu.core_type = #tpu.core_type<sc_vector_subcore>, window_params = [{transform_indices = #map}, {transform_indices = #map}, {transform_indices = #map}, {transform_indices = #map}, {transform_indices = #map}, {transform_indices = #map}, {transform_indices = #map}, {transform_indices = #map1}, {transform_indices = #map1}]} {
    %mul3A = arith.constant 160 : i32
    %mul3A_0 = arith.muli %arg1, %mul3A : i32
    "tpu.region"() ({
      %run_scoped3A = tpu.sem_alloc : memref<!tpu.dma_semaphore, #tpu.memory_space<semaphore_mem>>
      %dma_start3A = arith.constant 0 : i32
      %dma_start3A_81 = tpu.memref_slice %arg4[%mul3A_0, %dma_start3A] : memref<2560x128xi32, #tpu.memory_space<hbm>> -> memref<160x128xi32, #tpu.memory_space<hbm>>
      %dma_start3A_82 = arith.constant 0 : i32
      %dma_start3A_83 = tpu.memref_slice %arg4[%mul3A_0, %dma_start3A_82] : memref<2560x128xi32, #tpu.memory_space<hbm>> -> memref<160x128xi32, #tpu.memory_space<hbm>>
      tpu.enqueue_dma source(%dma_start3A_83 : memref<160x128xi32, #tpu.memory_space<hbm>>) target(%arg11 : memref<160x128xi32, #tpu.memory_space<vmem>>) target_semaphore(%run_scoped3A : memref<!tpu.dma_semaphore, #tpu.memory_space<semaphore_mem>>)
      %dma_wait3A = arith.constant 0 : i32
      %dma_wait3A_84 = tpu.memref_slice %arg4[%mul3A_0, %dma_wait3A] : memref<2560x128xi32, #tpu.memory_space<hbm>> -> memref<160x128xi32, #tpu.memory_space<hbm>>
      %dma_wait3A_85 = arith.constant 0 : i32
      %dma_wait3A_86 = tpu.memref_slice %arg4[%mul3A_0, %dma_wait3A_85] : memref<2560x128xi32, #tpu.memory_space<hbm>> -> memref<160x128xi32, #tpu.memory_space<hbm>>
      tpu.wait_dma2 semaphore(%run_scoped3A : memref<!tpu.dma_semaphore, #tpu.memory_space<semaphore_mem>>) src(%dma_wait3A_86 : memref<160x128xi32, #tpu.memory_space<hbm>>) dst(%arg11 : memref<160x128xi32, #tpu.memory_space<vmem>>)
      tpu.yield
    }) : () -> ()
    %mul3A_1 = arith.constant 160 : i32
    %mul3A_2 = arith.muli %arg1, %mul3A_1 : i32
    "tpu.region"() ({
      %run_scoped3A = tpu.sem_alloc : memref<!tpu.dma_semaphore, #tpu.memory_space<semaphore_mem>>
      %dma_start3A = arith.constant 0 : i32
      %dma_start3A_81 = tpu.memref_slice %arg5[%mul3A_2, %dma_start3A] : memref<2560x128xi32, #tpu.memory_space<hbm>> -> memref<160x128xi32, #tpu.memory_space<hbm>>
      %dma_start3A_82 = arith.constant 0 : i32
      %dma_start3A_83 = tpu.memref_slice %arg5[%mul3A_2, %dma_start3A_82] : memref<2560x128xi32, #tpu.memory_space<hbm>> -> memref<160x128xi32, #tpu.memory_space<hbm>>
      tpu.enqueue_dma source(%dma_start3A_83 : memref<160x128xi32, #tpu.memory_space<hbm>>) target(%arg12 : memref<160x128xi32, #tpu.memory_space<vmem>>) target_semaphore(%run_scoped3A : memref<!tpu.dma_semaphore, #tpu.memory_space<semaphore_mem>>)
      %dma_wait3A = arith.constant 0 : i32
      %dma_wait3A_84 = tpu.memref_slice %arg5[%mul3A_2, %dma_wait3A] : memref<2560x128xi32, #tpu.memory_space<hbm>> -> memref<160x128xi32, #tpu.memory_space<hbm>>
      %dma_wait3A_85 = arith.constant 0 : i32
      %dma_wait3A_86 = tpu.memref_slice %arg5[%mul3A_2, %dma_wait3A_85] : memref<2560x128xi32, #tpu.memory_space<hbm>> -> memref<160x128xi32, #tpu.memory_space<hbm>>
      tpu.wait_dma2 semaphore(%run_scoped3A : memref<!tpu.dma_semaphore, #tpu.memory_space<semaphore_mem>>) src(%dma_wait3A_86 : memref<160x128xi32, #tpu.memory_space<hbm>>) dst(%arg12 : memref<160x128xi32, #tpu.memory_space<vmem>>)
      tpu.yield
    }) : () -> ()
    "tpu.region"() ({
      %run_scoped3A = tpu.sem_alloc : memref<!tpu.dma_semaphore, #tpu.memory_space<semaphore_mem>>
      tpu.enqueue_dma source(%arg8 : memref<128x16xf32, #tpu.memory_space<hbm>>) target(%arg14 : memref<128x16xf32, #tpu.memory_space<vmem>>) target_semaphore(%run_scoped3A : memref<!tpu.dma_semaphore, #tpu.memory_space<semaphore_mem>>)
      tpu.wait_dma2 semaphore(%run_scoped3A : memref<!tpu.dma_semaphore, #tpu.memory_space<semaphore_mem>>) src(%arg8 : memref<128x16xf32, #tpu.memory_space<hbm>>) dst(%arg14 : memref<128x16xf32, #tpu.memory_space<vmem>>)
      tpu.yield
    }) : () -> ()
    %mul3A_3 = arith.constant 632 : i32
    %mul3A_4 = arith.muli %arg1, %mul3A_3 : i32
    %mul3A_5 = arith.constant 632 : i32
    %mul3A_6 = arith.muli %arg1, %mul3A_5 : i32
    "tpu.region"() ({
      %run_scoped3A = tpu.sem_alloc : memref<!tpu.dma_semaphore, #tpu.memory_space<semaphore_mem>>
      %dma_start3A = arith.constant 0 : i32
      %dma_start3A_81 = tpu.memref_slice %arg15[%mul3A_6, %dma_start3A] : memref<10112x64xf32, #tpu.memory_space<vmem_shared>> -> memref<632x64xf32, #tpu.memory_space<vmem_shared>>
      %dma_start3A_82 = arith.constant 0 : i32
      %dma_start3A_83 = tpu.memref_slice %arg6[%mul3A_4, %dma_start3A_82] : memref<10112x64xf32, #tpu.memory_space<hbm>> -> memref<632x64xf32, #tpu.memory_space<hbm>>
      tpu.enqueue_dma source(%dma_start3A_83 : memref<632x64xf32, #tpu.memory_space<hbm>>) target(%dma_start3A_81 : memref<632x64xf32, #tpu.memory_space<vmem_shared>>) target_semaphore(%run_scoped3A : memref<!tpu.dma_semaphore, #tpu.memory_space<semaphore_mem>>)
      %dma_wait3A = arith.constant 0 : i32
      %dma_wait3A_84 = tpu.memref_slice %arg15[%mul3A_6, %dma_wait3A] : memref<10112x64xf32, #tpu.memory_space<vmem_shared>> -> memref<632x64xf32, #tpu.memory_space<vmem_shared>>
      %dma_wait3A_85 = arith.constant 0 : i32
      %dma_wait3A_86 = tpu.memref_slice %arg6[%mul3A_4, %dma_wait3A_85] : memref<10112x64xf32, #tpu.memory_space<hbm>> -> memref<632x64xf32, #tpu.memory_space<hbm>>
      tpu.wait_dma2 semaphore(%run_scoped3A : memref<!tpu.dma_semaphore, #tpu.memory_space<semaphore_mem>>) src(%dma_wait3A_86 : memref<632x64xf32, #tpu.memory_space<hbm>>) dst(%dma_wait3A_84 : memref<632x64xf32, #tpu.memory_space<vmem_shared>>)
      tpu.yield
    }) : () -> ()
    %mul3A_7 = arith.constant 632 : i32
    %mul3A_8 = arith.muli %arg1, %mul3A_7 : i32
    %mul3A_9 = arith.constant 632 : i32
    %mul3A_10 = arith.muli %arg1, %mul3A_9 : i32
    "tpu.region"() ({
      %run_scoped3A = tpu.sem_alloc : memref<!tpu.dma_semaphore, #tpu.memory_space<semaphore_mem>>
      %dma_start3A = arith.constant 0 : i32
      %dma_start3A_81 = tpu.memref_slice %arg16[%mul3A_10, %dma_start3A] : memref<10112x16xf32, #tpu.memory_space<vmem_shared>> -> memref<632x16xf32, #tpu.memory_space<vmem_shared>>
      %dma_start3A_82 = arith.constant 0 : i32
      %dma_start3A_83 = tpu.memref_slice %arg7[%mul3A_8, %dma_start3A_82] : memref<10112x16xf32, #tpu.memory_space<hbm>> -> memref<632x16xf32, #tpu.memory_space<hbm>>
      tpu.enqueue_dma source(%dma_start3A_83 : memref<632x16xf32, #tpu.memory_space<hbm>>) target(%dma_start3A_81 : memref<632x16xf32, #tpu.memory_space<vmem_shared>>) target_semaphore(%run_scoped3A : memref<!tpu.dma_semaphore, #tpu.memory_space<semaphore_mem>>)
      %dma_wait3A = arith.constant 0 : i32
      %dma_wait3A_84 = tpu.memref_slice %arg16[%mul3A_10, %dma_wait3A] : memref<10112x16xf32, #tpu.memory_space<vmem_shared>> -> memref<632x16xf32, #tpu.memory_space<vmem_shared>>
      %dma_wait3A_85 = arith.constant 0 : i32
      %dma_wait3A_86 = tpu.memref_slice %arg7[%mul3A_8, %dma_wait3A_85] : memref<10112x16xf32, #tpu.memory_space<hbm>> -> memref<632x16xf32, #tpu.memory_space<hbm>>
      tpu.wait_dma2 semaphore(%run_scoped3A : memref<!tpu.dma_semaphore, #tpu.memory_space<semaphore_mem>>) src(%dma_wait3A_86 : memref<632x16xf32, #tpu.memory_space<hbm>>) dst(%dma_wait3A_84 : memref<632x16xf32, #tpu.memory_space<vmem_shared>>)
      tpu.yield
    }) : () -> ()
    %barrier3A = arith.constant 0 : index
    tpu.barrier barrier_id(%barrier3A)
    %eq3A = arith.constant 0 : i32
    %eq3A_11 = arith.cmpi eq, %arg0, %eq3A : i32
    %convert_element_type3A = arith.extui %eq3A_11 : i1 to i32
    %cond3A = arith.constant 0 : i32
    %cond3A_12 = arith.cmpi ne, %convert_element_type3A, %cond3A : i32
    scf.if %cond3A_12 {
      %dma_start3A = arith.constant 0 : i32
      %dma_start3A_81 = arith.constant 0 : i32
      %dma_start3A_82 = arith.constant 0 : i32
      %dma_start3A_83 = arith.constant 0 : i32
      %dma_start3A_84 = arith.constant 0 : i32
      %dma_start3A_85 = tpu.memref_slice %arg13[%dma_start3A_81, %dma_start3A_83, %dma_start3A_84] : memref<4x128x64xf32, #tpu.memory_space<vmem>> -> memref<1x128x64xf32, #tpu.memory_space<vmem>>
      %dma_start3A_86 = tpu.memref_squeeze %dma_start3A_85 : memref<1x128x64xf32, #tpu.memory_space<vmem>> -> memref<128x64xf32, #tpu.memory_space<vmem>>
      %dma_start3A_87 = arith.constant 0 : i32
      %dma_start3A_88 = tpu.memref_slice %arg11[%dma_start3A, %dma_start3A_87] : memref<160x128xi32, #tpu.memory_space<vmem>> -> memref<1x128xi32, #tpu.memory_space<vmem>>
      %dma_start3A_89 = tpu.memref_squeeze %dma_start3A_88 : memref<1x128xi32, #tpu.memory_space<vmem>> -> memref<128xi32, #tpu.memory_space<vmem>>
      %dma_start3A_90 = arith.constant 0 : i32
      %dma_start3A_91 = arith.constant 0 : i32
      %dma_start3A_92 = tpu.memref_slice %arg2[%dma_start3A_90, %dma_start3A_91] : memref<10000x64xf32, #tpu.memory_space<hbm>> -> memref<10000x64xf32, #tpu.memory_space<hbm>>
      %dma_start3A_93 = tpu.memref_slice %arg17[%dma_start3A_82] : memref<4x!tpu.dma_semaphore, #tpu.memory_space<semaphore_mem>> -> memref<1x!tpu.dma_semaphore, #tpu.memory_space<semaphore_mem>>
      %dma_start3A_94 = tpu.memref_squeeze %dma_start3A_93 : memref<1x!tpu.dma_semaphore, #tpu.memory_space<semaphore_mem>> -> memref<!tpu.dma_semaphore, #tpu.memory_space<semaphore_mem>>
      tpu.enqueue_indirect_dma source(%dma_start3A_92 : memref<10000x64xf32, #tpu.memory_space<hbm>>) target(%dma_start3A_86 : memref<128x64xf32, #tpu.memory_space<vmem>>) offsets(%dma_start3A_89 : memref<128xi32, #tpu.memory_space<vmem>>) semaphore(%dma_start3A_94 : memref<!tpu.dma_semaphore, #tpu.memory_space<semaphore_mem>>)
    } else {
    }
    %eq3A_13 = arith.constant 1 : i32
    %eq3A_14 = arith.cmpi eq, %arg0, %eq3A_13 : i32
    %convert_element_type3A_15 = arith.extui %eq3A_14 : i1 to i32
    %cond3A_16 = arith.constant 0 : i32
    %cond3A_17 = arith.cmpi ne, %convert_element_type3A_15, %cond3A_16 : i32
    scf.if %cond3A_17 {
      %dma_start3A = arith.constant 0 : i32
      %dma_start3A_81 = arith.constant 0 : i32
      %dma_start3A_82 = arith.constant 0 : i32
      %dma_start3A_83 = arith.constant 0 : i32
      %dma_start3A_84 = arith.constant 0 : i32
      %dma_start3A_85 = tpu.memref_slice %arg13[%dma_start3A_81, %dma_start3A_83, %dma_start3A_84] : memref<4x128x64xf32, #tpu.memory_space<vmem>> -> memref<1x128x64xf32, #tpu.memory_space<vmem>>
      %dma_start3A_86 = tpu.memref_squeeze %dma_start3A_85 : memref<1x128x64xf32, #tpu.memory_space<vmem>> -> memref<128x64xf32, #tpu.memory_space<vmem>>
      %dma_start3A_87 = arith.constant 0 : i32
      %dma_start3A_88 = tpu.memref_slice %arg11[%dma_start3A, %dma_start3A_87] : memref<160x128xi32, #tpu.memory_space<vmem>> -> memref<1x128xi32, #tpu.memory_space<vmem>>
      %dma_start3A_89 = tpu.memref_squeeze %dma_start3A_88 : memref<1x128xi32, #tpu.memory_space<vmem>> -> memref<128xi32, #tpu.memory_space<vmem>>
      %dma_start3A_90 = arith.constant 0 : i32
      %dma_start3A_91 = arith.constant 0 : i32
      %dma_start3A_92 = tpu.memref_slice %arg3[%dma_start3A_90, %dma_start3A_91] : memref<10000x64xf32, #tpu.memory_space<hbm>> -> memref<10000x64xf32, #tpu.memory_space<hbm>>
      %dma_start3A_93 = tpu.memref_slice %arg17[%dma_start3A_82] : memref<4x!tpu.dma_semaphore, #tpu.memory_space<semaphore_mem>> -> memref<1x!tpu.dma_semaphore, #tpu.memory_space<semaphore_mem>>
      %dma_start3A_94 = tpu.memref_squeeze %dma_start3A_93 : memref<1x!tpu.dma_semaphore, #tpu.memory_space<semaphore_mem>> -> memref<!tpu.dma_semaphore, #tpu.memory_space<semaphore_mem>>
      tpu.enqueue_indirect_dma source(%dma_start3A_92 : memref<10000x64xf32, #tpu.memory_space<hbm>>) target(%dma_start3A_86 : memref<128x64xf32, #tpu.memory_space<vmem>>) offsets(%dma_start3A_89 : memref<128xi32, #tpu.memory_space<vmem>>) semaphore(%dma_start3A_94 : memref<!tpu.dma_semaphore, #tpu.memory_space<semaphore_mem>>)
    } else {
    }
    %eq3A_18 = arith.constant 0 : i32
    %eq3A_19 = arith.cmpi eq, %arg0, %eq3A_18 : i32
    %convert_element_type3A_20 = arith.extui %eq3A_19 : i1 to i32
    %cond3A_21 = arith.constant 0 : i32
    %cond3A_22 = arith.cmpi ne, %convert_element_type3A_20, %cond3A_21 : i32
    scf.if %cond3A_22 {
      %dma_start3A = arith.constant 1 : i32
      %dma_start3A_81 = arith.constant 1 : i32
      %dma_start3A_82 = arith.constant 1 : i32
      %dma_start3A_83 = arith.constant 0 : i32
      %dma_start3A_84 = arith.constant 0 : i32
      %dma_start3A_85 = tpu.memref_slice %arg13[%dma_start3A_81, %dma_start3A_83, %dma_start3A_84] : memref<4x128x64xf32, #tpu.memory_space<vmem>> -> memref<1x128x64xf32, #tpu.memory_space<vmem>>
      %dma_start3A_86 = tpu.memref_squeeze %dma_start3A_85 : memref<1x128x64xf32, #tpu.memory_space<vmem>> -> memref<128x64xf32, #tpu.memory_space<vmem>>
      %dma_start3A_87 = arith.constant 0 : i32
      %dma_start3A_88 = tpu.memref_slice %arg11[%dma_start3A, %dma_start3A_87] : memref<160x128xi32, #tpu.memory_space<vmem>> -> memref<1x128xi32, #tpu.memory_space<vmem>>
      %dma_start3A_89 = tpu.memref_squeeze %dma_start3A_88 : memref<1x128xi32, #tpu.memory_space<vmem>> -> memref<128xi32, #tpu.memory_space<vmem>>
      %dma_start3A_90 = arith.constant 0 : i32
      %dma_start3A_91 = arith.constant 0 : i32
      %dma_start3A_92 = tpu.memref_slice %arg2[%dma_start3A_90, %dma_start3A_91] : memref<10000x64xf32, #tpu.memory_space<hbm>> -> memref<10000x64xf32, #tpu.memory_space<hbm>>
      %dma_start3A_93 = tpu.memref_slice %arg17[%dma_start3A_82] : memref<4x!tpu.dma_semaphore, #tpu.memory_space<semaphore_mem>> -> memref<1x!tpu.dma_semaphore, #tpu.memory_space<semaphore_mem>>
      %dma_start3A_94 = tpu.memref_squeeze %dma_start3A_93 : memref<1x!tpu.dma_semaphore, #tpu.memory_space<semaphore_mem>> -> memref<!tpu.dma_semaphore, #tpu.memory_space<semaphore_mem>>
      tpu.enqueue_indirect_dma source(%dma_start3A_92 : memref<10000x64xf32, #tpu.memory_space<hbm>>) target(%dma_start3A_86 : memref<128x64xf32, #tpu.memory_space<vmem>>) offsets(%dma_start3A_89 : memref<128xi32, #tpu.memory_space<vmem>>) semaphore(%dma_start3A_94 : memref<!tpu.dma_semaphore, #tpu.memory_space<semaphore_mem>>)
    } else {
    }
    %eq3A_23 = arith.constant 1 : i32
    %eq3A_24 = arith.cmpi eq, %arg0, %eq3A_23 : i32
    %convert_element_type3A_25 = arith.extui %eq3A_24 : i1 to i32
    %cond3A_26 = arith.constant 0 : i32
    %cond3A_27 = arith.cmpi ne, %convert_element_type3A_25, %cond3A_26 : i32
    scf.if %cond3A_27 {
      %dma_start3A = arith.constant 1 : i32
      %dma_start3A_81 = arith.constant 1 : i32
      %dma_start3A_82 = arith.constant 1 : i32
      %dma_start3A_83 = arith.constant 0 : i32
      %dma_start3A_84 = arith.constant 0 : i32
      %dma_start3A_85 = tpu.memref_slice %arg13[%dma_start3A_81, %dma_start3A_83, %dma_start3A_84] : memref<4x128x64xf32, #tpu.memory_space<vmem>> -> memref<1x128x64xf32, #tpu.memory_space<vmem>>
      %dma_start3A_86 = tpu.memref_squeeze %dma_start3A_85 : memref<1x128x64xf32, #tpu.memory_space<vmem>> -> memref<128x64xf32, #tpu.memory_space<vmem>>
      %dma_start3A_87 = arith.constant 0 : i32
      %dma_start3A_88 = tpu.memref_slice %arg11[%dma_start3A, %dma_start3A_87] : memref<160x128xi32, #tpu.memory_space<vmem>> -> memref<1x128xi32, #tpu.memory_space<vmem>>
      %dma_start3A_89 = tpu.memref_squeeze %dma_start3A_88 : memref<1x128xi32, #tpu.memory_space<vmem>> -> memref<128xi32, #tpu.memory_space<vmem>>
      %dma_start3A_90 = arith.constant 0 : i32
      %dma_start3A_91 = arith.constant 0 : i32
      %dma_start3A_92 = tpu.memref_slice %arg3[%dma_start3A_90, %dma_start3A_91] : memref<10000x64xf32, #tpu.memory_space<hbm>> -> memref<10000x64xf32, #tpu.memory_space<hbm>>
      %dma_start3A_93 = tpu.memref_slice %arg17[%dma_start3A_82] : memref<4x!tpu.dma_semaphore, #tpu.memory_space<semaphore_mem>> -> memref<1x!tpu.dma_semaphore, #tpu.memory_space<semaphore_mem>>
      %dma_start3A_94 = tpu.memref_squeeze %dma_start3A_93 : memref<1x!tpu.dma_semaphore, #tpu.memory_space<semaphore_mem>> -> memref<!tpu.dma_semaphore, #tpu.memory_space<semaphore_mem>>
      tpu.enqueue_indirect_dma source(%dma_start3A_92 : memref<10000x64xf32, #tpu.memory_space<hbm>>) target(%dma_start3A_86 : memref<128x64xf32, #tpu.memory_space<vmem>>) offsets(%dma_start3A_89 : memref<128xi32, #tpu.memory_space<vmem>>) semaphore(%dma_start3A_94 : memref<!tpu.dma_semaphore, #tpu.memory_space<semaphore_mem>>)
    } else {
    }
    %eq3A_28 = arith.constant 0 : i32
    %eq3A_29 = arith.cmpi eq, %arg0, %eq3A_28 : i32
    %convert_element_type3A_30 = arith.extui %eq3A_29 : i1 to i32
    %cond3A_31 = arith.constant 0 : i32
    %cond3A_32 = arith.cmpi ne, %convert_element_type3A_30, %cond3A_31 : i32
    scf.if %cond3A_32 {
      %dma_start3A = arith.constant 2 : i32
      %dma_start3A_81 = arith.constant 2 : i32
      %dma_start3A_82 = arith.constant 2 : i32
      %dma_start3A_83 = arith.constant 0 : i32
      %dma_start3A_84 = arith.constant 0 : i32
      %dma_start3A_85 = tpu.memref_slice %arg13[%dma_start3A_81, %dma_start3A_83, %dma_start3A_84] : memref<4x128x64xf32, #tpu.memory_space<vmem>> -> memref<1x128x64xf32, #tpu.memory_space<vmem>>
      %dma_start3A_86 = tpu.memref_squeeze %dma_start3A_85 : memref<1x128x64xf32, #tpu.memory_space<vmem>> -> memref<128x64xf32, #tpu.memory_space<vmem>>
      %dma_start3A_87 = arith.constant 0 : i32
      %dma_start3A_88 = tpu.memref_slice %arg11[%dma_start3A, %dma_start3A_87] : memref<160x128xi32, #tpu.memory_space<vmem>> -> memref<1x128xi32, #tpu.memory_space<vmem>>
      %dma_start3A_89 = tpu.memref_squeeze %dma_start3A_88 : memref<1x128xi32, #tpu.memory_space<vmem>> -> memref<128xi32, #tpu.memory_space<vmem>>
      %dma_start3A_90 = arith.constant 0 : i32
      %dma_start3A_91 = arith.constant 0 : i32
      %dma_start3A_92 = tpu.memref_slice %arg2[%dma_start3A_90, %dma_start3A_91] : memref<10000x64xf32, #tpu.memory_space<hbm>> -> memref<10000x64xf32, #tpu.memory_space<hbm>>
      %dma_start3A_93 = tpu.memref_slice %arg17[%dma_start3A_82] : memref<4x!tpu.dma_semaphore, #tpu.memory_space<semaphore_mem>> -> memref<1x!tpu.dma_semaphore, #tpu.memory_space<semaphore_mem>>
      %dma_start3A_94 = tpu.memref_squeeze %dma_start3A_93 : memref<1x!tpu.dma_semaphore, #tpu.memory_space<semaphore_mem>> -> memref<!tpu.dma_semaphore, #tpu.memory_space<semaphore_mem>>
      tpu.enqueue_indirect_dma source(%dma_start3A_92 : memref<10000x64xf32, #tpu.memory_space<hbm>>) target(%dma_start3A_86 : memref<128x64xf32, #tpu.memory_space<vmem>>) offsets(%dma_start3A_89 : memref<128xi32, #tpu.memory_space<vmem>>) semaphore(%dma_start3A_94 : memref<!tpu.dma_semaphore, #tpu.memory_space<semaphore_mem>>)
    } else {
    }
    %eq3A_33 = arith.constant 1 : i32
    %eq3A_34 = arith.cmpi eq, %arg0, %eq3A_33 : i32
    %convert_element_type3A_35 = arith.extui %eq3A_34 : i1 to i32
    %cond3A_36 = arith.constant 0 : i32
    %cond3A_37 = arith.cmpi ne, %convert_element_type3A_35, %cond3A_36 : i32
    scf.if %cond3A_37 {
      %dma_start3A = arith.constant 2 : i32
      %dma_start3A_81 = arith.constant 2 : i32
      %dma_start3A_82 = arith.constant 2 : i32
      %dma_start3A_83 = arith.constant 0 : i32
      %dma_start3A_84 = arith.constant 0 : i32
      %dma_start3A_85 = tpu.memref_slice %arg13[%dma_start3A_81, %dma_start3A_83, %dma_start3A_84] : memref<4x128x64xf32, #tpu.memory_space<vmem>> -> memref<1x128x64xf32, #tpu.memory_space<vmem>>
      %dma_start3A_86 = tpu.memref_squeeze %dma_start3A_85 : memref<1x128x64xf32, #tpu.memory_space<vmem>> -> memref<128x64xf32, #tpu.memory_space<vmem>>
      %dma_start3A_87 = arith.constant 0 : i32
      %dma_start3A_88 = tpu.memref_slice %arg11[%dma_start3A, %dma_start3A_87] : memref<160x128xi32, #tpu.memory_space<vmem>> -> memref<1x128xi32, #tpu.memory_space<vmem>>
      %dma_start3A_89 = tpu.memref_squeeze %dma_start3A_88 : memref<1x128xi32, #tpu.memory_space<vmem>> -> memref<128xi32, #tpu.memory_space<vmem>>
      %dma_start3A_90 = arith.constant 0 : i32
      %dma_start3A_91 = arith.constant 0 : i32
      %dma_start3A_92 = tpu.memref_slice %arg3[%dma_start3A_90, %dma_start3A_91] : memref<10000x64xf32, #tpu.memory_space<hbm>> -> memref<10000x64xf32, #tpu.memory_space<hbm>>
      %dma_start3A_93 = tpu.memref_slice %arg17[%dma_start3A_82] : memref<4x!tpu.dma_semaphore, #tpu.memory_space<semaphore_mem>> -> memref<1x!tpu.dma_semaphore, #tpu.memory_space<semaphore_mem>>
      %dma_start3A_94 = tpu.memref_squeeze %dma_start3A_93 : memref<1x!tpu.dma_semaphore, #tpu.memory_space<semaphore_mem>> -> memref<!tpu.dma_semaphore, #tpu.memory_space<semaphore_mem>>
      tpu.enqueue_indirect_dma source(%dma_start3A_92 : memref<10000x64xf32, #tpu.memory_space<hbm>>) target(%dma_start3A_86 : memref<128x64xf32, #tpu.memory_space<vmem>>) offsets(%dma_start3A_89 : memref<128xi32, #tpu.memory_space<vmem>>) semaphore(%dma_start3A_94 : memref<!tpu.dma_semaphore, #tpu.memory_space<semaphore_mem>>)
    } else {
    }
    %eq3A_38 = arith.constant 0 : i32
    %eq3A_39 = arith.cmpi eq, %arg0, %eq3A_38 : i32
    %convert_element_type3A_40 = arith.extui %eq3A_39 : i1 to i32
    %cond3A_41 = arith.constant 0 : i32
    %cond3A_42 = arith.cmpi ne, %convert_element_type3A_40, %cond3A_41 : i32
    scf.if %cond3A_42 {
      %dma_start3A = arith.constant 3 : i32
      %dma_start3A_81 = arith.constant 3 : i32
      %dma_start3A_82 = arith.constant 3 : i32
      %dma_start3A_83 = arith.constant 0 : i32
      %dma_start3A_84 = arith.constant 0 : i32
      %dma_start3A_85 = tpu.memref_slice %arg13[%dma_start3A_81, %dma_start3A_83, %dma_start3A_84] : memref<4x128x64xf32, #tpu.memory_space<vmem>> -> memref<1x128x64xf32, #tpu.memory_space<vmem>>
      %dma_start3A_86 = tpu.memref_squeeze %dma_start3A_85 : memref<1x128x64xf32, #tpu.memory_space<vmem>> -> memref<128x64xf32, #tpu.memory_space<vmem>>
      %dma_start3A_87 = arith.constant 0 : i32
      %dma_start3A_88 = tpu.memref_slice %arg11[%dma_start3A, %dma_start3A_87] : memref<160x128xi32, #tpu.memory_space<vmem>> -> memref<1x128xi32, #tpu.memory_space<vmem>>
      %dma_start3A_89 = tpu.memref_squeeze %dma_start3A_88 : memref<1x128xi32, #tpu.memory_space<vmem>> -> memref<128xi32, #tpu.memory_space<vmem>>
      %dma_start3A_90 = arith.constant 0 : i32
      %dma_start3A_91 = arith.constant 0 : i32
      %dma_start3A_92 = tpu.memref_slice %arg2[%dma_start3A_90, %dma_start3A_91] : memref<10000x64xf32, #tpu.memory_space<hbm>> -> memref<10000x64xf32, #tpu.memory_space<hbm>>
      %dma_start3A_93 = tpu.memref_slice %arg17[%dma_start3A_82] : memref<4x!tpu.dma_semaphore, #tpu.memory_space<semaphore_mem>> -> memref<1x!tpu.dma_semaphore, #tpu.memory_space<semaphore_mem>>
      %dma_start3A_94 = tpu.memref_squeeze %dma_start3A_93 : memref<1x!tpu.dma_semaphore, #tpu.memory_space<semaphore_mem>> -> memref<!tpu.dma_semaphore, #tpu.memory_space<semaphore_mem>>
      tpu.enqueue_indirect_dma source(%dma_start3A_92 : memref<10000x64xf32, #tpu.memory_space<hbm>>) target(%dma_start3A_86 : memref<128x64xf32, #tpu.memory_space<vmem>>) offsets(%dma_start3A_89 : memref<128xi32, #tpu.memory_space<vmem>>) semaphore(%dma_start3A_94 : memref<!tpu.dma_semaphore, #tpu.memory_space<semaphore_mem>>)
    } else {
    }
    %eq3A_43 = arith.constant 1 : i32
    %eq3A_44 = arith.cmpi eq, %arg0, %eq3A_43 : i32
    %convert_element_type3A_45 = arith.extui %eq3A_44 : i1 to i32
    %cond3A_46 = arith.constant 0 : i32
    %cond3A_47 = arith.cmpi ne, %convert_element_type3A_45, %cond3A_46 : i32
    scf.if %cond3A_47 {
      %dma_start3A = arith.constant 3 : i32
      %dma_start3A_81 = arith.constant 3 : i32
      %dma_start3A_82 = arith.constant 3 : i32
      %dma_start3A_83 = arith.constant 0 : i32
      %dma_start3A_84 = arith.constant 0 : i32
      %dma_start3A_85 = tpu.memref_slice %arg13[%dma_start3A_81, %dma_start3A_83, %dma_start3A_84] : memref<4x128x64xf32, #tpu.memory_space<vmem>> -> memref<1x128x64xf32, #tpu.memory_space<vmem>>
      %dma_start3A_86 = tpu.memref_squeeze %dma_start3A_85 : memref<1x128x64xf32, #tpu.memory_space<vmem>> -> memref<128x64xf32, #tpu.memory_space<vmem>>
      %dma_start3A_87 = arith.constant 0 : i32
      %dma_start3A_88 = tpu.memref_slice %arg11[%dma_start3A, %dma_start3A_87] : memref<160x128xi32, #tpu.memory_space<vmem>> -> memref<1x128xi32, #tpu.memory_space<vmem>>
      %dma_start3A_89 = tpu.memref_squeeze %dma_start3A_88 : memref<1x128xi32, #tpu.memory_space<vmem>> -> memref<128xi32, #tpu.memory_space<vmem>>
      %dma_start3A_90 = arith.constant 0 : i32
      %dma_start3A_91 = arith.constant 0 : i32
      %dma_start3A_92 = tpu.memref_slice %arg3[%dma_start3A_90, %dma_start3A_91] : memref<10000x64xf32, #tpu.memory_space<hbm>> -> memref<10000x64xf32, #tpu.memory_space<hbm>>
      %dma_start3A_93 = tpu.memref_slice %arg17[%dma_start3A_82] : memref<4x!tpu.dma_semaphore, #tpu.memory_space<semaphore_mem>> -> memref<1x!tpu.dma_semaphore, #tpu.memory_space<semaphore_mem>>
      %dma_start3A_94 = tpu.memref_squeeze %dma_start3A_93 : memref<1x!tpu.dma_semaphore, #tpu.memory_space<semaphore_mem>> -> memref<!tpu.dma_semaphore, #tpu.memory_space<semaphore_mem>>
      tpu.enqueue_indirect_dma source(%dma_start3A_92 : memref<10000x64xf32, #tpu.memory_space<hbm>>) target(%dma_start3A_86 : memref<128x64xf32, #tpu.memory_space<vmem>>) offsets(%dma_start3A_89 : memref<128xi32, #tpu.memory_space<vmem>>) semaphore(%dma_start3A_94 : memref<!tpu.dma_semaphore, #tpu.memory_space<semaphore_mem>>)
    } else {
    }
    %scan3A = arith.constant 0 : i32
    %scan3A_48 = arith.constant 40 : i32
    %scan3A_49 = arith.addi %scan3A, %scan3A_48 : i32
    %scan3A_50 = arith.constant 1 : i32
    scf.for %scan3A_81 = %scan3A to %scan3A_49 step %scan3A_50  : i32 {
      %mul3A_82 = arith.constant 4 : i32
      %mul3A_83 = arith.muli %scan3A_81, %mul3A_82 : i32
      %add3A = arith.constant 0 : i32
      %add3A_84 = arith.addi %add3A, %mul3A_83 : i32
      %add3A_85 = arith.constant 0 : i32
      %add3A_86 = arith.addi %add3A_84, %add3A_85 : i32
      %dma_wait3A = arith.constant 0 : i32
      %dma_wait3A_87 = arith.constant 0 : i32
      %dma_wait3A_88 = arith.constant 0 : i32
      %dma_wait3A_89 = arith.constant 0 : i32
      %dma_wait3A_90 = tpu.memref_slice %arg13[%dma_wait3A, %dma_wait3A_88, %dma_wait3A_89] : memref<4x128x64xf32, #tpu.memory_space<vmem>> -> memref<1x128x64xf32, #tpu.memory_space<vmem>>
      %dma_wait3A_91 = tpu.memref_squeeze %dma_wait3A_90 : memref<1x128x64xf32, #tpu.memory_space<vmem>> -> memref<128x64xf32, #tpu.memory_space<vmem>>
      %dma_wait3A_92 = arith.constant 0 : i32
      %dma_wait3A_93 = tpu.memref_slice %arg11[%add3A_86, %dma_wait3A_92] : memref<160x128xi32, #tpu.memory_space<vmem>> -> memref<1x128xi32, #tpu.memory_space<vmem>>
      %dma_wait3A_94 = tpu.memref_squeeze %dma_wait3A_93 : memref<1x128xi32, #tpu.memory_space<vmem>> -> memref<128xi32, #tpu.memory_space<vmem>>
      %dma_wait3A_95 = arith.constant 0 : i32
      %dma_wait3A_96 = arith.constant 0 : i32
      %dma_wait3A_97 = tpu.memref_slice %arg2[%dma_wait3A_95, %dma_wait3A_96] : memref<10000x64xf32, #tpu.memory_space<hbm>> -> memref<10000x64xf32, #tpu.memory_space<hbm>>
      %dma_wait3A_98 = tpu.memref_slice %arg17[%dma_wait3A_87] : memref<4x!tpu.dma_semaphore, #tpu.memory_space<semaphore_mem>> -> memref<1x!tpu.dma_semaphore, #tpu.memory_space<semaphore_mem>>
      %dma_wait3A_99 = tpu.memref_squeeze %dma_wait3A_98 : memref<1x!tpu.dma_semaphore, #tpu.memory_space<semaphore_mem>> -> memref<!tpu.dma_semaphore, #tpu.memory_space<semaphore_mem>>
      tpu.wait_indirect_dma semaphore(%dma_wait3A_99 : memref<!tpu.dma_semaphore, #tpu.memory_space<semaphore_mem>>) src(%dma_wait3A_97 : memref<10000x64xf32, #tpu.memory_space<hbm>>) dst(%dma_wait3A_91 : memref<128x64xf32, #tpu.memory_space<vmem>>)
      %run_scoped3A = arith.constant 0 : i32
      "tpu.region"() ({
        %run_scoped3A_198 = tpu.sem_alloc : memref<!tpu.dma_semaphore, #tpu.memory_space<semaphore_mem>>
        %dma_start3A = arith.constant 0 : i32
        %dma_start3A_199 = arith.constant 0 : i32
        %dma_start3A_200 = tpu.memref_slice %arg13[%run_scoped3A, %dma_start3A, %dma_start3A_199] : memref<4x128x64xf32, #tpu.memory_space<vmem>> -> memref<1x128x64xf32, #tpu.memory_space<vmem>>
        %dma_start3A_201 = tpu.memref_squeeze %dma_start3A_200 : memref<1x128x64xf32, #tpu.memory_space<vmem>> -> memref<128x64xf32, #tpu.memory_space<vmem>>
        %dma_start3A_202 = arith.constant 0 : i32
        %dma_start3A_203 = tpu.memref_slice %arg12[%add3A_86, %dma_start3A_202] : memref<160x128xi32, #tpu.memory_space<vmem>> -> memref<1x128xi32, #tpu.memory_space<vmem>>
        %dma_start3A_204 = tpu.memref_squeeze %dma_start3A_203 : memref<1x128xi32, #tpu.memory_space<vmem>> -> memref<128xi32, #tpu.memory_space<vmem>>
        %dma_start3A_205 = arith.constant 0 : i32
        %dma_start3A_206 = arith.constant 0 : i32
        %dma_start3A_207 = tpu.memref_slice %arg15[%dma_start3A_205, %dma_start3A_206] : memref<10112x64xf32, #tpu.memory_space<vmem_shared>> -> memref<10112x64xf32, #tpu.memory_space<vmem_shared>>
        tpu.enqueue_indirect_dma source(%dma_start3A_201 : memref<128x64xf32, #tpu.memory_space<vmem>>) target(%dma_start3A_207 : memref<10112x64xf32, #tpu.memory_space<vmem_shared>>) offsets(%dma_start3A_204 : memref<128xi32, #tpu.memory_space<vmem>>) semaphore(%run_scoped3A_198 : memref<!tpu.dma_semaphore, #tpu.memory_space<semaphore_mem>>) {add = true}
        %dma_wait3A_208 = arith.constant 0 : i32
        %dma_wait3A_209 = arith.constant 0 : i32
        %dma_wait3A_210 = tpu.memref_slice %arg13[%run_scoped3A, %dma_wait3A_208, %dma_wait3A_209] : memref<4x128x64xf32, #tpu.memory_space<vmem>> -> memref<1x128x64xf32, #tpu.memory_space<vmem>>
        %dma_wait3A_211 = tpu.memref_squeeze %dma_wait3A_210 : memref<1x128x64xf32, #tpu.memory_space<vmem>> -> memref<128x64xf32, #tpu.memory_space<vmem>>
        %dma_wait3A_212 = arith.constant 0 : i32
        %dma_wait3A_213 = tpu.memref_slice %arg12[%add3A_86, %dma_wait3A_212] : memref<160x128xi32, #tpu.memory_space<vmem>> -> memref<1x128xi32, #tpu.memory_space<vmem>>
        %dma_wait3A_214 = tpu.memref_squeeze %dma_wait3A_213 : memref<1x128xi32, #tpu.memory_space<vmem>> -> memref<128xi32, #tpu.memory_space<vmem>>
        %dma_wait3A_215 = arith.constant 0 : i32
        %dma_wait3A_216 = arith.constant 0 : i32
        %dma_wait3A_217 = tpu.memref_slice %arg15[%dma_wait3A_215, %dma_wait3A_216] : memref<10112x64xf32, #tpu.memory_space<vmem_shared>> -> memref<10112x64xf32, #tpu.memory_space<vmem_shared>>
        tpu.wait_indirect_dma semaphore(%run_scoped3A_198 : memref<!tpu.dma_semaphore, #tpu.memory_space<semaphore_mem>>) src(%dma_wait3A_211 : memref<128x64xf32, #tpu.memory_space<vmem>>) dst(%dma_wait3A_217 : memref<10112x64xf32, #tpu.memory_space<vmem_shared>>)
        tpu.yield
      }) : () -> ()
      %eq3A_100 = arith.constant 0 : i32
      %eq3A_101 = arith.cmpi eq, %arg0, %eq3A_100 : i32
      %convert_element_type3A_102 = arith.extui %eq3A_101 : i1 to i32
      %cond3A_103 = arith.constant 0 : i32
      %cond3A_104 = arith.cmpi ne, %convert_element_type3A_102, %cond3A_103 : i32
      scf.if %cond3A_104 {
        %gt3A = arith.constant 0 : i32
        %gt3A_198 = arith.cmpi sgt, %add3A_84, %gt3A : i32
        %convert_element_type3A_199 = arith.extui %gt3A_198 : i1 to i32
        %cond3A_200 = arith.constant 0 : i32
        %cond3A_201 = arith.cmpi ne, %convert_element_type3A_199, %cond3A_200 : i32
        scf.if %cond3A_201 {
          %sub3A = arith.constant 4 : i32
          %sub3A_210 = arith.subi %add3A_84, %sub3A : i32
          %add3A_211 = arith.constant 0 : i32
          %add3A_212 = arith.addi %sub3A_210, %add3A_211 : i32
          %dma_wait3A_213 = arith.constant 0 : i32
          %dma_wait3A_214 = arith.constant 0 : i32
          %dma_wait3A_215 = tpu.memref_slice %arg12[%add3A_212, %dma_wait3A_214] : memref<160x128xi32, #tpu.memory_space<vmem>> -> memref<1x128xi32, #tpu.memory_space<vmem>>
          %dma_wait3A_216 = tpu.memref_squeeze %dma_wait3A_215 : memref<1x128xi32, #tpu.memory_space<vmem>> -> memref<128xi32, #tpu.memory_space<vmem>>
          %dma_wait3A_217 = arith.constant 0 : i32
          %dma_wait3A_218 = arith.constant 0 : i32
          %dma_wait3A_219 = tpu.memref_slice %arg16[%dma_wait3A_217, %dma_wait3A_218] : memref<10112x16xf32, #tpu.memory_space<vmem_shared>> -> memref<10112x16xf32, #tpu.memory_space<vmem_shared>>
          %dma_wait3A_220 = tpu.memref_slice %arg19[%dma_wait3A_213] : memref<4x!tpu.dma_semaphore, #tpu.memory_space<semaphore_mem>> -> memref<1x!tpu.dma_semaphore, #tpu.memory_space<semaphore_mem>>
          %dma_wait3A_221 = tpu.memref_squeeze %dma_wait3A_220 : memref<1x!tpu.dma_semaphore, #tpu.memory_space<semaphore_mem>> -> memref<!tpu.dma_semaphore, #tpu.memory_space<semaphore_mem>>
          tpu.wait_indirect_dma semaphore(%dma_wait3A_221 : memref<!tpu.dma_semaphore, #tpu.memory_space<semaphore_mem>>) src(%arg14 : memref<128x16xf32, #tpu.memory_space<vmem>>) dst(%dma_wait3A_219 : memref<10112x16xf32, #tpu.memory_space<vmem_shared>>)
        } else {
        }
        %dma_start3A = arith.constant 0 : i32
        %dma_start3A_202 = arith.constant 0 : i32
        %dma_start3A_203 = tpu.memref_slice %arg12[%add3A_86, %dma_start3A_202] : memref<160x128xi32, #tpu.memory_space<vmem>> -> memref<1x128xi32, #tpu.memory_space<vmem>>
        %dma_start3A_204 = tpu.memref_squeeze %dma_start3A_203 : memref<1x128xi32, #tpu.memory_space<vmem>> -> memref<128xi32, #tpu.memory_space<vmem>>
        %dma_start3A_205 = arith.constant 0 : i32
        %dma_start3A_206 = arith.constant 0 : i32
        %dma_start3A_207 = tpu.memref_slice %arg16[%dma_start3A_205, %dma_start3A_206] : memref<10112x16xf32, #tpu.memory_space<vmem_shared>> -> memref<10112x16xf32, #tpu.memory_space<vmem_shared>>
        %dma_start3A_208 = tpu.memref_slice %arg19[%dma_start3A] : memref<4x!tpu.dma_semaphore, #tpu.memory_space<semaphore_mem>> -> memref<1x!tpu.dma_semaphore, #tpu.memory_space<semaphore_mem>>
        %dma_start3A_209 = tpu.memref_squeeze %dma_start3A_208 : memref<1x!tpu.dma_semaphore, #tpu.memory_space<semaphore_mem>> -> memref<!tpu.dma_semaphore, #tpu.memory_space<semaphore_mem>>
        tpu.enqueue_indirect_dma source(%arg14 : memref<128x16xf32, #tpu.memory_space<vmem>>) target(%dma_start3A_207 : memref<10112x16xf32, #tpu.memory_space<vmem_shared>>) offsets(%dma_start3A_204 : memref<128xi32, #tpu.memory_space<vmem>>) semaphore(%dma_start3A_209 : memref<!tpu.dma_semaphore, #tpu.memory_space<semaphore_mem>>) {add = true}
      } else {
      }
      %add3A_105 = arith.constant 4 : i32
      %add3A_106 = arith.addi %add3A_86, %add3A_105 : i32
      %lt3A = arith.constant 160 : i32
      %lt3A_107 = arith.cmpi slt, %add3A_106, %lt3A : i32
      %convert_element_type3A_108 = arith.extui %lt3A_107 : i1 to i32
      %cond3A_109 = arith.constant 0 : i32
      %cond3A_110 = arith.cmpi ne, %convert_element_type3A_108, %cond3A_109 : i32
      scf.if %cond3A_110 {
        %eq3A_198 = arith.constant 0 : i32
        %eq3A_199 = arith.cmpi eq, %arg0, %eq3A_198 : i32
        %convert_element_type3A_200 = arith.extui %eq3A_199 : i1 to i32
        %cond3A_201 = arith.constant 0 : i32
        %cond3A_202 = arith.cmpi ne, %convert_element_type3A_200, %cond3A_201 : i32
        scf.if %cond3A_202 {
          %dma_start3A = arith.constant 0 : i32
          %dma_start3A_208 = arith.constant 0 : i32
          %dma_start3A_209 = arith.constant 0 : i32
          %dma_start3A_210 = arith.constant 0 : i32
          %dma_start3A_211 = tpu.memref_slice %arg13[%dma_start3A, %dma_start3A_209, %dma_start3A_210] : memref<4x128x64xf32, #tpu.memory_space<vmem>> -> memref<1x128x64xf32, #tpu.memory_space<vmem>>
          %dma_start3A_212 = tpu.memref_squeeze %dma_start3A_211 : memref<1x128x64xf32, #tpu.memory_space<vmem>> -> memref<128x64xf32, #tpu.memory_space<vmem>>
          %dma_start3A_213 = arith.constant 0 : i32
          %dma_start3A_214 = tpu.memref_slice %arg11[%add3A_106, %dma_start3A_213] : memref<160x128xi32, #tpu.memory_space<vmem>> -> memref<1x128xi32, #tpu.memory_space<vmem>>
          %dma_start3A_215 = tpu.memref_squeeze %dma_start3A_214 : memref<1x128xi32, #tpu.memory_space<vmem>> -> memref<128xi32, #tpu.memory_space<vmem>>
          %dma_start3A_216 = arith.constant 0 : i32
          %dma_start3A_217 = arith.constant 0 : i32
          %dma_start3A_218 = tpu.memref_slice %arg2[%dma_start3A_216, %dma_start3A_217] : memref<10000x64xf32, #tpu.memory_space<hbm>> -> memref<10000x64xf32, #tpu.memory_space<hbm>>
          %dma_start3A_219 = tpu.memref_slice %arg17[%dma_start3A_208] : memref<4x!tpu.dma_semaphore, #tpu.memory_space<semaphore_mem>> -> memref<1x!tpu.dma_semaphore, #tpu.memory_space<semaphore_mem>>
          %dma_start3A_220 = tpu.memref_squeeze %dma_start3A_219 : memref<1x!tpu.dma_semaphore, #tpu.memory_space<semaphore_mem>> -> memref<!tpu.dma_semaphore, #tpu.memory_space<semaphore_mem>>
          tpu.enqueue_indirect_dma source(%dma_start3A_218 : memref<10000x64xf32, #tpu.memory_space<hbm>>) target(%dma_start3A_212 : memref<128x64xf32, #tpu.memory_space<vmem>>) offsets(%dma_start3A_215 : memref<128xi32, #tpu.memory_space<vmem>>) semaphore(%dma_start3A_220 : memref<!tpu.dma_semaphore, #tpu.memory_space<semaphore_mem>>)
        } else {
        }
        %eq3A_203 = arith.constant 1 : i32
        %eq3A_204 = arith.cmpi eq, %arg0, %eq3A_203 : i32
        %convert_element_type3A_205 = arith.extui %eq3A_204 : i1 to i32
        %cond3A_206 = arith.constant 0 : i32
        %cond3A_207 = arith.cmpi ne, %convert_element_type3A_205, %cond3A_206 : i32
        scf.if %cond3A_207 {
          %dma_start3A = arith.constant 0 : i32
          %dma_start3A_208 = arith.constant 0 : i32
          %dma_start3A_209 = arith.constant 0 : i32
          %dma_start3A_210 = arith.constant 0 : i32
          %dma_start3A_211 = tpu.memref_slice %arg13[%dma_start3A, %dma_start3A_209, %dma_start3A_210] : memref<4x128x64xf32, #tpu.memory_space<vmem>> -> memref<1x128x64xf32, #tpu.memory_space<vmem>>
          %dma_start3A_212 = tpu.memref_squeeze %dma_start3A_211 : memref<1x128x64xf32, #tpu.memory_space<vmem>> -> memref<128x64xf32, #tpu.memory_space<vmem>>
          %dma_start3A_213 = arith.constant 0 : i32
          %dma_start3A_214 = tpu.memref_slice %arg11[%add3A_106, %dma_start3A_213] : memref<160x128xi32, #tpu.memory_space<vmem>> -> memref<1x128xi32, #tpu.memory_space<vmem>>
          %dma_start3A_215 = tpu.memref_squeeze %dma_start3A_214 : memref<1x128xi32, #tpu.memory_space<vmem>> -> memref<128xi32, #tpu.memory_space<vmem>>
          %dma_start3A_216 = arith.constant 0 : i32
          %dma_start3A_217 = arith.constant 0 : i32
          %dma_start3A_218 = tpu.memref_slice %arg3[%dma_start3A_216, %dma_start3A_217] : memref<10000x64xf32, #tpu.memory_space<hbm>> -> memref<10000x64xf32, #tpu.memory_space<hbm>>
          %dma_start3A_219 = tpu.memref_slice %arg17[%dma_start3A_208] : memref<4x!tpu.dma_semaphore, #tpu.memory_space<semaphore_mem>> -> memref<1x!tpu.dma_semaphore, #tpu.memory_space<semaphore_mem>>
          %dma_start3A_220 = tpu.memref_squeeze %dma_start3A_219 : memref<1x!tpu.dma_semaphore, #tpu.memory_space<semaphore_mem>> -> memref<!tpu.dma_semaphore, #tpu.memory_space<semaphore_mem>>
          tpu.enqueue_indirect_dma source(%dma_start3A_218 : memref<10000x64xf32, #tpu.memory_space<hbm>>) target(%dma_start3A_212 : memref<128x64xf32, #tpu.memory_space<vmem>>) offsets(%dma_start3A_215 : memref<128xi32, #tpu.memory_space<vmem>>) semaphore(%dma_start3A_220 : memref<!tpu.dma_semaphore, #tpu.memory_space<semaphore_mem>>)
        } else {
        }
      } else {
      }
      %add3A_111 = arith.constant 1 : i32
      %add3A_112 = arith.addi %add3A_84, %add3A_111 : i32
      %dma_wait3A_113 = arith.constant 1 : i32
      %dma_wait3A_114 = arith.constant 1 : i32
      %dma_wait3A_115 = arith.constant 0 : i32
      %dma_wait3A_116 = arith.constant 0 : i32
      %dma_wait3A_117 = tpu.memref_slice %arg13[%dma_wait3A_113, %dma_wait3A_115, %dma_wait3A_116] : memref<4x128x64xf32, #tpu.memory_space<vmem>> -> memref<1x128x64xf32, #tpu.memory_space<vmem>>
      %dma_wait3A_118 = tpu.memref_squeeze %dma_wait3A_117 : memref<1x128x64xf32, #tpu.memory_space<vmem>> -> memref<128x64xf32, #tpu.memory_space<vmem>>
      %dma_wait3A_119 = arith.constant 0 : i32
      %dma_wait3A_120 = tpu.memref_slice %arg11[%add3A_112, %dma_wait3A_119] : memref<160x128xi32, #tpu.memory_space<vmem>> -> memref<1x128xi32, #tpu.memory_space<vmem>>
      %dma_wait3A_121 = tpu.memref_squeeze %dma_wait3A_120 : memref<1x128xi32, #tpu.memory_space<vmem>> -> memref<128xi32, #tpu.memory_space<vmem>>
      %dma_wait3A_122 = arith.constant 0 : i32
      %dma_wait3A_123 = arith.constant 0 : i32
      %dma_wait3A_124 = tpu.memref_slice %arg2[%dma_wait3A_122, %dma_wait3A_123] : memref<10000x64xf32, #tpu.memory_space<hbm>> -> memref<10000x64xf32, #tpu.memory_space<hbm>>
      %dma_wait3A_125 = tpu.memref_slice %arg17[%dma_wait3A_114] : memref<4x!tpu.dma_semaphore, #tpu.memory_space<semaphore_mem>> -> memref<1x!tpu.dma_semaphore, #tpu.memory_space<semaphore_mem>>
      %dma_wait3A_126 = tpu.memref_squeeze %dma_wait3A_125 : memref<1x!tpu.dma_semaphore, #tpu.memory_space<semaphore_mem>> -> memref<!tpu.dma_semaphore, #tpu.memory_space<semaphore_mem>>
      tpu.wait_indirect_dma semaphore(%dma_wait3A_126 : memref<!tpu.dma_semaphore, #tpu.memory_space<semaphore_mem>>) src(%dma_wait3A_124 : memref<10000x64xf32, #tpu.memory_space<hbm>>) dst(%dma_wait3A_118 : memref<128x64xf32, #tpu.memory_space<vmem>>)
      %run_scoped3A_127 = arith.constant 1 : i32
      "tpu.region"() ({
        %run_scoped3A_198 = tpu.sem_alloc : memref<!tpu.dma_semaphore, #tpu.memory_space<semaphore_mem>>
        %dma_start3A = arith.constant 0 : i32
        %dma_start3A_199 = arith.constant 0 : i32
        %dma_start3A_200 = tpu.memref_slice %arg13[%run_scoped3A_127, %dma_start3A, %dma_start3A_199] : memref<4x128x64xf32, #tpu.memory_space<vmem>> -> memref<1x128x64xf32, #tpu.memory_space<vmem>>
        %dma_start3A_201 = tpu.memref_squeeze %dma_start3A_200 : memref<1x128x64xf32, #tpu.memory_space<vmem>> -> memref<128x64xf32, #tpu.memory_space<vmem>>
        %dma_start3A_202 = arith.constant 0 : i32
        %dma_start3A_203 = tpu.memref_slice %arg12[%add3A_112, %dma_start3A_202] : memref<160x128xi32, #tpu.memory_space<vmem>> -> memref<1x128xi32, #tpu.memory_space<vmem>>
        %dma_start3A_204 = tpu.memref_squeeze %dma_start3A_203 : memref<1x128xi32, #tpu.memory_space<vmem>> -> memref<128xi32, #tpu.memory_space<vmem>>
        %dma_start3A_205 = arith.constant 0 : i32
        %dma_start3A_206 = arith.constant 0 : i32
        %dma_start3A_207 = tpu.memref_slice %arg15[%dma_start3A_205, %dma_start3A_206] : memref<10112x64xf32, #tpu.memory_space<vmem_shared>> -> memref<10112x64xf32, #tpu.memory_space<vmem_shared>>
        tpu.enqueue_indirect_dma source(%dma_start3A_201 : memref<128x64xf32, #tpu.memory_space<vmem>>) target(%dma_start3A_207 : memref<10112x64xf32, #tpu.memory_space<vmem_shared>>) offsets(%dma_start3A_204 : memref<128xi32, #tpu.memory_space<vmem>>) semaphore(%run_scoped3A_198 : memref<!tpu.dma_semaphore, #tpu.memory_space<semaphore_mem>>) {add = true}
        %dma_wait3A_208 = arith.constant 0 : i32
        %dma_wait3A_209 = arith.constant 0 : i32
        %dma_wait3A_210 = tpu.memref_slice %arg13[%run_scoped3A_127, %dma_wait3A_208, %dma_wait3A_209] : memref<4x128x64xf32, #tpu.memory_space<vmem>> -> memref<1x128x64xf32, #tpu.memory_space<vmem>>
        %dma_wait3A_211 = tpu.memref_squeeze %dma_wait3A_210 : memref<1x128x64xf32, #tpu.memory_space<vmem>> -> memref<128x64xf32, #tpu.memory_space<vmem>>
        %dma_wait3A_212 = arith.constant 0 : i32
        %dma_wait3A_213 = tpu.memref_slice %arg12[%add3A_112, %dma_wait3A_212] : memref<160x128xi32, #tpu.memory_space<vmem>> -> memref<1x128xi32, #tpu.memory_space<vmem>>
        %dma_wait3A_214 = tpu.memref_squeeze %dma_wait3A_213 : memref<1x128xi32, #tpu.memory_space<vmem>> -> memref<128xi32, #tpu.memory_space<vmem>>
        %dma_wait3A_215 = arith.constant 0 : i32
        %dma_wait3A_216 = arith.constant 0 : i32
        %dma_wait3A_217 = tpu.memref_slice %arg15[%dma_wait3A_215, %dma_wait3A_216] : memref<10112x64xf32, #tpu.memory_space<vmem_shared>> -> memref<10112x64xf32, #tpu.memory_space<vmem_shared>>
        tpu.wait_indirect_dma semaphore(%run_scoped3A_198 : memref<!tpu.dma_semaphore, #tpu.memory_space<semaphore_mem>>) src(%dma_wait3A_211 : memref<128x64xf32, #tpu.memory_space<vmem>>) dst(%dma_wait3A_217 : memref<10112x64xf32, #tpu.memory_space<vmem_shared>>)
        tpu.yield
      }) : () -> ()
      %eq3A_128 = arith.constant 1 : i32
      %eq3A_129 = arith.cmpi eq, %arg0, %eq3A_128 : i32
      %convert_element_type3A_130 = arith.extui %eq3A_129 : i1 to i32
      %cond3A_131 = arith.constant 0 : i32
      %cond3A_132 = arith.cmpi ne, %convert_element_type3A_130, %cond3A_131 : i32
      scf.if %cond3A_132 {
        %gt3A = arith.constant 0 : i32
        %gt3A_198 = arith.cmpi sgt, %add3A_84, %gt3A : i32
        %convert_element_type3A_199 = arith.extui %gt3A_198 : i1 to i32
        %cond3A_200 = arith.constant 0 : i32
        %cond3A_201 = arith.cmpi ne, %convert_element_type3A_199, %cond3A_200 : i32
        scf.if %cond3A_201 {
          %sub3A = arith.constant 4 : i32
          %sub3A_210 = arith.subi %add3A_84, %sub3A : i32
          %add3A_211 = arith.constant 1 : i32
          %add3A_212 = arith.addi %sub3A_210, %add3A_211 : i32
          %dma_wait3A_213 = arith.constant 1 : i32
          %dma_wait3A_214 = arith.constant 0 : i32
          %dma_wait3A_215 = tpu.memref_slice %arg12[%add3A_212, %dma_wait3A_214] : memref<160x128xi32, #tpu.memory_space<vmem>> -> memref<1x128xi32, #tpu.memory_space<vmem>>
          %dma_wait3A_216 = tpu.memref_squeeze %dma_wait3A_215 : memref<1x128xi32, #tpu.memory_space<vmem>> -> memref<128xi32, #tpu.memory_space<vmem>>
          %dma_wait3A_217 = arith.constant 0 : i32
          %dma_wait3A_218 = arith.constant 0 : i32
          %dma_wait3A_219 = tpu.memref_slice %arg16[%dma_wait3A_217, %dma_wait3A_218] : memref<10112x16xf32, #tpu.memory_space<vmem_shared>> -> memref<10112x16xf32, #tpu.memory_space<vmem_shared>>
          %dma_wait3A_220 = tpu.memref_slice %arg19[%dma_wait3A_213] : memref<4x!tpu.dma_semaphore, #tpu.memory_space<semaphore_mem>> -> memref<1x!tpu.dma_semaphore, #tpu.memory_space<semaphore_mem>>
          %dma_wait3A_221 = tpu.memref_squeeze %dma_wait3A_220 : memref<1x!tpu.dma_semaphore, #tpu.memory_space<semaphore_mem>> -> memref<!tpu.dma_semaphore, #tpu.memory_space<semaphore_mem>>
          tpu.wait_indirect_dma semaphore(%dma_wait3A_221 : memref<!tpu.dma_semaphore, #tpu.memory_space<semaphore_mem>>) src(%arg14 : memref<128x16xf32, #tpu.memory_space<vmem>>) dst(%dma_wait3A_219 : memref<10112x16xf32, #tpu.memory_space<vmem_shared>>)
        } else {
        }
        %dma_start3A = arith.constant 1 : i32
        %dma_start3A_202 = arith.constant 0 : i32
        %dma_start3A_203 = tpu.memref_slice %arg12[%add3A_112, %dma_start3A_202] : memref<160x128xi32, #tpu.memory_space<vmem>> -> memref<1x128xi32, #tpu.memory_space<vmem>>
        %dma_start3A_204 = tpu.memref_squeeze %dma_start3A_203 : memref<1x128xi32, #tpu.memory_space<vmem>> -> memref<128xi32, #tpu.memory_space<vmem>>
        %dma_start3A_205 = arith.constant 0 : i32
        %dma_start3A_206 = arith.constant 0 : i32
        %dma_start3A_207 = tpu.memref_slice %arg16[%dma_start3A_205, %dma_start3A_206] : memref<10112x16xf32, #tpu.memory_space<vmem_shared>> -> memref<10112x16xf32, #tpu.memory_space<vmem_shared>>
        %dma_start3A_208 = tpu.memref_slice %arg19[%dma_start3A] : memref<4x!tpu.dma_semaphore, #tpu.memory_space<semaphore_mem>> -> memref<1x!tpu.dma_semaphore, #tpu.memory_space<semaphore_mem>>
        %dma_start3A_209 = tpu.memref_squeeze %dma_start3A_208 : memref<1x!tpu.dma_semaphore, #tpu.memory_space<semaphore_mem>> -> memref<!tpu.dma_semaphore, #tpu.memory_space<semaphore_mem>>
        tpu.enqueue_indirect_dma source(%arg14 : memref<128x16xf32, #tpu.memory_space<vmem>>) target(%dma_start3A_207 : memref<10112x16xf32, #tpu.memory_space<vmem_shared>>) offsets(%dma_start3A_204 : memref<128xi32, #tpu.memory_space<vmem>>) semaphore(%dma_start3A_209 : memref<!tpu.dma_semaphore, #tpu.memory_space<semaphore_mem>>) {add = true}
      } else {
      }
      %add3A_133 = arith.constant 4 : i32
      %add3A_134 = arith.addi %add3A_112, %add3A_133 : i32
      %lt3A_135 = arith.constant 160 : i32
      %lt3A_136 = arith.cmpi slt, %add3A_134, %lt3A_135 : i32
      %convert_element_type3A_137 = arith.extui %lt3A_136 : i1 to i32
      %cond3A_138 = arith.constant 0 : i32
      %cond3A_139 = arith.cmpi ne, %convert_element_type3A_137, %cond3A_138 : i32
      scf.if %cond3A_139 {
        %eq3A_198 = arith.constant 0 : i32
        %eq3A_199 = arith.cmpi eq, %arg0, %eq3A_198 : i32
        %convert_element_type3A_200 = arith.extui %eq3A_199 : i1 to i32
        %cond3A_201 = arith.constant 0 : i32
        %cond3A_202 = arith.cmpi ne, %convert_element_type3A_200, %cond3A_201 : i32
        scf.if %cond3A_202 {
          %dma_start3A = arith.constant 1 : i32
          %dma_start3A_208 = arith.constant 1 : i32
          %dma_start3A_209 = arith.constant 0 : i32
          %dma_start3A_210 = arith.constant 0 : i32
          %dma_start3A_211 = tpu.memref_slice %arg13[%dma_start3A, %dma_start3A_209, %dma_start3A_210] : memref<4x128x64xf32, #tpu.memory_space<vmem>> -> memref<1x128x64xf32, #tpu.memory_space<vmem>>
          %dma_start3A_212 = tpu.memref_squeeze %dma_start3A_211 : memref<1x128x64xf32, #tpu.memory_space<vmem>> -> memref<128x64xf32, #tpu.memory_space<vmem>>
          %dma_start3A_213 = arith.constant 0 : i32
          %dma_start3A_214 = tpu.memref_slice %arg11[%add3A_134, %dma_start3A_213] : memref<160x128xi32, #tpu.memory_space<vmem>> -> memref<1x128xi32, #tpu.memory_space<vmem>>
          %dma_start3A_215 = tpu.memref_squeeze %dma_start3A_214 : memref<1x128xi32, #tpu.memory_space<vmem>> -> memref<128xi32, #tpu.memory_space<vmem>>
          %dma_start3A_216 = arith.constant 0 : i32
          %dma_start3A_217 = arith.constant 0 : i32
          %dma_start3A_218 = tpu.memref_slice %arg2[%dma_start3A_216, %dma_start3A_217] : memref<10000x64xf32, #tpu.memory_space<hbm>> -> memref<10000x64xf32, #tpu.memory_space<hbm>>
          %dma_start3A_219 = tpu.memref_slice %arg17[%dma_start3A_208] : memref<4x!tpu.dma_semaphore, #tpu.memory_space<semaphore_mem>> -> memref<1x!tpu.dma_semaphore, #tpu.memory_space<semaphore_mem>>
          %dma_start3A_220 = tpu.memref_squeeze %dma_start3A_219 : memref<1x!tpu.dma_semaphore, #tpu.memory_space<semaphore_mem>> -> memref<!tpu.dma_semaphore, #tpu.memory_space<semaphore_mem>>
          tpu.enqueue_indirect_dma source(%dma_start3A_218 : memref<10000x64xf32, #tpu.memory_space<hbm>>) target(%dma_start3A_212 : memref<128x64xf32, #tpu.memory_space<vmem>>) offsets(%dma_start3A_215 : memref<128xi32, #tpu.memory_space<vmem>>) semaphore(%dma_start3A_220 : memref<!tpu.dma_semaphore, #tpu.memory_space<semaphore_mem>>)
        } else {
        }
        %eq3A_203 = arith.constant 1 : i32
        %eq3A_204 = arith.cmpi eq, %arg0, %eq3A_203 : i32
        %convert_element_type3A_205 = arith.extui %eq3A_204 : i1 to i32
        %cond3A_206 = arith.constant 0 : i32
        %cond3A_207 = arith.cmpi ne, %convert_element_type3A_205, %cond3A_206 : i32
        scf.if %cond3A_207 {
          %dma_start3A = arith.constant 1 : i32
          %dma_start3A_208 = arith.constant 1 : i32
          %dma_start3A_209 = arith.constant 0 : i32
          %dma_start3A_210 = arith.constant 0 : i32
          %dma_start3A_211 = tpu.memref_slice %arg13[%dma_start3A, %dma_start3A_209, %dma_start3A_210] : memref<4x128x64xf32, #tpu.memory_space<vmem>> -> memref<1x128x64xf32, #tpu.memory_space<vmem>>
          %dma_start3A_212 = tpu.memref_squeeze %dma_start3A_211 : memref<1x128x64xf32, #tpu.memory_space<vmem>> -> memref<128x64xf32, #tpu.memory_space<vmem>>
          %dma_start3A_213 = arith.constant 0 : i32
          %dma_start3A_214 = tpu.memref_slice %arg11[%add3A_134, %dma_start3A_213] : memref<160x128xi32, #tpu.memory_space<vmem>> -> memref<1x128xi32, #tpu.memory_space<vmem>>
          %dma_start3A_215 = tpu.memref_squeeze %dma_start3A_214 : memref<1x128xi32, #tpu.memory_space<vmem>> -> memref<128xi32, #tpu.memory_space<vmem>>
          %dma_start3A_216 = arith.constant 0 : i32
          %dma_start3A_217 = arith.constant 0 : i32
          %dma_start3A_218 = tpu.memref_slice %arg3[%dma_start3A_216, %dma_start3A_217] : memref<10000x64xf32, #tpu.memory_space<hbm>> -> memref<10000x64xf32, #tpu.memory_space<hbm>>
          %dma_start3A_219 = tpu.memref_slice %arg17[%dma_start3A_208] : memref<4x!tpu.dma_semaphore, #tpu.memory_space<semaphore_mem>> -> memref<1x!tpu.dma_semaphore, #tpu.memory_space<semaphore_mem>>
          %dma_start3A_220 = tpu.memref_squeeze %dma_start3A_219 : memref<1x!tpu.dma_semaphore, #tpu.memory_space<semaphore_mem>> -> memref<!tpu.dma_semaphore, #tpu.memory_space<semaphore_mem>>
          tpu.enqueue_indirect_dma source(%dma_start3A_218 : memref<10000x64xf32, #tpu.memory_space<hbm>>) target(%dma_start3A_212 : memref<128x64xf32, #tpu.memory_space<vmem>>) offsets(%dma_start3A_215 : memref<128xi32, #tpu.memory_space<vmem>>) semaphore(%dma_start3A_220 : memref<!tpu.dma_semaphore, #tpu.memory_space<semaphore_mem>>)
        } else {
        }
      } else {
      }
      %add3A_140 = arith.constant 2 : i32
      %add3A_141 = arith.addi %add3A_84, %add3A_140 : i32
      %dma_wait3A_142 = arith.constant 2 : i32
      %dma_wait3A_143 = arith.constant 2 : i32
      %dma_wait3A_144 = arith.constant 0 : i32
      %dma_wait3A_145 = arith.constant 0 : i32
      %dma_wait3A_146 = tpu.memref_slice %arg13[%dma_wait3A_142, %dma_wait3A_144, %dma_wait3A_145] : memref<4x128x64xf32, #tpu.memory_space<vmem>> -> memref<1x128x64xf32, #tpu.memory_space<vmem>>
      %dma_wait3A_147 = tpu.memref_squeeze %dma_wait3A_146 : memref<1x128x64xf32, #tpu.memory_space<vmem>> -> memref<128x64xf32, #tpu.memory_space<vmem>>
      %dma_wait3A_148 = arith.constant 0 : i32
      %dma_wait3A_149 = tpu.memref_slice %arg11[%add3A_141, %dma_wait3A_148] : memref<160x128xi32, #tpu.memory_space<vmem>> -> memref<1x128xi32, #tpu.memory_space<vmem>>
      %dma_wait3A_150 = tpu.memref_squeeze %dma_wait3A_149 : memref<1x128xi32, #tpu.memory_space<vmem>> -> memref<128xi32, #tpu.memory_space<vmem>>
      %dma_wait3A_151 = arith.constant 0 : i32
      %dma_wait3A_152 = arith.constant 0 : i32
      %dma_wait3A_153 = tpu.memref_slice %arg2[%dma_wait3A_151, %dma_wait3A_152] : memref<10000x64xf32, #tpu.memory_space<hbm>> -> memref<10000x64xf32, #tpu.memory_space<hbm>>
      %dma_wait3A_154 = tpu.memref_slice %arg17[%dma_wait3A_143] : memref<4x!tpu.dma_semaphore, #tpu.memory_space<semaphore_mem>> -> memref<1x!tpu.dma_semaphore, #tpu.memory_space<semaphore_mem>>
      %dma_wait3A_155 = tpu.memref_squeeze %dma_wait3A_154 : memref<1x!tpu.dma_semaphore, #tpu.memory_space<semaphore_mem>> -> memref<!tpu.dma_semaphore, #tpu.memory_space<semaphore_mem>>
      tpu.wait_indirect_dma semaphore(%dma_wait3A_155 : memref<!tpu.dma_semaphore, #tpu.memory_space<semaphore_mem>>) src(%dma_wait3A_153 : memref<10000x64xf32, #tpu.memory_space<hbm>>) dst(%dma_wait3A_147 : memref<128x64xf32, #tpu.memory_space<vmem>>)
      %run_scoped3A_156 = arith.constant 2 : i32
      "tpu.region"() ({
        %run_scoped3A_198 = tpu.sem_alloc : memref<!tpu.dma_semaphore, #tpu.memory_space<semaphore_mem>>
        %dma_start3A = arith.constant 0 : i32
        %dma_start3A_199 = arith.constant 0 : i32
        %dma_start3A_200 = tpu.memref_slice %arg13[%run_scoped3A_156, %dma_start3A, %dma_start3A_199] : memref<4x128x64xf32, #tpu.memory_space<vmem>> -> memref<1x128x64xf32, #tpu.memory_space<vmem>>
        %dma_start3A_201 = tpu.memref_squeeze %dma_start3A_200 : memref<1x128x64xf32, #tpu.memory_space<vmem>> -> memref<128x64xf32, #tpu.memory_space<vmem>>
        %dma_start3A_202 = arith.constant 0 : i32
        %dma_start3A_203 = tpu.memref_slice %arg12[%add3A_141, %dma_start3A_202] : memref<160x128xi32, #tpu.memory_space<vmem>> -> memref<1x128xi32, #tpu.memory_space<vmem>>
        %dma_start3A_204 = tpu.memref_squeeze %dma_start3A_203 : memref<1x128xi32, #tpu.memory_space<vmem>> -> memref<128xi32, #tpu.memory_space<vmem>>
        %dma_start3A_205 = arith.constant 0 : i32
        %dma_start3A_206 = arith.constant 0 : i32
        %dma_start3A_207 = tpu.memref_slice %arg15[%dma_start3A_205, %dma_start3A_206] : memref<10112x64xf32, #tpu.memory_space<vmem_shared>> -> memref<10112x64xf32, #tpu.memory_space<vmem_shared>>
        tpu.enqueue_indirect_dma source(%dma_start3A_201 : memref<128x64xf32, #tpu.memory_space<vmem>>) target(%dma_start3A_207 : memref<10112x64xf32, #tpu.memory_space<vmem_shared>>) offsets(%dma_start3A_204 : memref<128xi32, #tpu.memory_space<vmem>>) semaphore(%run_scoped3A_198 : memref<!tpu.dma_semaphore, #tpu.memory_space<semaphore_mem>>) {add = true}
        %dma_wait3A_208 = arith.constant 0 : i32
        %dma_wait3A_209 = arith.constant 0 : i32
        %dma_wait3A_210 = tpu.memref_slice %arg13[%run_scoped3A_156, %dma_wait3A_208, %dma_wait3A_209] : memref<4x128x64xf32, #tpu.memory_space<vmem>> -> memref<1x128x64xf32, #tpu.memory_space<vmem>>
        %dma_wait3A_211 = tpu.memref_squeeze %dma_wait3A_210 : memref<1x128x64xf32, #tpu.memory_space<vmem>> -> memref<128x64xf32, #tpu.memory_space<vmem>>
        %dma_wait3A_212 = arith.constant 0 : i32
        %dma_wait3A_213 = tpu.memref_slice %arg12[%add3A_141, %dma_wait3A_212] : memref<160x128xi32, #tpu.memory_space<vmem>> -> memref<1x128xi32, #tpu.memory_space<vmem>>
        %dma_wait3A_214 = tpu.memref_squeeze %dma_wait3A_213 : memref<1x128xi32, #tpu.memory_space<vmem>> -> memref<128xi32, #tpu.memory_space<vmem>>
        %dma_wait3A_215 = arith.constant 0 : i32
        %dma_wait3A_216 = arith.constant 0 : i32
        %dma_wait3A_217 = tpu.memref_slice %arg15[%dma_wait3A_215, %dma_wait3A_216] : memref<10112x64xf32, #tpu.memory_space<vmem_shared>> -> memref<10112x64xf32, #tpu.memory_space<vmem_shared>>
        tpu.wait_indirect_dma semaphore(%run_scoped3A_198 : memref<!tpu.dma_semaphore, #tpu.memory_space<semaphore_mem>>) src(%dma_wait3A_211 : memref<128x64xf32, #tpu.memory_space<vmem>>) dst(%dma_wait3A_217 : memref<10112x64xf32, #tpu.memory_space<vmem_shared>>)
        tpu.yield
      }) : () -> ()
      %eq3A_157 = arith.constant 0 : i32
      %eq3A_158 = arith.cmpi eq, %arg0, %eq3A_157 : i32
      %convert_element_type3A_159 = arith.extui %eq3A_158 : i1 to i32
      %cond3A_160 = arith.constant 0 : i32
      %cond3A_161 = arith.cmpi ne, %convert_element_type3A_159, %cond3A_160 : i32
      scf.if %cond3A_161 {
        %gt3A = arith.constant 0 : i32
        %gt3A_198 = arith.cmpi sgt, %add3A_84, %gt3A : i32
        %convert_element_type3A_199 = arith.extui %gt3A_198 : i1 to i32
        %cond3A_200 = arith.constant 0 : i32
        %cond3A_201 = arith.cmpi ne, %convert_element_type3A_199, %cond3A_200 : i32
        scf.if %cond3A_201 {
          %sub3A = arith.constant 4 : i32
          %sub3A_210 = arith.subi %add3A_84, %sub3A : i32
          %add3A_211 = arith.constant 2 : i32
          %add3A_212 = arith.addi %sub3A_210, %add3A_211 : i32
          %dma_wait3A_213 = arith.constant 2 : i32
          %dma_wait3A_214 = arith.constant 0 : i32
          %dma_wait3A_215 = tpu.memref_slice %arg12[%add3A_212, %dma_wait3A_214] : memref<160x128xi32, #tpu.memory_space<vmem>> -> memref<1x128xi32, #tpu.memory_space<vmem>>
          %dma_wait3A_216 = tpu.memref_squeeze %dma_wait3A_215 : memref<1x128xi32, #tpu.memory_space<vmem>> -> memref<128xi32, #tpu.memory_space<vmem>>
          %dma_wait3A_217 = arith.constant 0 : i32
          %dma_wait3A_218 = arith.constant 0 : i32
          %dma_wait3A_219 = tpu.memref_slice %arg16[%dma_wait3A_217, %dma_wait3A_218] : memref<10112x16xf32, #tpu.memory_space<vmem_shared>> -> memref<10112x16xf32, #tpu.memory_space<vmem_shared>>
          %dma_wait3A_220 = tpu.memref_slice %arg19[%dma_wait3A_213] : memref<4x!tpu.dma_semaphore, #tpu.memory_space<semaphore_mem>> -> memref<1x!tpu.dma_semaphore, #tpu.memory_space<semaphore_mem>>
          %dma_wait3A_221 = tpu.memref_squeeze %dma_wait3A_220 : memref<1x!tpu.dma_semaphore, #tpu.memory_space<semaphore_mem>> -> memref<!tpu.dma_semaphore, #tpu.memory_space<semaphore_mem>>
          tpu.wait_indirect_dma semaphore(%dma_wait3A_221 : memref<!tpu.dma_semaphore, #tpu.memory_space<semaphore_mem>>) src(%arg14 : memref<128x16xf32, #tpu.memory_space<vmem>>) dst(%dma_wait3A_219 : memref<10112x16xf32, #tpu.memory_space<vmem_shared>>)
        } else {
        }
        %dma_start3A = arith.constant 2 : i32
        %dma_start3A_202 = arith.constant 0 : i32
        %dma_start3A_203 = tpu.memref_slice %arg12[%add3A_141, %dma_start3A_202] : memref<160x128xi32, #tpu.memory_space<vmem>> -> memref<1x128xi32, #tpu.memory_space<vmem>>
        %dma_start3A_204 = tpu.memref_squeeze %dma_start3A_203 : memref<1x128xi32, #tpu.memory_space<vmem>> -> memref<128xi32, #tpu.memory_space<vmem>>
        %dma_start3A_205 = arith.constant 0 : i32
        %dma_start3A_206 = arith.constant 0 : i32
        %dma_start3A_207 = tpu.memref_slice %arg16[%dma_start3A_205, %dma_start3A_206] : memref<10112x16xf32, #tpu.memory_space<vmem_shared>> -> memref<10112x16xf32, #tpu.memory_space<vmem_shared>>
        %dma_start3A_208 = tpu.memref_slice %arg19[%dma_start3A] : memref<4x!tpu.dma_semaphore, #tpu.memory_space<semaphore_mem>> -> memref<1x!tpu.dma_semaphore, #tpu.memory_space<semaphore_mem>>
        %dma_start3A_209 = tpu.memref_squeeze %dma_start3A_208 : memref<1x!tpu.dma_semaphore, #tpu.memory_space<semaphore_mem>> -> memref<!tpu.dma_semaphore, #tpu.memory_space<semaphore_mem>>
        tpu.enqueue_indirect_dma source(%arg14 : memref<128x16xf32, #tpu.memory_space<vmem>>) target(%dma_start3A_207 : memref<10112x16xf32, #tpu.memory_space<vmem_shared>>) offsets(%dma_start3A_204 : memref<128xi32, #tpu.memory_space<vmem>>) semaphore(%dma_start3A_209 : memref<!tpu.dma_semaphore, #tpu.memory_space<semaphore_mem>>) {add = true}
      } else {
      }
      %add3A_162 = arith.constant 4 : i32
      %add3A_163 = arith.addi %add3A_141, %add3A_162 : i32
      %lt3A_164 = arith.constant 160 : i32
      %lt3A_165 = arith.cmpi slt, %add3A_163, %lt3A_164 : i32
      %convert_element_type3A_166 = arith.extui %lt3A_165 : i1 to i32
      %cond3A_167 = arith.constant 0 : i32
      %cond3A_168 = arith.cmpi ne, %convert_element_type3A_166, %cond3A_167 : i32
      scf.if %cond3A_168 {
        %eq3A_198 = arith.constant 0 : i32
        %eq3A_199 = arith.cmpi eq, %arg0, %eq3A_198 : i32
        %convert_element_type3A_200 = arith.extui %eq3A_199 : i1 to i32
        %cond3A_201 = arith.constant 0 : i32
        %cond3A_202 = arith.cmpi ne, %convert_element_type3A_200, %cond3A_201 : i32
        scf.if %cond3A_202 {
          %dma_start3A = arith.constant 2 : i32
          %dma_start3A_208 = arith.constant 2 : i32
          %dma_start3A_209 = arith.constant 0 : i32
          %dma_start3A_210 = arith.constant 0 : i32
          %dma_start3A_211 = tpu.memref_slice %arg13[%dma_start3A, %dma_start3A_209, %dma_start3A_210] : memref<4x128x64xf32, #tpu.memory_space<vmem>> -> memref<1x128x64xf32, #tpu.memory_space<vmem>>
          %dma_start3A_212 = tpu.memref_squeeze %dma_start3A_211 : memref<1x128x64xf32, #tpu.memory_space<vmem>> -> memref<128x64xf32, #tpu.memory_space<vmem>>
          %dma_start3A_213 = arith.constant 0 : i32
          %dma_start3A_214 = tpu.memref_slice %arg11[%add3A_163, %dma_start3A_213] : memref<160x128xi32, #tpu.memory_space<vmem>> -> memref<1x128xi32, #tpu.memory_space<vmem>>
          %dma_start3A_215 = tpu.memref_squeeze %dma_start3A_214 : memref<1x128xi32, #tpu.memory_space<vmem>> -> memref<128xi32, #tpu.memory_space<vmem>>
          %dma_start3A_216 = arith.constant 0 : i32
          %dma_start3A_217 = arith.constant 0 : i32
          %dma_start3A_218 = tpu.memref_slice %arg2[%dma_start3A_216, %dma_start3A_217] : memref<10000x64xf32, #tpu.memory_space<hbm>> -> memref<10000x64xf32, #tpu.memory_space<hbm>>
          %dma_start3A_219 = tpu.memref_slice %arg17[%dma_start3A_208] : memref<4x!tpu.dma_semaphore, #tpu.memory_space<semaphore_mem>> -> memref<1x!tpu.dma_semaphore, #tpu.memory_space<semaphore_mem>>
          %dma_start3A_220 = tpu.memref_squeeze %dma_start3A_219 : memref<1x!tpu.dma_semaphore, #tpu.memory_space<semaphore_mem>> -> memref<!tpu.dma_semaphore, #tpu.memory_space<semaphore_mem>>
          tpu.enqueue_indirect_dma source(%dma_start3A_218 : memref<10000x64xf32, #tpu.memory_space<hbm>>) target(%dma_start3A_212 : memref<128x64xf32, #tpu.memory_space<vmem>>) offsets(%dma_start3A_215 : memref<128xi32, #tpu.memory_space<vmem>>) semaphore(%dma_start3A_220 : memref<!tpu.dma_semaphore, #tpu.memory_space<semaphore_mem>>)
        } else {
        }
        %eq3A_203 = arith.constant 1 : i32
        %eq3A_204 = arith.cmpi eq, %arg0, %eq3A_203 : i32
        %convert_element_type3A_205 = arith.extui %eq3A_204 : i1 to i32
        %cond3A_206 = arith.constant 0 : i32
        %cond3A_207 = arith.cmpi ne, %convert_element_type3A_205, %cond3A_206 : i32
        scf.if %cond3A_207 {
          %dma_start3A = arith.constant 2 : i32
          %dma_start3A_208 = arith.constant 2 : i32
          %dma_start3A_209 = arith.constant 0 : i32
          %dma_start3A_210 = arith.constant 0 : i32
          %dma_start3A_211 = tpu.memref_slice %arg13[%dma_start3A, %dma_start3A_209, %dma_start3A_210] : memref<4x128x64xf32, #tpu.memory_space<vmem>> -> memref<1x128x64xf32, #tpu.memory_space<vmem>>
          %dma_start3A_212 = tpu.memref_squeeze %dma_start3A_211 : memref<1x128x64xf32, #tpu.memory_space<vmem>> -> memref<128x64xf32, #tpu.memory_space<vmem>>
          %dma_start3A_213 = arith.constant 0 : i32
          %dma_start3A_214 = tpu.memref_slice %arg11[%add3A_163, %dma_start3A_213] : memref<160x128xi32, #tpu.memory_space<vmem>> -> memref<1x128xi32, #tpu.memory_space<vmem>>
          %dma_start3A_215 = tpu.memref_squeeze %dma_start3A_214 : memref<1x128xi32, #tpu.memory_space<vmem>> -> memref<128xi32, #tpu.memory_space<vmem>>
          %dma_start3A_216 = arith.constant 0 : i32
          %dma_start3A_217 = arith.constant 0 : i32
          %dma_start3A_218 = tpu.memref_slice %arg3[%dma_start3A_216, %dma_start3A_217] : memref<10000x64xf32, #tpu.memory_space<hbm>> -> memref<10000x64xf32, #tpu.memory_space<hbm>>
          %dma_start3A_219 = tpu.memref_slice %arg17[%dma_start3A_208] : memref<4x!tpu.dma_semaphore, #tpu.memory_space<semaphore_mem>> -> memref<1x!tpu.dma_semaphore, #tpu.memory_space<semaphore_mem>>
          %dma_start3A_220 = tpu.memref_squeeze %dma_start3A_219 : memref<1x!tpu.dma_semaphore, #tpu.memory_space<semaphore_mem>> -> memref<!tpu.dma_semaphore, #tpu.memory_space<semaphore_mem>>
          tpu.enqueue_indirect_dma source(%dma_start3A_218 : memref<10000x64xf32, #tpu.memory_space<hbm>>) target(%dma_start3A_212 : memref<128x64xf32, #tpu.memory_space<vmem>>) offsets(%dma_start3A_215 : memref<128xi32, #tpu.memory_space<vmem>>) semaphore(%dma_start3A_220 : memref<!tpu.dma_semaphore, #tpu.memory_space<semaphore_mem>>)
        } else {
        }
      } else {
      }
      %add3A_169 = arith.constant 3 : i32
      %add3A_170 = arith.addi %add3A_84, %add3A_169 : i32
      %dma_wait3A_171 = arith.constant 3 : i32
      %dma_wait3A_172 = arith.constant 3 : i32
      %dma_wait3A_173 = arith.constant 0 : i32
      %dma_wait3A_174 = arith.constant 0 : i32
      %dma_wait3A_175 = tpu.memref_slice %arg13[%dma_wait3A_171, %dma_wait3A_173, %dma_wait3A_174] : memref<4x128x64xf32, #tpu.memory_space<vmem>> -> memref<1x128x64xf32, #tpu.memory_space<vmem>>
      %dma_wait3A_176 = tpu.memref_squeeze %dma_wait3A_175 : memref<1x128x64xf32, #tpu.memory_space<vmem>> -> memref<128x64xf32, #tpu.memory_space<vmem>>
      %dma_wait3A_177 = arith.constant 0 : i32
      %dma_wait3A_178 = tpu.memref_slice %arg11[%add3A_170, %dma_wait3A_177] : memref<160x128xi32, #tpu.memory_space<vmem>> -> memref<1x128xi32, #tpu.memory_space<vmem>>
      %dma_wait3A_179 = tpu.memref_squeeze %dma_wait3A_178 : memref<1x128xi32, #tpu.memory_space<vmem>> -> memref<128xi32, #tpu.memory_space<vmem>>
      %dma_wait3A_180 = arith.constant 0 : i32
      %dma_wait3A_181 = arith.constant 0 : i32
      %dma_wait3A_182 = tpu.memref_slice %arg2[%dma_wait3A_180, %dma_wait3A_181] : memref<10000x64xf32, #tpu.memory_space<hbm>> -> memref<10000x64xf32, #tpu.memory_space<hbm>>
      %dma_wait3A_183 = tpu.memref_slice %arg17[%dma_wait3A_172] : memref<4x!tpu.dma_semaphore, #tpu.memory_space<semaphore_mem>> -> memref<1x!tpu.dma_semaphore, #tpu.memory_space<semaphore_mem>>
      %dma_wait3A_184 = tpu.memref_squeeze %dma_wait3A_183 : memref<1x!tpu.dma_semaphore, #tpu.memory_space<semaphore_mem>> -> memref<!tpu.dma_semaphore, #tpu.memory_space<semaphore_mem>>
      tpu.wait_indirect_dma semaphore(%dma_wait3A_184 : memref<!tpu.dma_semaphore, #tpu.memory_space<semaphore_mem>>) src(%dma_wait3A_182 : memref<10000x64xf32, #tpu.memory_space<hbm>>) dst(%dma_wait3A_176 : memref<128x64xf32, #tpu.memory_space<vmem>>)
      %run_scoped3A_185 = arith.constant 3 : i32
      "tpu.region"() ({
        %run_scoped3A_198 = tpu.sem_alloc : memref<!tpu.dma_semaphore, #tpu.memory_space<semaphore_mem>>
        %dma_start3A = arith.constant 0 : i32
        %dma_start3A_199 = arith.constant 0 : i32
        %dma_start3A_200 = tpu.memref_slice %arg13[%run_scoped3A_185, %dma_start3A, %dma_start3A_199] : memref<4x128x64xf32, #tpu.memory_space<vmem>> -> memref<1x128x64xf32, #tpu.memory_space<vmem>>
        %dma_start3A_201 = tpu.memref_squeeze %dma_start3A_200 : memref<1x128x64xf32, #tpu.memory_space<vmem>> -> memref<128x64xf32, #tpu.memory_space<vmem>>
        %dma_start3A_202 = arith.constant 0 : i32
        %dma_start3A_203 = tpu.memref_slice %arg12[%add3A_170, %dma_start3A_202] : memref<160x128xi32, #tpu.memory_space<vmem>> -> memref<1x128xi32, #tpu.memory_space<vmem>>
        %dma_start3A_204 = tpu.memref_squeeze %dma_start3A_203 : memref<1x128xi32, #tpu.memory_space<vmem>> -> memref<128xi32, #tpu.memory_space<vmem>>
        %dma_start3A_205 = arith.constant 0 : i32
        %dma_start3A_206 = arith.constant 0 : i32
        %dma_start3A_207 = tpu.memref_slice %arg15[%dma_start3A_205, %dma_start3A_206] : memref<10112x64xf32, #tpu.memory_space<vmem_shared>> -> memref<10112x64xf32, #tpu.memory_space<vmem_shared>>
        tpu.enqueue_indirect_dma source(%dma_start3A_201 : memref<128x64xf32, #tpu.memory_space<vmem>>) target(%dma_start3A_207 : memref<10112x64xf32, #tpu.memory_space<vmem_shared>>) offsets(%dma_start3A_204 : memref<128xi32, #tpu.memory_space<vmem>>) semaphore(%run_scoped3A_198 : memref<!tpu.dma_semaphore, #tpu.memory_space<semaphore_mem>>) {add = true}
        %dma_wait3A_208 = arith.constant 0 : i32
        %dma_wait3A_209 = arith.constant 0 : i32
        %dma_wait3A_210 = tpu.memref_slice %arg13[%run_scoped3A_185, %dma_wait3A_208, %dma_wait3A_209] : memref<4x128x64xf32, #tpu.memory_space<vmem>> -> memref<1x128x64xf32, #tpu.memory_space<vmem>>
        %dma_wait3A_211 = tpu.memref_squeeze %dma_wait3A_210 : memref<1x128x64xf32, #tpu.memory_space<vmem>> -> memref<128x64xf32, #tpu.memory_space<vmem>>
        %dma_wait3A_212 = arith.constant 0 : i32
        %dma_wait3A_213 = tpu.memref_slice %arg12[%add3A_170, %dma_wait3A_212] : memref<160x128xi32, #tpu.memory_space<vmem>> -> memref<1x128xi32, #tpu.memory_space<vmem>>
        %dma_wait3A_214 = tpu.memref_squeeze %dma_wait3A_213 : memref<1x128xi32, #tpu.memory_space<vmem>> -> memref<128xi32, #tpu.memory_space<vmem>>
        %dma_wait3A_215 = arith.constant 0 : i32
        %dma_wait3A_216 = arith.constant 0 : i32
        %dma_wait3A_217 = tpu.memref_slice %arg15[%dma_wait3A_215, %dma_wait3A_216] : memref<10112x64xf32, #tpu.memory_space<vmem_shared>> -> memref<10112x64xf32, #tpu.memory_space<vmem_shared>>
        tpu.wait_indirect_dma semaphore(%run_scoped3A_198 : memref<!tpu.dma_semaphore, #tpu.memory_space<semaphore_mem>>) src(%dma_wait3A_211 : memref<128x64xf32, #tpu.memory_space<vmem>>) dst(%dma_wait3A_217 : memref<10112x64xf32, #tpu.memory_space<vmem_shared>>)
        tpu.yield
      }) : () -> ()
      %eq3A_186 = arith.constant 1 : i32
      %eq3A_187 = arith.cmpi eq, %arg0, %eq3A_186 : i32
      %convert_element_type3A_188 = arith.extui %eq3A_187 : i1 to i32
      %cond3A_189 = arith.constant 0 : i32
      %cond3A_190 = arith.cmpi ne, %convert_element_type3A_188, %cond3A_189 : i32
      scf.if %cond3A_190 {
        %gt3A = arith.constant 0 : i32
        %gt3A_198 = arith.cmpi sgt, %add3A_84, %gt3A : i32
        %convert_element_type3A_199 = arith.extui %gt3A_198 : i1 to i32
        %cond3A_200 = arith.constant 0 : i32
        %cond3A_201 = arith.cmpi ne, %convert_element_type3A_199, %cond3A_200 : i32
        scf.if %cond3A_201 {
          %sub3A = arith.constant 4 : i32
          %sub3A_210 = arith.subi %add3A_84, %sub3A : i32
          %add3A_211 = arith.constant 3 : i32
          %add3A_212 = arith.addi %sub3A_210, %add3A_211 : i32
          %dma_wait3A_213 = arith.constant 3 : i32
          %dma_wait3A_214 = arith.constant 0 : i32
          %dma_wait3A_215 = tpu.memref_slice %arg12[%add3A_212, %dma_wait3A_214] : memref<160x128xi32, #tpu.memory_space<vmem>> -> memref<1x128xi32, #tpu.memory_space<vmem>>
          %dma_wait3A_216 = tpu.memref_squeeze %dma_wait3A_215 : memref<1x128xi32, #tpu.memory_space<vmem>> -> memref<128xi32, #tpu.memory_space<vmem>>
          %dma_wait3A_217 = arith.constant 0 : i32
          %dma_wait3A_218 = arith.constant 0 : i32
          %dma_wait3A_219 = tpu.memref_slice %arg16[%dma_wait3A_217, %dma_wait3A_218] : memref<10112x16xf32, #tpu.memory_space<vmem_shared>> -> memref<10112x16xf32, #tpu.memory_space<vmem_shared>>
          %dma_wait3A_220 = tpu.memref_slice %arg19[%dma_wait3A_213] : memref<4x!tpu.dma_semaphore, #tpu.memory_space<semaphore_mem>> -> memref<1x!tpu.dma_semaphore, #tpu.memory_space<semaphore_mem>>
          %dma_wait3A_221 = tpu.memref_squeeze %dma_wait3A_220 : memref<1x!tpu.dma_semaphore, #tpu.memory_space<semaphore_mem>> -> memref<!tpu.dma_semaphore, #tpu.memory_space<semaphore_mem>>
          tpu.wait_indirect_dma semaphore(%dma_wait3A_221 : memref<!tpu.dma_semaphore, #tpu.memory_space<semaphore_mem>>) src(%arg14 : memref<128x16xf32, #tpu.memory_space<vmem>>) dst(%dma_wait3A_219 : memref<10112x16xf32, #tpu.memory_space<vmem_shared>>)
        } else {
        }
        %dma_start3A = arith.constant 3 : i32
        %dma_start3A_202 = arith.constant 0 : i32
        %dma_start3A_203 = tpu.memref_slice %arg12[%add3A_170, %dma_start3A_202] : memref<160x128xi32, #tpu.memory_space<vmem>> -> memref<1x128xi32, #tpu.memory_space<vmem>>
        %dma_start3A_204 = tpu.memref_squeeze %dma_start3A_203 : memref<1x128xi32, #tpu.memory_space<vmem>> -> memref<128xi32, #tpu.memory_space<vmem>>
        %dma_start3A_205 = arith.constant 0 : i32
        %dma_start3A_206 = arith.constant 0 : i32
        %dma_start3A_207 = tpu.memref_slice %arg16[%dma_start3A_205, %dma_start3A_206] : memref<10112x16xf32, #tpu.memory_space<vmem_shared>> -> memref<10112x16xf32, #tpu.memory_space<vmem_shared>>
        %dma_start3A_208 = tpu.memref_slice %arg19[%dma_start3A] : memref<4x!tpu.dma_semaphore, #tpu.memory_space<semaphore_mem>> -> memref<1x!tpu.dma_semaphore, #tpu.memory_space<semaphore_mem>>
        %dma_start3A_209 = tpu.memref_squeeze %dma_start3A_208 : memref<1x!tpu.dma_semaphore, #tpu.memory_space<semaphore_mem>> -> memref<!tpu.dma_semaphore, #tpu.memory_space<semaphore_mem>>
        tpu.enqueue_indirect_dma source(%arg14 : memref<128x16xf32, #tpu.memory_space<vmem>>) target(%dma_start3A_207 : memref<10112x16xf32, #tpu.memory_space<vmem_shared>>) offsets(%dma_start3A_204 : memref<128xi32, #tpu.memory_space<vmem>>) semaphore(%dma_start3A_209 : memref<!tpu.dma_semaphore, #tpu.memory_space<semaphore_mem>>) {add = true}
      } else {
      }
      %add3A_191 = arith.constant 4 : i32
      %add3A_192 = arith.addi %add3A_170, %add3A_191 : i32
      %lt3A_193 = arith.constant 160 : i32
      %lt3A_194 = arith.cmpi slt, %add3A_192, %lt3A_193 : i32
      %convert_element_type3A_195 = arith.extui %lt3A_194 : i1 to i32
      %cond3A_196 = arith.constant 0 : i32
      %cond3A_197 = arith.cmpi ne, %convert_element_type3A_195, %cond3A_196 : i32
      scf.if %cond3A_197 {
        %eq3A_198 = arith.constant 0 : i32
        %eq3A_199 = arith.cmpi eq, %arg0, %eq3A_198 : i32
        %convert_element_type3A_200 = arith.extui %eq3A_199 : i1 to i32
        %cond3A_201 = arith.constant 0 : i32
        %cond3A_202 = arith.cmpi ne, %convert_element_type3A_200, %cond3A_201 : i32
        scf.if %cond3A_202 {
          %dma_start3A = arith.constant 3 : i32
          %dma_start3A_208 = arith.constant 3 : i32
          %dma_start3A_209 = arith.constant 0 : i32
          %dma_start3A_210 = arith.constant 0 : i32
          %dma_start3A_211 = tpu.memref_slice %arg13[%dma_start3A, %dma_start3A_209, %dma_start3A_210] : memref<4x128x64xf32, #tpu.memory_space<vmem>> -> memref<1x128x64xf32, #tpu.memory_space<vmem>>
          %dma_start3A_212 = tpu.memref_squeeze %dma_start3A_211 : memref<1x128x64xf32, #tpu.memory_space<vmem>> -> memref<128x64xf32, #tpu.memory_space<vmem>>
          %dma_start3A_213 = arith.constant 0 : i32
          %dma_start3A_214 = tpu.memref_slice %arg11[%add3A_192, %dma_start3A_213] : memref<160x128xi32, #tpu.memory_space<vmem>> -> memref<1x128xi32, #tpu.memory_space<vmem>>
          %dma_start3A_215 = tpu.memref_squeeze %dma_start3A_214 : memref<1x128xi32, #tpu.memory_space<vmem>> -> memref<128xi32, #tpu.memory_space<vmem>>
          %dma_start3A_216 = arith.constant 0 : i32
          %dma_start3A_217 = arith.constant 0 : i32
          %dma_start3A_218 = tpu.memref_slice %arg2[%dma_start3A_216, %dma_start3A_217] : memref<10000x64xf32, #tpu.memory_space<hbm>> -> memref<10000x64xf32, #tpu.memory_space<hbm>>
          %dma_start3A_219 = tpu.memref_slice %arg17[%dma_start3A_208] : memref<4x!tpu.dma_semaphore, #tpu.memory_space<semaphore_mem>> -> memref<1x!tpu.dma_semaphore, #tpu.memory_space<semaphore_mem>>
          %dma_start3A_220 = tpu.memref_squeeze %dma_start3A_219 : memref<1x!tpu.dma_semaphore, #tpu.memory_space<semaphore_mem>> -> memref<!tpu.dma_semaphore, #tpu.memory_space<semaphore_mem>>
          tpu.enqueue_indirect_dma source(%dma_start3A_218 : memref<10000x64xf32, #tpu.memory_space<hbm>>) target(%dma_start3A_212 : memref<128x64xf32, #tpu.memory_space<vmem>>) offsets(%dma_start3A_215 : memref<128xi32, #tpu.memory_space<vmem>>) semaphore(%dma_start3A_220 : memref<!tpu.dma_semaphore, #tpu.memory_space<semaphore_mem>>)
        } else {
        }
        %eq3A_203 = arith.constant 1 : i32
        %eq3A_204 = arith.cmpi eq, %arg0, %eq3A_203 : i32
        %convert_element_type3A_205 = arith.extui %eq3A_204 : i1 to i32
        %cond3A_206 = arith.constant 0 : i32
        %cond3A_207 = arith.cmpi ne, %convert_element_type3A_205, %cond3A_206 : i32
        scf.if %cond3A_207 {
          %dma_start3A = arith.constant 3 : i32
          %dma_start3A_208 = arith.constant 3 : i32
          %dma_start3A_209 = arith.constant 0 : i32
          %dma_start3A_210 = arith.constant 0 : i32
          %dma_start3A_211 = tpu.memref_slice %arg13[%dma_start3A, %dma_start3A_209, %dma_start3A_210] : memref<4x128x64xf32, #tpu.memory_space<vmem>> -> memref<1x128x64xf32, #tpu.memory_space<vmem>>
          %dma_start3A_212 = tpu.memref_squeeze %dma_start3A_211 : memref<1x128x64xf32, #tpu.memory_space<vmem>> -> memref<128x64xf32, #tpu.memory_space<vmem>>
          %dma_start3A_213 = arith.constant 0 : i32
          %dma_start3A_214 = tpu.memref_slice %arg11[%add3A_192, %dma_start3A_213] : memref<160x128xi32, #tpu.memory_space<vmem>> -> memref<1x128xi32, #tpu.memory_space<vmem>>
          %dma_start3A_215 = tpu.memref_squeeze %dma_start3A_214 : memref<1x128xi32, #tpu.memory_space<vmem>> -> memref<128xi32, #tpu.memory_space<vmem>>
          %dma_start3A_216 = arith.constant 0 : i32
          %dma_start3A_217 = arith.constant 0 : i32
          %dma_start3A_218 = tpu.memref_slice %arg3[%dma_start3A_216, %dma_start3A_217] : memref<10000x64xf32, #tpu.memory_space<hbm>> -> memref<10000x64xf32, #tpu.memory_space<hbm>>
          %dma_start3A_219 = tpu.memref_slice %arg17[%dma_start3A_208] : memref<4x!tpu.dma_semaphore, #tpu.memory_space<semaphore_mem>> -> memref<1x!tpu.dma_semaphore, #tpu.memory_space<semaphore_mem>>
          %dma_start3A_220 = tpu.memref_squeeze %dma_start3A_219 : memref<1x!tpu.dma_semaphore, #tpu.memory_space<semaphore_mem>> -> memref<!tpu.dma_semaphore, #tpu.memory_space<semaphore_mem>>
          tpu.enqueue_indirect_dma source(%dma_start3A_218 : memref<10000x64xf32, #tpu.memory_space<hbm>>) target(%dma_start3A_212 : memref<128x64xf32, #tpu.memory_space<vmem>>) offsets(%dma_start3A_215 : memref<128xi32, #tpu.memory_space<vmem>>) semaphore(%dma_start3A_220 : memref<!tpu.dma_semaphore, #tpu.memory_space<semaphore_mem>>)
        } else {
        }
      } else {
      }
    }
    %scan3A_51 = arith.constant 40 : i32
    %eq3A_52 = arith.constant 0 : i32
    %eq3A_53 = arith.cmpi eq, %arg0, %eq3A_52 : i32
    %convert_element_type3A_54 = arith.extui %eq3A_53 : i1 to i32
    %cond3A_55 = arith.constant 0 : i32
    %cond3A_56 = arith.cmpi ne, %convert_element_type3A_54, %cond3A_55 : i32
    scf.if %cond3A_56 {
      %dma_wait3A = arith.constant 156 : i32
      %dma_wait3A_81 = arith.constant 0 : i32
      %dma_wait3A_82 = arith.constant 0 : i32
      %dma_wait3A_83 = tpu.memref_slice %arg12[%dma_wait3A, %dma_wait3A_82] : memref<160x128xi32, #tpu.memory_space<vmem>> -> memref<1x128xi32, #tpu.memory_space<vmem>>
      %dma_wait3A_84 = tpu.memref_squeeze %dma_wait3A_83 : memref<1x128xi32, #tpu.memory_space<vmem>> -> memref<128xi32, #tpu.memory_space<vmem>>
      %dma_wait3A_85 = arith.constant 0 : i32
      %dma_wait3A_86 = arith.constant 0 : i32
      %dma_wait3A_87 = tpu.memref_slice %arg16[%dma_wait3A_85, %dma_wait3A_86] : memref<10112x16xf32, #tpu.memory_space<vmem_shared>> -> memref<10112x16xf32, #tpu.memory_space<vmem_shared>>
      %dma_wait3A_88 = tpu.memref_slice %arg19[%dma_wait3A_81] : memref<4x!tpu.dma_semaphore, #tpu.memory_space<semaphore_mem>> -> memref<1x!tpu.dma_semaphore, #tpu.memory_space<semaphore_mem>>
      %dma_wait3A_89 = tpu.memref_squeeze %dma_wait3A_88 : memref<1x!tpu.dma_semaphore, #tpu.memory_space<semaphore_mem>> -> memref<!tpu.dma_semaphore, #tpu.memory_space<semaphore_mem>>
      tpu.wait_indirect_dma semaphore(%dma_wait3A_89 : memref<!tpu.dma_semaphore, #tpu.memory_space<semaphore_mem>>) src(%arg14 : memref<128x16xf32, #tpu.memory_space<vmem>>) dst(%dma_wait3A_87 : memref<10112x16xf32, #tpu.memory_space<vmem_shared>>)
    } else {
    }
    %eq3A_57 = arith.constant 1 : i32
    %eq3A_58 = arith.cmpi eq, %arg0, %eq3A_57 : i32
    %convert_element_type3A_59 = arith.extui %eq3A_58 : i1 to i32
    %cond3A_60 = arith.constant 0 : i32
    %cond3A_61 = arith.cmpi ne, %convert_element_type3A_59, %cond3A_60 : i32
    scf.if %cond3A_61 {
      %dma_wait3A = arith.constant 157 : i32
      %dma_wait3A_81 = arith.constant 1 : i32
      %dma_wait3A_82 = arith.constant 0 : i32
      %dma_wait3A_83 = tpu.memref_slice %arg12[%dma_wait3A, %dma_wait3A_82] : memref<160x128xi32, #tpu.memory_space<vmem>> -> memref<1x128xi32, #tpu.memory_space<vmem>>
      %dma_wait3A_84 = tpu.memref_squeeze %dma_wait3A_83 : memref<1x128xi32, #tpu.memory_space<vmem>> -> memref<128xi32, #tpu.memory_space<vmem>>
      %dma_wait3A_85 = arith.constant 0 : i32
      %dma_wait3A_86 = arith.constant 0 : i32
      %dma_wait3A_87 = tpu.memref_slice %arg16[%dma_wait3A_85, %dma_wait3A_86] : memref<10112x16xf32, #tpu.memory_space<vmem_shared>> -> memref<10112x16xf32, #tpu.memory_space<vmem_shared>>
      %dma_wait3A_88 = tpu.memref_slice %arg19[%dma_wait3A_81] : memref<4x!tpu.dma_semaphore, #tpu.memory_space<semaphore_mem>> -> memref<1x!tpu.dma_semaphore, #tpu.memory_space<semaphore_mem>>
      %dma_wait3A_89 = tpu.memref_squeeze %dma_wait3A_88 : memref<1x!tpu.dma_semaphore, #tpu.memory_space<semaphore_mem>> -> memref<!tpu.dma_semaphore, #tpu.memory_space<semaphore_mem>>
      tpu.wait_indirect_dma semaphore(%dma_wait3A_89 : memref<!tpu.dma_semaphore, #tpu.memory_space<semaphore_mem>>) src(%arg14 : memref<128x16xf32, #tpu.memory_space<vmem>>) dst(%dma_wait3A_87 : memref<10112x16xf32, #tpu.memory_space<vmem_shared>>)
    } else {
    }
    %eq3A_62 = arith.constant 0 : i32
    %eq3A_63 = arith.cmpi eq, %arg0, %eq3A_62 : i32
    %convert_element_type3A_64 = arith.extui %eq3A_63 : i1 to i32
    %cond3A_65 = arith.constant 0 : i32
    %cond3A_66 = arith.cmpi ne, %convert_element_type3A_64, %cond3A_65 : i32
    scf.if %cond3A_66 {
      %dma_wait3A = arith.constant 158 : i32
      %dma_wait3A_81 = arith.constant 2 : i32
      %dma_wait3A_82 = arith.constant 0 : i32
      %dma_wait3A_83 = tpu.memref_slice %arg12[%dma_wait3A, %dma_wait3A_82] : memref<160x128xi32, #tpu.memory_space<vmem>> -> memref<1x128xi32, #tpu.memory_space<vmem>>
      %dma_wait3A_84 = tpu.memref_squeeze %dma_wait3A_83 : memref<1x128xi32, #tpu.memory_space<vmem>> -> memref<128xi32, #tpu.memory_space<vmem>>
      %dma_wait3A_85 = arith.constant 0 : i32
      %dma_wait3A_86 = arith.constant 0 : i32
      %dma_wait3A_87 = tpu.memref_slice %arg16[%dma_wait3A_85, %dma_wait3A_86] : memref<10112x16xf32, #tpu.memory_space<vmem_shared>> -> memref<10112x16xf32, #tpu.memory_space<vmem_shared>>
      %dma_wait3A_88 = tpu.memref_slice %arg19[%dma_wait3A_81] : memref<4x!tpu.dma_semaphore, #tpu.memory_space<semaphore_mem>> -> memref<1x!tpu.dma_semaphore, #tpu.memory_space<semaphore_mem>>
      %dma_wait3A_89 = tpu.memref_squeeze %dma_wait3A_88 : memref<1x!tpu.dma_semaphore, #tpu.memory_space<semaphore_mem>> -> memref<!tpu.dma_semaphore, #tpu.memory_space<semaphore_mem>>
      tpu.wait_indirect_dma semaphore(%dma_wait3A_89 : memref<!tpu.dma_semaphore, #tpu.memory_space<semaphore_mem>>) src(%arg14 : memref<128x16xf32, #tpu.memory_space<vmem>>) dst(%dma_wait3A_87 : memref<10112x16xf32, #tpu.memory_space<vmem_shared>>)
    } else {
    }
    %eq3A_67 = arith.constant 1 : i32
    %eq3A_68 = arith.cmpi eq, %arg0, %eq3A_67 : i32
    %convert_element_type3A_69 = arith.extui %eq3A_68 : i1 to i32
    %cond3A_70 = arith.constant 0 : i32
    %cond3A_71 = arith.cmpi ne, %convert_element_type3A_69, %cond3A_70 : i32
    scf.if %cond3A_71 {
      %dma_wait3A = arith.constant 159 : i32
      %dma_wait3A_81 = arith.constant 3 : i32
      %dma_wait3A_82 = arith.constant 0 : i32
      %dma_wait3A_83 = tpu.memref_slice %arg12[%dma_wait3A, %dma_wait3A_82] : memref<160x128xi32, #tpu.memory_space<vmem>> -> memref<1x128xi32, #tpu.memory_space<vmem>>
      %dma_wait3A_84 = tpu.memref_squeeze %dma_wait3A_83 : memref<1x128xi32, #tpu.memory_space<vmem>> -> memref<128xi32, #tpu.memory_space<vmem>>
      %dma_wait3A_85 = arith.constant 0 : i32
      %dma_wait3A_86 = arith.constant 0 : i32
      %dma_wait3A_87 = tpu.memref_slice %arg16[%dma_wait3A_85, %dma_wait3A_86] : memref<10112x16xf32, #tpu.memory_space<vmem_shared>> -> memref<10112x16xf32, #tpu.memory_space<vmem_shared>>
      %dma_wait3A_88 = tpu.memref_slice %arg19[%dma_wait3A_81] : memref<4x!tpu.dma_semaphore, #tpu.memory_space<semaphore_mem>> -> memref<1x!tpu.dma_semaphore, #tpu.memory_space<semaphore_mem>>
      %dma_wait3A_89 = tpu.memref_squeeze %dma_wait3A_88 : memref<1x!tpu.dma_semaphore, #tpu.memory_space<semaphore_mem>> -> memref<!tpu.dma_semaphore, #tpu.memory_space<semaphore_mem>>
      tpu.wait_indirect_dma semaphore(%dma_wait3A_89 : memref<!tpu.dma_semaphore, #tpu.memory_space<semaphore_mem>>) src(%arg14 : memref<128x16xf32, #tpu.memory_space<vmem>>) dst(%dma_wait3A_87 : memref<10112x16xf32, #tpu.memory_space<vmem_shared>>)
    } else {
    }
    %barrier3A_72 = arith.constant 0 : index
    tpu.barrier barrier_id(%barrier3A_72)
    %mul3A_73 = arith.constant 632 : i32
    %mul3A_74 = arith.muli %arg1, %mul3A_73 : i32
    %mul3A_75 = arith.constant 632 : i32
    %mul3A_76 = arith.muli %arg1, %mul3A_75 : i32
    "tpu.region"() ({
      %run_scoped3A = tpu.sem_alloc : memref<!tpu.dma_semaphore, #tpu.memory_space<semaphore_mem>>
      %dma_start3A = arith.constant 0 : i32
      %dma_start3A_81 = arith.constant 0 : i32
      %dma_start3A_82 = tpu.memref_slice %arg9[%arg0, %dma_start3A, %dma_start3A_81] : memref<2x10112x64xf32, #tpu.memory_space<hbm>> -> memref<1x10112x64xf32, #tpu.memory_space<hbm>>
      %dma_start3A_83 = tpu.memref_squeeze %dma_start3A_82 : memref<1x10112x64xf32, #tpu.memory_space<hbm>> -> memref<10112x64xf32, #tpu.memory_space<hbm>>
      %dma_start3A_84 = arith.constant 0 : i32
      %dma_start3A_85 = tpu.memref_slice %dma_start3A_83[%mul3A_76, %dma_start3A_84] : memref<10112x64xf32, #tpu.memory_space<hbm>> -> memref<632x64xf32, #tpu.memory_space<hbm>>
      %dma_start3A_86 = arith.constant 0 : i32
      %dma_start3A_87 = tpu.memref_slice %arg15[%mul3A_74, %dma_start3A_86] : memref<10112x64xf32, #tpu.memory_space<vmem_shared>> -> memref<632x64xf32, #tpu.memory_space<vmem_shared>>
      tpu.enqueue_dma source(%dma_start3A_87 : memref<632x64xf32, #tpu.memory_space<vmem_shared>>) target(%dma_start3A_85 : memref<632x64xf32, #tpu.memory_space<hbm>>) target_semaphore(%run_scoped3A : memref<!tpu.dma_semaphore, #tpu.memory_space<semaphore_mem>>)
      %dma_wait3A = arith.constant 0 : i32
      %dma_wait3A_88 = arith.constant 0 : i32
      %dma_wait3A_89 = tpu.memref_slice %arg9[%arg0, %dma_wait3A, %dma_wait3A_88] : memref<2x10112x64xf32, #tpu.memory_space<hbm>> -> memref<1x10112x64xf32, #tpu.memory_space<hbm>>
      %dma_wait3A_90 = tpu.memref_squeeze %dma_wait3A_89 : memref<1x10112x64xf32, #tpu.memory_space<hbm>> -> memref<10112x64xf32, #tpu.memory_space<hbm>>
      %dma_wait3A_91 = arith.constant 0 : i32
      %dma_wait3A_92 = tpu.memref_slice %dma_wait3A_90[%mul3A_76, %dma_wait3A_91] : memref<10112x64xf32, #tpu.memory_space<hbm>> -> memref<632x64xf32, #tpu.memory_space<hbm>>
      %dma_wait3A_93 = arith.constant 0 : i32
      %dma_wait3A_94 = tpu.memref_slice %arg15[%mul3A_74, %dma_wait3A_93] : memref<10112x64xf32, #tpu.memory_space<vmem_shared>> -> memref<632x64xf32, #tpu.memory_space<vmem_shared>>
      tpu.wait_dma2 semaphore(%run_scoped3A : memref<!tpu.dma_semaphore, #tpu.memory_space<semaphore_mem>>) src(%dma_wait3A_94 : memref<632x64xf32, #tpu.memory_space<vmem_shared>>) dst(%dma_wait3A_92 : memref<632x64xf32, #tpu.memory_space<hbm>>)
      tpu.yield
    }) : () -> ()
    %mul3A_77 = arith.constant 632 : i32
    %mul3A_78 = arith.muli %arg1, %mul3A_77 : i32
    %mul3A_79 = arith.constant 632 : i32
    %mul3A_80 = arith.muli %arg1, %mul3A_79 : i32
    "tpu.region"() ({
      %run_scoped3A = tpu.sem_alloc : memref<!tpu.dma_semaphore, #tpu.memory_space<semaphore_mem>>
      %dma_start3A = arith.constant 0 : i32
      %dma_start3A_81 = arith.constant 0 : i32
      %dma_start3A_82 = tpu.memref_slice %arg10[%arg0, %dma_start3A, %dma_start3A_81] : memref<2x10112x16xf32, #tpu.memory_space<hbm>> -> memref<1x10112x16xf32, #tpu.memory_space<hbm>>
      %dma_start3A_83 = tpu.memref_squeeze %dma_start3A_82 : memref<1x10112x16xf32, #tpu.memory_space<hbm>> -> memref<10112x16xf32, #tpu.memory_space<hbm>>
      %dma_start3A_84 = arith.constant 0 : i32
      %dma_start3A_85 = tpu.memref_slice %dma_start3A_83[%mul3A_80, %dma_start3A_84] : memref<10112x16xf32, #tpu.memory_space<hbm>> -> memref<632x16xf32, #tpu.memory_space<hbm>>
      %dma_start3A_86 = arith.constant 0 : i32
      %dma_start3A_87 = tpu.memref_slice %arg16[%mul3A_78, %dma_start3A_86] : memref<10112x16xf32, #tpu.memory_space<vmem_shared>> -> memref<632x16xf32, #tpu.memory_space<vmem_shared>>
      tpu.enqueue_dma source(%dma_start3A_87 : memref<632x16xf32, #tpu.memory_space<vmem_shared>>) target(%dma_start3A_85 : memref<632x16xf32, #tpu.memory_space<hbm>>) target_semaphore(%run_scoped3A : memref<!tpu.dma_semaphore, #tpu.memory_space<semaphore_mem>>)
      %dma_wait3A = arith.constant 0 : i32
      %dma_wait3A_88 = arith.constant 0 : i32
      %dma_wait3A_89 = tpu.memref_slice %arg10[%arg0, %dma_wait3A, %dma_wait3A_88] : memref<2x10112x16xf32, #tpu.memory_space<hbm>> -> memref<1x10112x16xf32, #tpu.memory_space<hbm>>
      %dma_wait3A_90 = tpu.memref_squeeze %dma_wait3A_89 : memref<1x10112x16xf32, #tpu.memory_space<hbm>> -> memref<10112x16xf32, #tpu.memory_space<hbm>>
      %dma_wait3A_91 = arith.constant 0 : i32
      %dma_wait3A_92 = tpu.memref_slice %dma_wait3A_90[%mul3A_80, %dma_wait3A_91] : memref<10112x16xf32, #tpu.memory_space<hbm>> -> memref<632x16xf32, #tpu.memory_space<hbm>>
      %dma_wait3A_93 = arith.constant 0 : i32
      %dma_wait3A_94 = tpu.memref_slice %arg16[%mul3A_78, %dma_wait3A_93] : memref<10112x16xf32, #tpu.memory_space<vmem_shared>> -> memref<632x16xf32, #tpu.memory_space<vmem_shared>>
      tpu.wait_dma2 semaphore(%run_scoped3A : memref<!tpu.dma_semaphore, #tpu.memory_space<semaphore_mem>>) src(%dma_wait3A_94 : memref<632x16xf32, #tpu.memory_space<vmem_shared>>) dst(%dma_wait3A_92 : memref<632x16xf32, #tpu.memory_space<hbm>>)
      tpu.yield
    }) : () -> ()
    return
  }
}

module attributes {stable_mosaic.version = 14 : i64} {
  func.func @_tc_layer_kernel(%arg0: i32, %arg1: memref<2x10000x64xf32, #tpu.memory_space<vmem>>, %arg2: memref<2x10000x16xf32, #tpu.memory_space<vmem>>, %arg3: memref<10000x64xf32, #tpu.memory_space<vmem>>, %arg4: memref<10000x64xf32, #tpu.memory_space<vmem>>, %arg5: memref<128x128xf32, #tpu.memory_space<vmem>>, %arg6: memref<128x128xf32, #tpu.memory_space<vmem>>, %arg7: memref<1x128xf32, #tpu.memory_space<vmem>>, %arg8: memref<10000x64xf32, #tpu.memory_space<vmem>>, %arg9: memref<10000x64xf32, #tpu.memory_space<vmem>>) attributes {dimension_semantics = [#tpu.dimension_semantics<arbitrary>], iteration_bounds = array<i64: 1>, scalar_prefetch = 0 : i64, scratch_operands = 0 : i64, tpu.core_type = #tpu.core_type<tc>, window_params = [{transform_indices = @transform_0, window_bounds = array<i64: 2, 10000, 64>}, {transform_indices = @transform_1, window_bounds = array<i64: 2, 10000, 16>}, {transform_indices = @transform_2, window_bounds = array<i64: 10000, 64>}, {transform_indices = @transform_3, window_bounds = array<i64: 10000, 64>}, {pipeline_mode = #tpu.pipeline_mode<synchronous>, transform_indices = @transform_4, window_bounds = array<i64: 128, 128>}, {pipeline_mode = #tpu.pipeline_mode<synchronous>, transform_indices = @transform_5, window_bounds = array<i64: 128, 128>}, {pipeline_mode = #tpu.pipeline_mode<synchronous>, transform_indices = @transform_6, window_bounds = array<i64: 1, 128>}, {transform_indices = @transform_7, window_bounds = array<i64: 10000, 64>}, {transform_indices = @transform_8, window_bounds = array<i64: 10000, 64>}]} {
    %get3A = arith.constant 0 : index
    %get3A_0 = arith.constant 0 : index
    %get3A_1 = arith.constant 0 : index
    %get3A_2 = vector.load %arg1[%get3A, %get3A_0, %get3A_1] : memref<2x10000x64xf32, #tpu.memory_space<vmem>>, vector<1x10000x64xf32>
    %get3A_3 = vector.shape_cast %get3A_2 : vector<1x10000x64xf32> to vector<10000x64xf32>
    %get3A_4 = arith.constant 1 : index
    %get3A_5 = arith.constant 0 : index
    %get3A_6 = arith.constant 0 : index
    %get3A_7 = vector.load %arg1[%get3A_4, %get3A_5, %get3A_6] : memref<2x10000x64xf32, #tpu.memory_space<vmem>>, vector<1x10000x64xf32>
    %get3A_8 = vector.shape_cast %get3A_7 : vector<1x10000x64xf32> to vector<10000x64xf32>
    %concatenate3A = tpu.concatenate %get3A_3, %get3A_8 in 1 : vector<10000x64xf32>, vector<10000x64xf32> -> vector<10000x128xf32>
    %get3A_9 = arith.constant 0 : index
    %get3A_10 = arith.constant 0 : index
    %get3A_11 = arith.constant 0 : index
    %get3A_12 = vector.load %arg2[%get3A_9, %get3A_10, %get3A_11] : memref<2x10000x16xf32, #tpu.memory_space<vmem>>, vector<1x10000x1xf32>
    %get3A_13 = vector.shape_cast %get3A_12 : vector<1x10000x1xf32> to vector<10000xf32>
    %get3A_14 = arith.constant 1 : index
    %get3A_15 = arith.constant 0 : index
    %get3A_16 = arith.constant 0 : index
    %get3A_17 = vector.load %arg2[%get3A_14, %get3A_15, %get3A_16] : memref<2x10000x16xf32, #tpu.memory_space<vmem>>, vector<1x10000x1xf32>
    %get3A_18 = vector.shape_cast %get3A_17 : vector<1x10000x1xf32> to vector<10000xf32>
    %add3A = arith.addf %get3A_13, %get3A_18 : vector<10000xf32>
    %max3A = arith.constant 1.000000e+00 : f32
    %max3A_19 = vector.broadcast %max3A : f32 to vector<10000xf32>
    %max3A_20 = arith.maximumf %add3A, %max3A_19 : vector<10000xf32>
    %div3A = arith.constant 1.000000e+00 : f32
    %div3A_21 = vector.broadcast %div3A : f32 to vector<10000xf32>
    %div3A_22 = arith.divf %div3A_21, %max3A_20 : vector<10000xf32>
    %broadcast_in_dim3A = vector.shape_cast %div3A_22 : vector<10000xf32> to vector<10000x1xf32>
    %mul3A = vector.broadcast %broadcast_in_dim3A : vector<10000x1xf32> to vector<10000x128xf32>
    %mul3A_23 = arith.mulf %concatenate3A, %mul3A : vector<10000x128xf32>
    %get3A_24 = arith.constant 0 : index
    %get3A_25 = arith.constant 0 : index
    %get3A_26 = vector.load %arg3[%get3A_24, %get3A_25] : memref<10000x64xf32, #tpu.memory_space<vmem>>, vector<10000x64xf32>
    %get3A_27 = arith.constant 0 : index
    %get3A_28 = arith.constant 0 : index
    %get3A_29 = vector.load %arg4[%get3A_27, %get3A_28] : memref<10000x64xf32, #tpu.memory_space<vmem>>, vector<10000x64xf32>
    %concatenate3A_30 = tpu.concatenate %get3A_26, %get3A_29 in 1 : vector<10000x64xf32>, vector<10000x64xf32> -> vector<10000x128xf32>
    %get3A_31 = arith.constant 0 : index
    %get3A_32 = arith.constant 0 : index
    %get3A_33 = vector.load %arg5[%get3A_31, %get3A_32] : memref<128x128xf32, #tpu.memory_space<vmem>>, vector<128x128xf32>
    %transpose3A = tpu.transpose %get3A_33, [1, 0] : vector<128x128xf32> -> vector<128x128xf32>
    %dot_general3A = arith.constant dense<0.000000e+00> : vector<10000x128xf32>
    %dot_general3A_34 = tpu.matmul %mul3A_23, %transpose3A, %dot_general3A {dimension_numbers = #tpu.dot_dimension_numbers<[1], [0], [0], [1], [0, 0, 1, 1], [], []>, transpose_lhs_hint = false} : vector<10000x128xf32>, vector<128x128xf32>, vector<10000x128xf32> -> vector<10000x128xf32>
    %get3A_35 = arith.constant 0 : index
    %get3A_36 = arith.constant 0 : index
    %get3A_37 = vector.load %arg6[%get3A_35, %get3A_36] : memref<128x128xf32, #tpu.memory_space<vmem>>, vector<128x128xf32>
    %transpose3A_38 = tpu.transpose %get3A_37, [1, 0] : vector<128x128xf32> -> vector<128x128xf32>
    %dot_general3A_39 = arith.constant dense<0.000000e+00> : vector<10000x128xf32>
    %dot_general3A_40 = tpu.matmul %concatenate3A_30, %transpose3A_38, %dot_general3A_39 {dimension_numbers = #tpu.dot_dimension_numbers<[1], [0], [0], [1], [0, 0, 1, 1], [], []>, transpose_lhs_hint = false} : vector<10000x128xf32>, vector<128x128xf32>, vector<10000x128xf32> -> vector<10000x128xf32>
    %add3A_41 = arith.addf %dot_general3A_34, %dot_general3A_40 : vector<10000x128xf32>
    %get3A_42 = arith.constant 0 : index
    %get3A_43 = arith.constant 0 : index
    %get3A_44 = vector.load %arg7[%get3A_42, %get3A_43] : memref<1x128xf32, #tpu.memory_space<vmem>>, vector<1x128xf32>
    %add3A_45 = vector.broadcast %get3A_44 : vector<1x128xf32> to vector<10000x128xf32>
    %add3A_46 = arith.addf %add3A_41, %add3A_45 : vector<10000x128xf32>
    %max3A_47 = arith.constant 0.000000e+00 : f32
    %max3A_48 = vector.broadcast %max3A_47 : f32 to vector<10000x128xf32>
    %max3A_49 = arith.maximumf %add3A_46, %max3A_48 : vector<10000x128xf32>
    %slice3A = vector.extract_strided_slice %max3A_49 {offsets = [0, 0], sizes = [10000, 64], strides = [1, 1]} : vector<10000x128xf32> to vector<10000x64xf32>
    %swap3A = arith.constant 0 : index
    %swap3A_50 = arith.constant 0 : index
    %swap3A_51 = vector.load %arg8[%swap3A, %swap3A_50] : memref<10000x64xf32, #tpu.memory_space<vmem>>, vector<10000x64xf32>
    tpu.vector_store %arg8[%swap3A, %swap3A_50], %slice3A {strides = array<i32>} : memref<10000x64xf32, #tpu.memory_space<vmem>>, vector<10000x64xf32>,
    %slice3A_52 = vector.extract_strided_slice %max3A_49 {offsets = [0, 64], sizes = [10000, 64], strides = [1, 1]} : vector<10000x128xf32> to vector<10000x64xf32>
    %swap3A_53 = arith.constant 0 : index
    %swap3A_54 = arith.constant 0 : index
    %swap3A_55 = vector.load %arg9[%swap3A_53, %swap3A_54] : memref<10000x64xf32, #tpu.memory_space<vmem>>, vector<10000x64xf32>
    tpu.vector_store %arg9[%swap3A_53, %swap3A_54], %slice3A_52 {strides = array<i32>} : memref<10000x64xf32, #tpu.memory_space<vmem>>, vector<10000x64xf32>,
    return
  }
  func.func @transform_0(%arg0: i32) -> (i32, i32, i32) {
    %c0_i32 = arith.constant 0 : i32
    %c0_i32_0 = arith.constant 0 : i32
    %c0_i32_1 = arith.constant 0 : i32
    return %c0_i32, %arg0, %c0_i32_0 : i32, i32, i32
  }
  func.func @transform_1(%arg0: i32) -> (i32, i32, i32) {
    %c0_i32 = arith.constant 0 : i32
    %c0_i32_0 = arith.constant 0 : i32
    %c0_i32_1 = arith.constant 0 : i32
    return %c0_i32, %arg0, %c0_i32_0 : i32, i32, i32
  }
  func.func @transform_2(%arg0: i32) -> (i32, i32) {
    %c0_i32 = arith.constant 0 : i32
    %c0_i32_0 = arith.constant 0 : i32
    return %arg0, %c0_i32 : i32, i32
  }
  func.func @transform_3(%arg0: i32) -> (i32, i32) {
    %c0_i32 = arith.constant 0 : i32
    %c0_i32_0 = arith.constant 0 : i32
    return %arg0, %c0_i32 : i32, i32
  }
  func.func @transform_4(%arg0: i32) -> (i32, i32) {
    %c0_i32 = arith.constant 0 : i32
    %c0_i32_0 = arith.constant 0 : i32
    %c0_i32_1 = arith.constant 0 : i32
    return %c0_i32, %c0_i32_0 : i32, i32
  }
  func.func @transform_5(%arg0: i32) -> (i32, i32) {
    %c0_i32 = arith.constant 0 : i32
    %c0_i32_0 = arith.constant 0 : i32
    %c0_i32_1 = arith.constant 0 : i32
    return %c0_i32, %c0_i32_0 : i32, i32
  }
  func.func @transform_6(%arg0: i32) -> (i32, i32) {
    %c0_i32 = arith.constant 0 : i32
    %c0_i32_0 = arith.constant 0 : i32
    %c0_i32_1 = arith.constant 0 : i32
    return %c0_i32, %c0_i32_0 : i32, i32
  }
  func.func @transform_7(%arg0: i32) -> (i32, i32) {
    %c0_i32 = arith.constant 0 : i32
    %c0_i32_0 = arith.constant 0 : i32
    return %arg0, %c0_i32 : i32, i32
  }
  func.func @transform_8(%arg0: i32) -> (i32, i32) {
    %c0_i32 = arith.constant 0 : i32
    %c0_i32_0 = arith.constant 0 : i32
    return %arg0, %c0_i32 : i32, i32
  }
}

module attributes {stable_mosaic.version = 14 : i64} {
  func.func @_tc_layer_kernel(%arg0: i32, %arg1: memref<2x10000x64xf32, #tpu.memory_space<vmem>>, %arg2: memref<2x10000x16xf32, #tpu.memory_space<vmem>>, %arg3: memref<10000x64xf32, #tpu.memory_space<vmem>>, %arg4: memref<10000x64xf32, #tpu.memory_space<vmem>>, %arg5: memref<128x128xf32, #tpu.memory_space<vmem>>, %arg6: memref<128x128xf32, #tpu.memory_space<vmem>>, %arg7: memref<1x128xf32, #tpu.memory_space<vmem>>, %arg8: memref<10000x128xf32, #tpu.memory_space<vmem>>) attributes {dimension_semantics = [#tpu.dimension_semantics<arbitrary>], iteration_bounds = array<i64: 1>, scalar_prefetch = 0 : i64, scratch_operands = 0 : i64, tpu.core_type = #tpu.core_type<tc>, window_params = [{transform_indices = @transform_0, window_bounds = array<i64: 2, 10000, 64>}, {transform_indices = @transform_1, window_bounds = array<i64: 2, 10000, 16>}, {transform_indices = @transform_2, window_bounds = array<i64: 10000, 64>}, {transform_indices = @transform_3, window_bounds = array<i64: 10000, 64>}, {pipeline_mode = #tpu.pipeline_mode<synchronous>, transform_indices = @transform_4, window_bounds = array<i64: 128, 128>}, {pipeline_mode = #tpu.pipeline_mode<synchronous>, transform_indices = @transform_5, window_bounds = array<i64: 128, 128>}, {pipeline_mode = #tpu.pipeline_mode<synchronous>, transform_indices = @transform_6, window_bounds = array<i64: 1, 128>}, {transform_indices = @transform_7, window_bounds = array<i64: 10000, 128>}]} {
    %get3A = arith.constant 0 : index
    %get3A_0 = arith.constant 0 : index
    %get3A_1 = arith.constant 0 : index
    %get3A_2 = vector.load %arg1[%get3A, %get3A_0, %get3A_1] : memref<2x10000x64xf32, #tpu.memory_space<vmem>>, vector<1x10000x64xf32>
    %get3A_3 = vector.shape_cast %get3A_2 : vector<1x10000x64xf32> to vector<10000x64xf32>
    %get3A_4 = arith.constant 1 : index
    %get3A_5 = arith.constant 0 : index
    %get3A_6 = arith.constant 0 : index
    %get3A_7 = vector.load %arg1[%get3A_4, %get3A_5, %get3A_6] : memref<2x10000x64xf32, #tpu.memory_space<vmem>>, vector<1x10000x64xf32>
    %get3A_8 = vector.shape_cast %get3A_7 : vector<1x10000x64xf32> to vector<10000x64xf32>
    %concatenate3A = tpu.concatenate %get3A_3, %get3A_8 in 1 : vector<10000x64xf32>, vector<10000x64xf32> -> vector<10000x128xf32>
    %get3A_9 = arith.constant 0 : index
    %get3A_10 = arith.constant 0 : index
    %get3A_11 = arith.constant 0 : index
    %get3A_12 = vector.load %arg2[%get3A_9, %get3A_10, %get3A_11] : memref<2x10000x16xf32, #tpu.memory_space<vmem>>, vector<1x10000x1xf32>
    %get3A_13 = vector.shape_cast %get3A_12 : vector<1x10000x1xf32> to vector<10000xf32>
    %get3A_14 = arith.constant 1 : index
    %get3A_15 = arith.constant 0 : index
    %get3A_16 = arith.constant 0 : index
    %get3A_17 = vector.load %arg2[%get3A_14, %get3A_15, %get3A_16] : memref<2x10000x16xf32, #tpu.memory_space<vmem>>, vector<1x10000x1xf32>
    %get3A_18 = vector.shape_cast %get3A_17 : vector<1x10000x1xf32> to vector<10000xf32>
    %add3A = arith.addf %get3A_13, %get3A_18 : vector<10000xf32>
    %max3A = arith.constant 1.000000e+00 : f32
    %max3A_19 = vector.broadcast %max3A : f32 to vector<10000xf32>
    %max3A_20 = arith.maximumf %add3A, %max3A_19 : vector<10000xf32>
    %div3A = arith.constant 1.000000e+00 : f32
    %div3A_21 = vector.broadcast %div3A : f32 to vector<10000xf32>
    %div3A_22 = arith.divf %div3A_21, %max3A_20 : vector<10000xf32>
    %broadcast_in_dim3A = vector.shape_cast %div3A_22 : vector<10000xf32> to vector<10000x1xf32>
    %mul3A = vector.broadcast %broadcast_in_dim3A : vector<10000x1xf32> to vector<10000x128xf32>
    %mul3A_23 = arith.mulf %concatenate3A, %mul3A : vector<10000x128xf32>
    %get3A_24 = arith.constant 0 : index
    %get3A_25 = arith.constant 0 : index
    %get3A_26 = vector.load %arg3[%get3A_24, %get3A_25] : memref<10000x64xf32, #tpu.memory_space<vmem>>, vector<10000x64xf32>
    %get3A_27 = arith.constant 0 : index
    %get3A_28 = arith.constant 0 : index
    %get3A_29 = vector.load %arg4[%get3A_27, %get3A_28] : memref<10000x64xf32, #tpu.memory_space<vmem>>, vector<10000x64xf32>
    %concatenate3A_30 = tpu.concatenate %get3A_26, %get3A_29 in 1 : vector<10000x64xf32>, vector<10000x64xf32> -> vector<10000x128xf32>
    %get3A_31 = arith.constant 0 : index
    %get3A_32 = arith.constant 0 : index
    %get3A_33 = vector.load %arg5[%get3A_31, %get3A_32] : memref<128x128xf32, #tpu.memory_space<vmem>>, vector<128x128xf32>
    %transpose3A = tpu.transpose %get3A_33, [1, 0] : vector<128x128xf32> -> vector<128x128xf32>
    %dot_general3A = arith.constant dense<0.000000e+00> : vector<10000x128xf32>
    %dot_general3A_34 = tpu.matmul %mul3A_23, %transpose3A, %dot_general3A {dimension_numbers = #tpu.dot_dimension_numbers<[1], [0], [0], [1], [0, 0, 1, 1], [], []>, transpose_lhs_hint = false} : vector<10000x128xf32>, vector<128x128xf32>, vector<10000x128xf32> -> vector<10000x128xf32>
    %get3A_35 = arith.constant 0 : index
    %get3A_36 = arith.constant 0 : index
    %get3A_37 = vector.load %arg6[%get3A_35, %get3A_36] : memref<128x128xf32, #tpu.memory_space<vmem>>, vector<128x128xf32>
    %transpose3A_38 = tpu.transpose %get3A_37, [1, 0] : vector<128x128xf32> -> vector<128x128xf32>
    %dot_general3A_39 = arith.constant dense<0.000000e+00> : vector<10000x128xf32>
    %dot_general3A_40 = tpu.matmul %concatenate3A_30, %transpose3A_38, %dot_general3A_39 {dimension_numbers = #tpu.dot_dimension_numbers<[1], [0], [0], [1], [0, 0, 1, 1], [], []>, transpose_lhs_hint = false} : vector<10000x128xf32>, vector<128x128xf32>, vector<10000x128xf32> -> vector<10000x128xf32>
    %add3A_41 = arith.addf %dot_general3A_34, %dot_general3A_40 : vector<10000x128xf32>
    %get3A_42 = arith.constant 0 : index
    %get3A_43 = arith.constant 0 : index
    %get3A_44 = vector.load %arg7[%get3A_42, %get3A_43] : memref<1x128xf32, #tpu.memory_space<vmem>>, vector<1x128xf32>
    %add3A_45 = vector.broadcast %get3A_44 : vector<1x128xf32> to vector<10000x128xf32>
    %add3A_46 = arith.addf %add3A_41, %add3A_45 : vector<10000x128xf32>
    %reduce_max3A = arith.constant dense<0xFF800000> : vector<10000xf32>
    %reduce_max3A_47 = vector.multi_reduction <maximumf>, %add3A_46, %reduce_max3A [1] : vector<10000x128xf32> to vector<10000xf32>
    %broadcast_in_dim3A_48 = vector.shape_cast %reduce_max3A_47 : vector<10000xf32> to vector<10000x1xf32>
    %sub3A = vector.broadcast %broadcast_in_dim3A_48 : vector<10000x1xf32> to vector<10000x128xf32>
    %sub3A_49 = arith.subf %add3A_46, %sub3A : vector<10000x128xf32>
    %exp3A = math.exp %sub3A_49 : vector<10000x128xf32>
    %reduce_sum3A = arith.constant dense<0.000000e+00> : vector<10000xf32>
    %reduce_sum3A_50 = vector.multi_reduction <add>, %exp3A, %reduce_sum3A [1] : vector<10000x128xf32> to vector<10000xf32>
    %broadcast_in_dim3A_51 = vector.shape_cast %reduce_sum3A_50 : vector<10000xf32> to vector<10000x1xf32>
    %log3A = math.log %broadcast_in_dim3A_51 : vector<10000x1xf32>
    %sub3A_52 = vector.broadcast %log3A : vector<10000x1xf32> to vector<10000x128xf32>
    %sub3A_53 = arith.subf %sub3A_49, %sub3A_52 : vector<10000x128xf32>
    %swap3A = arith.constant 0 : index
    %swap3A_54 = arith.constant 0 : index
    %swap3A_55 = vector.load %arg8[%swap3A, %swap3A_54] : memref<10000x128xf32, #tpu.memory_space<vmem>>, vector<10000x128xf32>
    tpu.vector_store %arg8[%swap3A, %swap3A_54], %sub3A_53 {strides = array<i32>} : memref<10000x128xf32, #tpu.memory_space<vmem>>, vector<10000x128xf32>,
    return
  }
  func.func @transform_0(%arg0: i32) -> (i32, i32, i32) {
    %c0_i32 = arith.constant 0 : i32
    %c0_i32_0 = arith.constant 0 : i32
    %c0_i32_1 = arith.constant 0 : i32
    return %c0_i32, %arg0, %c0_i32_0 : i32, i32, i32
  }
  func.func @transform_1(%arg0: i32) -> (i32, i32, i32) {
    %c0_i32 = arith.constant 0 : i32
    %c0_i32_0 = arith.constant 0 : i32
    %c0_i32_1 = arith.constant 0 : i32
    return %c0_i32, %arg0, %c0_i32_0 : i32, i32, i32
  }
  func.func @transform_2(%arg0: i32) -> (i32, i32) {
    %c0_i32 = arith.constant 0 : i32
    %c0_i32_0 = arith.constant 0 : i32
    return %arg0, %c0_i32 : i32, i32
  }
  func.func @transform_3(%arg0: i32) -> (i32, i32) {
    %c0_i32 = arith.constant 0 : i32
    %c0_i32_0 = arith.constant 0 : i32
    return %arg0, %c0_i32 : i32, i32
  }
  func.func @transform_4(%arg0: i32) -> (i32, i32) {
    %c0_i32 = arith.constant 0 : i32
    %c0_i32_0 = arith.constant 0 : i32
    %c0_i32_1 = arith.constant 0 : i32
    return %c0_i32, %c0_i32_0 : i32, i32
  }
  func.func @transform_5(%arg0: i32) -> (i32, i32) {
    %c0_i32 = arith.constant 0 : i32
    %c0_i32_0 = arith.constant 0 : i32
    %c0_i32_1 = arith.constant 0 : i32
    return %c0_i32, %c0_i32_0 : i32, i32
  }
  func.func @transform_6(%arg0: i32) -> (i32, i32) {
    %c0_i32 = arith.constant 0 : i32
    %c0_i32_0 = arith.constant 0 : i32
    %c0_i32_1 = arith.constant 0 : i32
    return %c0_i32, %c0_i32_0 : i32, i32
  }
  func.func @transform_7(%arg0: i32) -> (i32, i32) {
    %c0_i32 = arith.constant 0 : i32
    %c0_i32_0 = arith.constant 0 : i32
    return %arg0, %c0_i32 : i32, i32
  }
}

</mosaic_0001>

<sc_bundles>
// kernel: kernel.6.cloned.1.call-start
scs
__scs_entry_jumppad:
0x0: {  	(pc) =	sbr.rel $0x88, $3  }
0x1: {  	(tag) =	ssettag $0x0;
	lr =	simm.s32 $0x1  }
0x2: {  	[smem:$0x3F99] =	sst lr;
	_ =	strace $0xD0000000  }
0x3: {  	_ = 	snop  }
0x4: {  	_ = 	snop  }
0x5: {  	_ = 	snop  }
0x6: {  	_ = 	snop  }
0x7: {  	_ = 	snop  }
__scs_overlays_trampoline_lowered:
0x8: {  	[smem:$0x3FA8] =	sst s0  }
0x9: {  	[smem:$0x3FA9] =	sst s1  }
0xa: {  	[smem:$0x3FAA] =	sst s2  }
0xb: {  	[smem:$0x3FAB] =	sst s3  }
0xc: {  	[smem:$0x3FAC] =	sst s4  }
0xd: {  	[smem:$0x3FAD] =	sst s5  }
0xe: {  	[smem:$0x3FAE] =	sst s6  }
0xf: {  	[smem:$0x3FAF] =	sst s7  }
0x10: {  	[smem:$0x3FB0] =	sst s8  }
0x11: {  	[smem:$0x3FB1] =	sst s9;
	s0 =	simm.s32 @!p0 $0x0  }
0x12: {  	s1 =	sld [smem:$0x3F97];
	s0 =	simm.s32 @p0 $0x1  }
0x13: {  	[smem:$0x3FB2] =	sst s0;
	s0 =	simm.s32 @!p1 $0x0  }
0x14: {  	s2 =	sld [smem:$0x3F96];
	s0 =	simm.s32 @p1 $0x1  }
0x15: {  	[smem:$0x3FB3] =	sst s0;
	s0 =	simm.s32 @!p2 $0x0  }
0x16: {  	s3 =	sld [smem:$0x3FDB];
	s0 =	simm.s32 @p2 $0x1  }
0x17: {  	s4 =	simm.s32 $0x1BF5;
	[smem:$0x3FB5] =	sst s0  }
0x18: {  	s0 =	sld [smem:$0x3F98];
	_ =	swait.ge [sflag:s4], $0x0  }
0x19: {  	s7 =	sld [smem:$0x3F99]  }
0x1a: {  	s8 =	sadd.s32 $0xFFFFE003, lr  }
0x1b: {  	s9 =	sadd.s32 $0xFFFFFEF7, lr;
	s5 =	simm.s32 $0xFFFFFFFF;
	p2 =	slt.u32 s8, $0xFFFFF086  }
0x1c: {  	p1 =	slt.u32 s9, $0xF7A;
	s5 =	simm.s32 @!p2 $0x0  }
0x1d: {  	s5 =	simm.s32 @p1 $0x1;
	p0 =	seq.s32 s7, s2  }
0x1e: {  	s7 =	smul.u32 @!p0 $0xF7A, s2;
	p2 =	seq.s32 @!p0 s5, $0x0  }
0x1f: {  	s9 =	smul.u32 $0xF7A, s1;
	s8 =	simm.s32 @!p0 $0x1BF5;
	p2 =	por !p2, p0  }
0x20: {  	[sflag:s8] =	ssyncset.s32 @!p0 $0xFFFFF086;
	s6 =	sadd.s32 @!p0 s3, s7;
	s7 =	simm.s32 @!p0 $0x108  }
0x21: {  	s3 =	sadd.s32 s3, s9;
	s6 =	sadd.s32 @!p0 $0x88, s6;
	s7 =	simm.s32 @p2 $0x1082  }
0x22: {  	[simem:s7], [sflag:s8] =	dma.local @!p0 [hbm:s6], $0xF7A  }
0x23: {  	s9 =	sor.u32 $0xD0000000, s2;
	s6 =	simm.s32 $0x108;
	_ =	swait.ge @!p0 [sflag:s8], $0x0  }
0x24: {  	s3 =	sadd.s32 $0x88, s3;
	s6 =	simm.s32 @!p1 $0x1082;
	[sflag:s4] =	ssyncset.s32 $0xFFFFF086  }
0x25: {  	[simem:s6], [sflag:s4] =	dma.local [hbm:s3], $0xF7A  }
0x26: {  	[smem:$0x3F99] =	sst s1;
	(tag) =	ssettag s2;
	_ =	strace s9  }
0x27: {  	s1 =	sld [smem:$0x3FA9]  }
0x28: {  	s2 =	sld [smem:$0x3FAA]  }
0x29: {  	s4 =	sld [smem:$0x3FAC]  }
0x2a: {  	p0 =	seq.s32 s5, $0x0;
	s5 =	sld [smem:$0x3FAD]  }
0x2b: {  	s6 =	sld [smem:$0x3FAE]  }
0x2c: {  	s7 =	sld [smem:$0x3FAF]  }
0x2d: {  	s3 =	simm.s32 $0x108;
	s8 =	sld [smem:$0x3FB0]  }
0x2e: {  	s3 =	simm.s32 @!p0 $0x1082;
	s9 =	sld [smem:$0x3FB1]  }
0x2f: {  	lr =	sadd.s32 s0, s3;
	s0 =	sld [smem:$0x3FA8]  }
0x30: {  	s3 =	sld [smem:$0x3FAB]  }
0x31: {  	[smem:$0x3FB4] =	sst s10  }
0x32: {  	s10 =	sld [smem:$0x3FB2];
	_ =	sdelay $0x3  }
0x33: {  	p0 =	seq.s32 s10, $0x1;
	s10 =	sld [smem:$0x3FB4];
	_ =	sdelay $0x3  }
0x34: {  	[smem:$0x3FB4] =	sst s10  }
0x35: {  	s10 =	sld [smem:$0x3FB3];
	_ =	sdelay $0x3  }
0x36: {  	p1 =	seq.s32 s10, $0x1;
	s10 =	sld [smem:$0x3FB4];
	_ =	sdelay $0x3  }
0x37: {  	[smem:$0x3FB4] =	sst s10  }
0x38: {  	s10 =	sld [smem:$0x3FB5]  }
0x39: {  	_ = 	snop;
	(pc) =	sbr.ind lr, $3  }
0x3a: {  	_ = 	snop  }
0x3b: {  	_ = 	snop  }
0x3c: {  	p2 =	seq.s32 s10, $0x1;
	s10 =	sld [smem:$0x3FB4]  }
0x3d: {  	_ =	shalt  }
0x3e: {  	_ =	shalt  }
0x3f: {  	_ =	shalt  }
0x40: {  	_ =	shalt  }
0x41: {  	_ =	shalt  }
0x42: {  	_ =	shalt  }
0x43: {  	_ =	shalt  }
0x44: {  	_ =	shalt  }
0x45: {  	_ =	shalt  }
0x46: {  	_ =	shalt  }
0x47: {  	_ =	shalt  }
0x48: {  	_ =	shalt  }
0x49: {  	_ =	shalt  }
0x4a: {  	_ =	shalt  }
0x4b: {  	_ =	shalt  }
0x4c: {  	_ =	shalt  }
0x4d: {  	_ =	shalt  }
0x4e: {  	_ =	shalt  }
0x4f: {  	_ =	shalt  }
0x50: {  	_ =	shalt  }
0x51: {  	_ =	shalt  }
0x52: {  	_ =	shalt  }
0x53: {  	_ =	shalt  }
0x54: {  	_ =	shalt  }
0x55: {  	_ =	shalt  }
0x56: {  	_ =	shalt  }
0x57: {  	_ =	shalt  }
0x58: {  	_ =	shalt  }
0x59: {  	_ =	shalt  }
0x5a: {  	_ =	shalt  }
0x5b: {  	_ =	shalt  }
0x5c: {  	_ =	shalt  }
0x5d: {  	_ =	shalt  }
0x5e: {  	_ =	shalt  }
0x5f: {  	_ =	shalt  }
0x60: {  	_ =	shalt  }
0x61: {  	_ =	shalt  }
0x62: {  	_ =	shalt  }
0x63: {  	_ =	shalt  }
0x64: {  	_ =	shalt  }
0x65: {  	_ =	shalt  }
0x66: {  	_ =	shalt  }
0x67: {  	_ =	shalt  }
0x68: {  	_ =	shalt  }
0x69: {  	_ =	shalt  }
0x6a: {  	_ =	shalt  }
0x6b: {  	_ =	shalt  }
0x6c: {  	_ =	shalt  }
0x6d: {  	_ =	shalt  }
0x6e: {  	_ =	shalt  }
0x6f: {  	_ =	shalt  }
0x70: {  	_ =	shalt  }
0x71: {  	_ =	shalt  }
0x72: {  	_ =	shalt  }
0x73: {  	_ =	shalt  }
0x74: {  	_ =	shalt  }
0x75: {  	_ =	shalt  }
0x76: {  	_ =	shalt  }
0x77: {  	_ =	shalt  }
0x78: {  	_ =	shalt  }
0x79: {  	_ =	shalt  }
0x7a: {  	_ =	shalt  }
0x7b: {  	_ =	shalt  }
0x7c: {  	_ =	shalt  }
0x7d: {  	_ =	shalt  }
0x7e: {  	_ =	shalt  }
0x7f: {  	_ =	shalt  }
0x80: {  	_ =	shalt  }
0x81: {  	_ =	shalt  }
0x82: {  	_ =	shalt  }
0x83: {  	_ =	shalt  }
0x84: {  	_ =	shalt  }
0x85: {  	_ =	shalt  }
0x86: {  	_ =	shalt  }
0x87: {  	_ =	shalt  }
.Lfunc_end0:
.L_simem_size_0:
called_computation_lowered:
.L_overlay_start_0:
0x88: {  	s2 =	sld [smem:$0x3FD9]  }
0x89: {  	s3 =	sld [smem:$0x3FFE];
	_ =	sdelay $0x1  }
0x8a: {  	s1 =	srdreg.scid  }
0x8b: {  	s0 =	sand.u32 $0x1, s1  }
0x8c: {  	s17 =	sshll.u32 s0, $0xA;
	s2 =	sadd.s32 s3, s2  }
0x8d: {  	s2 =	sadd.s32 s2, s17  }
0x8e: {  	[smem:$0x3FC0] =	sst s2  }
0x8f: {  	_ = 	snop  }
0x90: {  	s2 =	sld [smem:$0x3FD0];
	(tm) =	ssettm $0x1  }
0x91: {  	s18 =	sld [smem:$0x3FFB];
	_ =	sdelay $0x3  }
0x92: {  	_ =	strace s18  }
0x93: {  	s3 =	sld [smem:$0x3FFC];
	_ =	sdelay $0x3  }
0x94: {  	_ =	strace s3  }
0x95: {  	s3 =	sld [smem:$0x3FFD];
	_ =	sdelay $0x3  }
0x96: {  	_ =	strace s3  }
0x97: {  	_ =	strace $0x8FFFFFFF  }
0x98: {  	s19 =	sld [smem:$0x3FDB];
	_ =	sdelay $0x1  }
0x99: {  	s4 =	simm.s32 $_scs_section_size  }
0x9a: {  	s5 =	simm.s32 $_size__tile_overlayer_lowered;
	s6 =	simm.s32 $_tile_overlayer_lowered  }
0x9b: {  	s22 =	simm.s32 $0x1BFF;
	s21 =	sshll.u32 s6, $0x1;
	s3 =	sadd.s32 s4, s19  }
0x9c: {  	s7 =	simm.s32 $0x0;
	s20 =	sshll.u32 s5, $0x1;
	s5 =	sadd.s32 s21, s3  }
0x9d: {  	[timem:s7], [sflag:s22] =	dma.local [hbm:s5], s20  }
0x9e: {  	_ =	swait.ge [sflag:s22], s20  }
0x9f: {  	s4 =	ssub.s32 $0x0, s20;
	[sflag:s22] =	ssyncset.done $0x0  }
0xa0: {  	[sflag:s22] =	ssyncadd.s32 s4;
	_ =	sdelay $0x1  }
0xa1: {  	s23 =	simm.s32 $0x1B8B  }
0xa2: {  	_ =	swait.ge [sflag:s23], $0x1  }
0xa3: {  	[sflag:s23] =	ssyncset.done $0x0  }
0xa4: {  	s25 =	simm.s32 $0x1B8E;
	s24 =	sld [smem:$0x3FFE];
	[sflag:s23] =	ssyncadd.s32 $0xFFFFFFFF  }
0xa5: {  	s26 =	simm.s32 $execute0_lowered;
	[smem:$0x3FD2] =	sst s25  }
0xa6: {  	s5 =	sshll.u32 s26, $0x1;
	_ =	strace $0x80000046;
	[dreg:$0x1] =	wrdreg $0xFFFFFFFF  }
0xa7: {  	s28 =	simm.s32 $_size_execute0_lowered;
	s3 =	sadd.s32 s3, s5;
	[dreg:$0x0] =	wrdreg $0x0  }
0xa8: {  	s5 =	sshll.u32 s28, $0x1;
	[dreg:$0x2] =	wrdreg s3  }
0xa9: {  	[dreg:$0x3] =	wrdreg s5  }
0xaa: {  	[dreg:$0x4] =	wrdreg $0xC0  }
0xab: {  	_ =	task [dreg:s7], $0x5FFFF  }
0xac: {  	[dreg:$0x1] =	wrdreg $0xFFFFFFFF  }
0xad: {  	[dreg:$0x0] =	wrdreg $0x60  }
0xae: {  	[dreg:$0x2] =	wrdreg s24  }
0xaf: {  	[dreg:$0x3] =	wrdreg s2  }
0xb0: {  	[dreg:$0x4] =	wrdreg $0x128000  }
0xb1: {  	[dreg:$0x5] =	wrdreg $0x1C6000  }
0xb2: {  	[dreg:$0x6] =	wrdreg $0x9  }
0xb3: {  	_ =	task.clear_ibuf [dreg:s7], $0x7FFFF;
	_ =	strace $0x90000046  }
0xb4: {  	s29 =	simm.s32 $0x9;
	_ =	strace $0x80000048  }
0xb5: {  	_ =	swait.ge [sflag:s29], $0x1  }
0xb6: {  	[sflag:s29] =	ssyncadd.s32 $0xFFFFFFFF  }
0xb7: {  	_ =	strace $0x90000048  }
0xb8: {  	_ =	sfence  }
0xb9: {  	s30 =	sld [smem:$0x0];
	_ =	sdelay $0x2  }
0xba: {  	s31 =	sshll.u32 s1, $0xD;
	s1 =	sshrl.u32 s1, $0x2  }
0xbb: {  	s3 =	sand.u32 $0x4000, s31;
	s1 =	sadd.s32 s1, s30  }
0xbc: {  	s0 =	sor.u32 s3, s0;
	s1 =	sshll.u32 s1, $0x11  }
0xbd: {  	s0 =	sor.u32 s1, s0  }
0xbe: {  	s0 =	sadd.s32 $0x8F2B, s0  }
0xbf: {  	[sflag:s0] =	ssyncadd.remote.s32 $0x1  }
0xc0: {  	_ =	sfence.sel $0xFFFF  }
0xc1: {  	[dreg:$0x0] =	wrdreg $0xFFFFFFFF;
	(pc) =	sbr.abs _section_cstart, $3  }
0xc2: {  	[dreg:$0x1] =	wrdreg $0xFFFFFFFF  }
0xc3: {  	_ =	task.clear_ibuf [dreg:s7], $0x2FFFF;
	_ =	strace $0x9FFFFFFF  }
0xc4: {  	(tm) =	ssettm $0x7FFFFFFF  }
0xc5: {  	_ =	shalt  }
tec
execute0_lowered:
.L_overlay_start_1:
0x0: {  	(tag) =	ssettag $0x1  }
0x1: {  	s0 =	rddreg [dreg:$0x0]  }
0x2: {  	s2 =	rddreg [dreg:$0x1]  }
0x3: {  	s1 =	rddreg [dreg:$0x2]  }
0x4: {  	s3 =	rddreg [dreg:$0x3];
	s4 =	simm.s32 $0x0  }
0x5: {  	s15 =	stileid.u32;
	s6 =	srdreg.scid;
	s18 =	simm.s32 $0x5  }
0x6: {  	s29 =	simm.s32 $0xE000;
	s31 =	simm.s32 $0x10000;
	s7 =	smul.u32 $0x2780, s15  }
0x7: {  	s28 =	simm.s32 $0x4;
	s30 =	simm.s32 $0x0;
	s8 =	smul.u32 $0xA00, s15  }
0x8: {  	[smem:$0x7FF] =	sst s4;
	s9 =	sand.u32 $0x1, s6;
	s15 =	smul.u32 $0x9E00, s15  }
0x9: {  	s5 =	sadd.s32 $0x15400, s0;
	s6 =	sadd.s32 $0x1A00, s0;
	s11 =	smul.u32 $0x13C00, s9  }
0xa: {  	s14 =	sadd.s32 $0x3CE00, s0;
	_ =	strace $0x80000047;
	s13 =	smul.u32 $0x4F00, s9  }
0xb: {  	[dreg:$0x5] =	wrdreg s14;
	s19 =	ssub.s32 $0x2, s9;
	p0 =	seq.s32 s9, $0x0  }
0xc: {  	s14 =	simm.s32 $0x5;
	s17 =	smov.u32 s6;
	p1 =	sne.s32 s9, $0x0  }
0xd: {  	s10 =	sshrl.u32 s7, $0x3;
	s8 =	sadd.s32 s8, s0;
	s20 =	sshrl.u32 s19, $0x1  }
0xe: {  	s22 =	sadd.s32 s15, s1;
	s23 =	sadd.s32 s7, s3;
	s14 =	simm.s32 @!p0 $0x6  }
0xf: {  	s17 =	smov.u32 @p0 s5;
	s12 =	sadd.s32 s10, s0;
	s11 =	sadd.s32 s11, s0  }
0x10: {  	s0 =	sadd.s32 s13, s0;
	s16 =	ssub.s32 s19, s20;
	[dreg:$0x8] =	wrdreg s22  }
0x11: {  	s21 =	sadd.s32 $0x28E00, s8;
	s20 =	sshrl.u32 s15, $0x3;
	[dreg:$0xa] =	wrdreg s23  }
0x12: {  	s8 =	sadd.s32 $0x32E00, s8;
	s19 =	simm.s32 $0x9;
	[dreg:$0x6] =	wrdreg s21  }
0x13: {  	s23 =	simm.s32 $0x80;
	[dreg:$0x7] =	wrdreg s8;
	s2 =	sadd.s32 s2, s20  }
0x14: {  	s24 =	sadd.s32 $0x3D000, s12;
	s25 =	sadd.s32 $0x42000, s11;
	s0 =	sadd.s32 $0x69800, s0  }
.Ltmp0:
0x15: {  	s26 =	smax.u32 s16, $0x1;
	[dreg:$0x9] =	wrdreg s2;
	(pc) =	sbr.rel .LBB2_1-.Ltmp0, $4  }
0x16: {  	s16 =	simm.s32 $0x7;
	s21 =	simm.s32 $0x12000;
	[dreg:$0xb] =	wrdreg s24  }
0x17: {  	[dreg:$0xc] =	wrdreg s26;
	s16 =	simm.s32 @!p0 $0x8;
	s22 =	sadd.s32 s20, s25  }
0x18: {  	s24 =	sadd.s32 s10, s0;
	s25 =	simm.s32 $0xA000;
	s26 =	simm.s32 $0xC000  }
0x19: {  	s0 =	simm.s32 $0x1;
	s2 =	simm.s32 $0x2;
	s20 =	simm.s32 $0x3  }
.LBB2_19:
0x1a: {  	_ =	swait.ge [sflag:s14], $0x800  }
0x1b: {  	[sflag:s14] =	ssyncset.done $0x0  }
0x1c: {  	[sflag:s14] =	ssyncadd.s32 $0xFFFFF800  }
0x1d: {  	_ =	swait.ge [sflag:s16], $0x800  }
0x1e: {  	[sflag:s16] =	ssyncset.done $0x0  }
0x1f: {  	[sflag:s16] =	ssyncadd.s32 $0xFFFFF800  }
0x20: {  	[bflag:$0x0] =	sbarrier.arrive $0xFFFF  }
0x21: {  	[hbm:s22], [sflag:s7] =	dma.local [spmem:s8], $0x13C0  }
0x22: {  	_ =	swait.ge [sflag:s19], $0x13C0  }
0x23: {  	[sflag:s19] =	ssyncset.done $0x0  }
0x24: {  	[sflag:s19] =	ssyncadd.s32 $0xFFFFEC40  }
0x25: {  	[hbm:s24], [sflag:s7] =	dma.local [spmem:s9], $0x4F0  }
0x26: {  	_ =	swait.ge [sflag:s19], $0x4F0  }
0x27: {  	s30 =	sadd.s32 $0x1, s30;
	s15 =	rddreg [dreg:$0xc]  }
0x28: {  	p2 =	sne.s32 s30, s15  }
.Ltmp1:
0x29: {  	_ = 	snop;
	(pc) =	sbr.rel @!p2 .LBB2_20-.Ltmp1, $3  }
0x2a: {  	_ =	sdelay $0x1  }
0x2b: {  	[sflag:s19] =	ssyncset.done $0x0  }
0x2c: {  	[sflag:s19] =	ssyncadd.s32 $0xFFFFFB10  }
.LBB2_1:
0x2d: {  	s7 =	rddreg [dreg:$0x6]  }
0x2e: {  	[tilespmem:s4], [sflag:$0x9] =	stream.linear.gather [hbm4b:s7+s4], $0x5000, $0x38;
	[tilespmem:$0x1ED80] =	vst v63  }
0x2f: {  	_ =	swait.ge [sflag:s19], $0x5000  }
0x30: {  	[sflag:s19] =	ssyncset.done $0x0  }
0x31: {  	s8 =	simm.s32 $0x5000;
	s15 =	rddreg [dreg:$0x7];
	[sflag:s19] =	ssyncadd.s32 $0xFFFFB000  }
0x32: {  	[tilespmem:s8], [sflag:$0x9] =	stream.linear.gather [hbm4b:s15+s4], $0x5000, $0x38;
	[tilespmem:$0x1ED80] =	vst v63  }
0x33: {  	_ =	swait.ge [sflag:s19], $0x5000  }
0x34: {  	[sflag:s19] =	ssyncset.done $0x0  }
0x35: {  	s10 =	stileid.u32;
	s9 =	rddreg [dreg:$0x5];
	[sflag:s19] =	ssyncadd.s32 $0xFFFFB000  }
0x36: {  	[tilespmem:s21], [sflag:$0x9] =	stream.linear.gather [hbm4b:s9+s4], $0x800, $0x38;
	[tilespmem:$0x1ED80] =	vst v63  }
0x37: {  	s7 =	sshll.u32 s10, $0x6;
	_ =	swait.ge [sflag:s19], $0x800  }
0x38: {  	s7 =	sor.u32 $0x1C09, s7;
	[sflag:s19] =	ssyncset.done $0x0;
	s11 =	rddreg [dreg:$0x8]  }
0x39: {  	s9 =	rddreg [dreg:$0x9];
	[sflag:s19] =	ssyncadd.s32 $0xFFFFF800;
	s8 =	sshrl.u32 s11, $0x3  }
0x3a: {  	[spmem:s8], [sflag:s7] =	dma.local [hbm:s9], $0x13C0  }
0x3b: {  	_ =	swait.ge [sflag:s19], $0x13C0  }
0x3c: {  	[sflag:s19] =	ssyncset.done $0x0;
	s12 =	rddreg [dreg:$0xa]  }
0x3d: {  	s10 =	rddreg [dreg:$0xb];
	[sflag:s19] =	ssyncadd.s32 $0xFFFFEC40;
	s9 =	sshrl.u32 s12, $0x3  }
0x3e: {  	[spmem:s9], [sflag:s7] =	dma.local [hbm:s10], $0x4F0  }
0x3f: {  	_ =	swait.ge [sflag:s19], $0x4F0  }
0x40: {  	[sflag:s19] =	ssyncset.done $0x0  }
0x41: {  	[sflag:s19] =	ssyncadd.s32 $0xFFFFFB10  }
0x42: {  	[bflag:$0x0] =	sbarrier.arrive $0xFFFF  }
0x43: {  	[tilespmem:s25], [sflag:$0x1] =	stream.indirect.gather [hbm4b:s17+s23], $0x40, s4, s23, $0xb8;
	[tilespmem:$0x1ED80] =	vst v63  }
0x44: {  	_ = 	snop  }
0x45: {  	[tilespmem:s26], [sflag:$0x2] =	stream.indirect.gather [hbm4b:s17+s23], $0x40, s23, s23, $0xb8;
	[tilespmem:$0x1ED80] =	vst v63  }
.Ltmp2:
0x46: {  	_ = 	snop;
	(pc) =	sbr.rel .LBB2_2-.Ltmp2, $4  }
0x47: {  	s13 =	simm.s32 $0x100  }
0x48: {  	[tilespmem:s29], [sflag:$0x3] =	stream.indirect.gather [hbm4b:s17+s23], $0x40, s13, s23, $0xb8;
	[tilespmem:$0x1ED80] =	vst v63  }
0x49: {  	s15 =	simm.s32 $0x180;
	s10 =	simm.s32 $0x0  }
0x4a: {  	[tilespmem:s31], [sflag:$0x4] =	stream.indirect.gather [hbm4b:s17+s23], $0x40, s15, s23, $0xb8;
	[tilespmem:$0x1ED80] =	vst v63  }
.LBB2_17:
0x4b: {  	s11 =	sadd.s32 $0x380, s11  }
0x4c: {  	[tilespmem:s31], [sflag:$0x4] =	stream.indirect.gather [hbm4b:s12+s23], $0x40, s11, s23, $0xb8;
	[tilespmem:$0x1ED80] =	vst v63  }
.LBB2_18:
0x4d: {  	s10 =	sadd.s32 $0x800, s10  }
0x4e: {  	p2 =	sne.s32 s10, $0x14000  }
.Ltmp3:
0x4f: {  	_ = 	snop;
	(pc) =	sbr.rel @!p2 .LBB2_19-.Ltmp3, $1  }
0x50: {  	_ =	sdelay $0x3  }
.LBB2_2:
0x51: {  	_ =	swait.ge [sflag:s0], $0x2000  }
0x52: {  	s11 =	sshra.s32 s10, $0x2;
	[sflag:s0] =	ssyncset.done $0x0  }
.Ltmp4:
0x53: {  	s12 =	sadd.s32 $0x5000, s11;
	[sflag:s0] =	ssyncadd.s32 $0xFFFFE000;
	(pc) =	sbr.rel @p1 .LBB2_21-.Ltmp4, $4  }
0x54: {  	[spmem:s1] =	stream.indirect.scatter.add.f32 [tilespmem:s25], [sflag:$0x9], $0x40, s12, s23, $0xb8;
	[tilespmem:$0x1ED80] =	vst v63  }
0x55: {  	_ =	swait.ge [sflag:s19], $0x2000  }
0x56: {  	[sflag:s19] =	ssyncset.done $0x0  }
0x57: {  	[sflag:s19] =	ssyncadd.s32 $0xFFFFE000  }
0x58: {  	p2 =	sne.s32 s10, $0x0  }
.Ltmp5:
0x59: {  	_ = 	snop;
	(pc) =	sbr.rel @!p2 .LBB2_4-.Ltmp5, $1  }
0x5a: {  	_ =	sdelay $0x3  }
0x5b: {  	p3 =	seq.s32 s10, $0x13800  }
.Ltmp6:
0x5c: {  	_ = 	snop;
	(pc) =	sbr.rel @p3 .LBB2_8-.Ltmp6, $4  }
0x5d: {  	_ =	swait.ge [sflag:s18], $0x800  }
0x5e: {  	[sflag:s18] =	ssyncset.done $0x0  }
0x5f: {  	p2 =	por $0x1, $0x1;
	[sflag:s18] =	ssyncadd.s32 $0xFFFFF800  }
0x60: {  	[spmem:s3] =	stream.indirect.scatter.add.f32 [tilespmem:s21], [sflag:$0x5], $0x10, s12, s23, $0xb8;
	[tilespmem:$0x1ED80] =	vst v63  }
.Ltmp7:
0x61: {  	(pc) =	sbr.rel .LBB2_7-.Ltmp7, $2  }
0x62: {  	_ =	sdelay $0x2  }
0x63: {  	s12 =	sadd.s32 $0x800, s10  }
.LBB2_21:
.Ltmp8:
0x64: {  	(pc) =	sbr.rel .LBB2_8-.Ltmp8, $4  }
0x65: {  	p3 =	seq.s32 s10, $0x13800;
	p2 =	por $0x1, $0x1  }
0x66: {  	s12 =	sshra.s32 @!p3 s10, $0x2;
	s13 =	simm.s32 @!p3 $0x80;
	p4 =	por @!p3 $0x0, $0x0  }
0x67: {  	s15 =	simm.s32 @!p3 $0xA000;
	s12 =	sadd.s32 @!p3 $0x200, s12;
	p2 =	por @!p3 p4, p4  }
0x68: {  	[tilespmem:s15], [sflag:$0x1] =	stream.indirect.gather @!p3 [hbm4b:s6+s13], $0x40, s12, s13, $0xb8;
	[tilespmem:$0x1ED80] =	vst v63  }
.LBB2_4:
0x69: {  	[spmem:s3] =	stream.indirect.scatter.add.f32 [tilespmem:s21], [sflag:$0x5], $0x10, s12, s23, $0xb8;
	[tilespmem:$0x1ED80] =	vst v63  }
0x6a: {  	s12 =	simm.s32 $0x800  }
.LBB2_7:
0x6b: {  	s12 =	sshra.s32 s12, $0x2;
	p2 =	por $0x0, $0x0  }
0x6c: {  	[tilespmem:s25], [sflag:$0x1] =	stream.indirect.gather [hbm4b:s5+s23], $0x40, s12, s23, $0xb8;
	[tilespmem:$0x1ED80] =	vst v63  }
.LBB2_8:
0x6d: {  	_ =	swait.ge [sflag:s2], $0x2000  }
0x6e: {  	[sflag:s2] =	ssyncset.done $0x0  }
.Ltmp9:
0x6f: {  	s12 =	sadd.s32 $0x5080, s11;
	[sflag:s2] =	ssyncadd.s32 $0xFFFFE000;
	(pc) =	sbr.rel @!p0 .LBB2_9-.Ltmp9, $4  }
0x70: {  	[spmem:s1] =	stream.indirect.scatter.add.f32 [tilespmem:s26], [sflag:$0x9], $0x40, s12, s23, $0xb8;
	[tilespmem:$0x1ED80] =	vst v63  }
0x71: {  	_ =	swait.ge [sflag:s19], $0x2000  }
0x72: {  	[sflag:s19] =	ssyncset.done $0x0  }
0x73: {  	[sflag:s19] =	ssyncadd.s32 $0xFFFFE000  }
.Ltmp10:
0x74: {  	(pc) =	sbr.rel @p2 .LBB2_11-.Ltmp10, $2  }
0x75: {  	_ =	sdelay $0x2  }
0x76: {  	s12 =	smov.u32 s5  }
.LBB2_10:
0x77: {  	s13 =	sadd.s32 $0x280, s11  }
0x78: {  	[tilespmem:s26], [sflag:$0x2] =	stream.indirect.gather [hbm4b:s12+s23], $0x40, s13, s23, $0xb8;
	[tilespmem:$0x1ED80] =	vst v63  }
.LBB2_11:
0x79: {  	_ =	swait.ge [sflag:s20], $0x2000  }
0x7a: {  	[sflag:s20] =	ssyncset.done $0x0  }
.Ltmp11:
0x7b: {  	s12 =	sadd.s32 $0x5100, s11;
	[sflag:s20] =	ssyncadd.s32 $0xFFFFE000;
	(pc) =	sbr.rel @p1 .LBB2_13-.Ltmp11, $4  }
0x7c: {  	[spmem:s1] =	stream.indirect.scatter.add.f32 [tilespmem:s29], [sflag:$0x9], $0x40, s12, s23, $0xb8;
	[tilespmem:$0x1ED80] =	vst v63  }
0x7d: {  	_ =	swait.ge [sflag:s19], $0x2000  }
0x7e: {  	[sflag:s19] =	ssyncset.done $0x0  }
0x7f: {  	[sflag:s19] =	ssyncadd.s32 $0xFFFFE000  }
0x80: {  	p3 =	seq.s32 s10, $0x0  }
0x81: {  	s13 =	simm.s32 @!p3 $0x7  }
.Ltmp12:
0x82: {  	_ =	swait.ge @!p3 [sflag:s13], $0x800;
	(pc) =	sbr.rel @p2 .LBB2_15-.Ltmp12, $4  }
.Ltmp13:
0x83: {  	[sflag:s13] =	ssyncset.done @!p3 $0x0;
	(pc) =	sbr.rel @!p2 .LBB2_14-.Ltmp13, $4  }
0x84: {  	[sflag:s13] =	ssyncadd.s32 @!p3 $0xFFFFF800  }
0x85: {  	[spmem:s3] =	stream.indirect.scatter.add.f32 [tilespmem:s21], [sflag:$0x7], $0x10, s12, s23, $0xb8;
	[tilespmem:$0x1ED80] =	vst v63  }
0x86: {  	s12 =	smov.u32 s5  }
0x87: {  	_ = 	snop  }
.LBB2_9:
0x88: {  	p3 =	seq.s32 s10, $0x0  }
0x89: {  	s13 =	simm.s32 @!p3 $0x6  }
.Ltmp14:
0x8a: {  	_ =	swait.ge @!p3 [sflag:s13], $0x800;
	(pc) =	sbr.rel @p2 .LBB2_11-.Ltmp14, $4  }
.Ltmp15:
0x8b: {  	[sflag:s13] =	ssyncset.done @!p3 $0x0;
	(pc) =	sbr.rel @!p2 .LBB2_10-.Ltmp15, $4  }
0x8c: {  	[sflag:s13] =	ssyncadd.s32 @!p3 $0xFFFFF800  }
0x8d: {  	[spmem:s3] =	stream.indirect.scatter.add.f32 [tilespmem:s21], [sflag:$0x6], $0x10, s12, s23, $0xb8;
	[tilespmem:$0x1ED80] =	vst v63  }
0x8e: {  	s12 =	smov.u32 s6  }
0x8f: {  	_ = 	snop  }
.LBB2_13:
.Ltmp16:
0x90: {  	(pc) =	sbr.rel @p2 .LBB2_15-.Ltmp16, $2  }
0x91: {  	_ =	sdelay $0x2  }
0x92: {  	s12 =	smov.u32 s6  }
.LBB2_14:
0x93: {  	s13 =	sadd.s32 $0x300, s11  }
0x94: {  	[tilespmem:s29], [sflag:$0x3] =	stream.indirect.gather [hbm4b:s12+s23], $0x40, s13, s23, $0xb8;
	[tilespmem:$0x1ED80] =	vst v63  }
.LBB2_15:
0x95: {  	_ =	swait.ge [sflag:s28], $0x2000  }
0x96: {  	[sflag:s28] =	ssyncset.done $0x0  }
.Ltmp17:
0x97: {  	s12 =	sadd.s32 $0x5180, s11;
	[sflag:s28] =	ssyncadd.s32 $0xFFFFE000;
	(pc) =	sbr.rel @!p0 .LBB2_16-.Ltmp17, $4  }
0x98: {  	[spmem:s1] =	stream.indirect.scatter.add.f32 [tilespmem:s31], [sflag:$0x9], $0x40, s12, s23, $0xb8;
	[tilespmem:$0x1ED80] =	vst v63  }
0x99: {  	_ =	swait.ge [sflag:s19], $0x2000  }
0x9a: {  	[sflag:s19] =	ssyncset.done $0x0  }
0x9b: {  	[sflag:s19] =	ssyncadd.s32 $0xFFFFE000  }
.Ltmp18:
0x9c: {  	(pc) =	sbr.rel @p2 .LBB2_18-.Ltmp18, $4  }
.Ltmp19:
0x9d: {  	(pc) =	sbr.rel @!p2 .LBB2_17-.Ltmp19, $4  }
0x9e: {  	_ = 	snop  }
0x9f: {  	_ = 	snop  }
0xa0: {  	s12 =	smov.u32 s5  }
0xa1: {  	_ = 	snop  }
.LBB2_16:
0xa2: {  	p3 =	seq.s32 s10, $0x0  }
0xa3: {  	s13 =	simm.s32 @!p3 $0x8  }
.Ltmp20:
0xa4: {  	_ =	swait.ge @!p3 [sflag:s13], $0x800;
	(pc) =	sbr.rel @p2 .LBB2_18-.Ltmp20, $4  }
.Ltmp21:
0xa5: {  	[sflag:s13] =	ssyncset.done @!p3 $0x0;
	(pc) =	sbr.rel @!p2 .LBB2_17-.Ltmp21, $4  }
0xa6: {  	[sflag:s13] =	ssyncadd.s32 @!p3 $0xFFFFF800  }
0xa7: {  	[spmem:s3] =	stream.indirect.scatter.add.f32 [tilespmem:s21], [sflag:$0x8], $0x10, s12, s23, $0xb8;
	[tilespmem:$0x1ED80] =	vst v63  }
0xa8: {  	s12 =	smov.u32 s6  }
0xa9: {  	_ = 	snop  }
.LBB2_20:
0xaa: {  	_ =	sfence.sel $0x180000  }
0xab: {  	[bflag:$0x0] =	sbarrier.arrive $0xFFFF  }
0xac: {  	_ =	strace $0x90000047  }
0xad: {  	s0 =	stileid.u32;
	[bflag:$0x2] =	sbarrier.arrive $0xFFFF  }
0xae: {  	p0 =	sne.s32 s0, $0x0;
	s0 =	rddreg [dreg:$0x4]  }
0xaf: {  	s0 =	sadd.s32 @!p0 $0x100000, s0  }
0xb0: {  	[sflag:s0] =	ssyncadd.tile.s32 @!p0 $0x1;
	_ =	shalt  }
.Lfunc_end2:
_tile_overlayer_lowered:
.L_overlay_start_2:
0xb1: {  	(tag) =	ssettag $0x2  }
0xb2: {  	s0 =	rddreg [dreg:$0x0];
	s2 =	stileid.u32  }
0xb3: {  	s1 =	rddreg [dreg:$0x1];
	p0 =	sne.s32 s2, $0x0  }
0xb4: {  	s3 =	rddreg [dreg:$0x2];
	[bflag:$0x3] =	sbarrier.arrive $0xFFFF;
	s2 =	simm.s32 @!p0 $0x1C09  }
0xb5: {  	[timem:s3], [sflag:s2] =	dma.local @!p0 [hbm:s0], s1  }
0xb6: {  	s0 =	simm.s32 @!p0 $0x9  }
0xb7: {  	_ =	swait.ge @!p0 [sflag:s0], s1  }
0xb8: {  	s1 =	ssub.s32 @!p0 $0x0, s1;
	[sflag:s0] =	ssyncset.done @!p0 $0x0  }
0xb9: {  	[sflag:s0] =	ssyncadd.s32 @!p0 s1  }
0xba: {  	[bflag:$0x3] =	sbarrier.arrive $0xFFFF  }
0xbb: {  	_ =	shalt  }

// kernel: kernel.9.cloned.1.call-start
scs
__scs_entry_jumppad:
0x0: {  	(pc) =	sbr.rel $0x88, $3  }
0x1: {  	(tag) =	ssettag $0x0;
	lr =	simm.s32 $0x1  }
0x2: {  	[smem:$0x3F99] =	sst lr;
	_ =	strace $0xD0000000  }
0x3: {  	_ = 	snop  }
0x4: {  	_ = 	snop  }
0x5: {  	_ = 	snop  }
0x6: {  	_ = 	snop  }
0x7: {  	_ = 	snop  }
__scs_overlays_trampoline_lowered:
0x8: {  	[smem:$0x3FA8] =	sst s0  }
0x9: {  	[smem:$0x3FA9] =	sst s1  }
0xa: {  	[smem:$0x3FAA] =	sst s2  }
0xb: {  	[smem:$0x3FAB] =	sst s3  }
0xc: {  	[smem:$0x3FAC] =	sst s4  }
0xd: {  	[smem:$0x3FAD] =	sst s5  }
0xe: {  	[smem:$0x3FAE] =	sst s6  }
0xf: {  	[smem:$0x3FAF] =	sst s7  }
0x10: {  	[smem:$0x3FB0] =	sst s8  }
0x11: {  	[smem:$0x3FB1] =	sst s9;
	s0 =	simm.s32 @!p0 $0x0  }
0x12: {  	s1 =	sld [smem:$0x3F97];
	s0 =	simm.s32 @p0 $0x1  }
0x13: {  	[smem:$0x3FB2] =	sst s0;
	s0 =	simm.s32 @!p1 $0x0  }
0x14: {  	s2 =	sld [smem:$0x3F96];
	s0 =	simm.s32 @p1 $0x1  }
0x15: {  	[smem:$0x3FB3] =	sst s0;
	s0 =	simm.s32 @!p2 $0x0  }
0x16: {  	s3 =	sld [smem:$0x3FDB];
	s0 =	simm.s32 @p2 $0x1  }
0x17: {  	s4 =	simm.s32 $0x1BF5;
	[smem:$0x3FB5] =	sst s0  }
0x18: {  	s0 =	sld [smem:$0x3F98];
	_ =	swait.ge [sflag:s4], $0x0  }
0x19: {  	s7 =	sld [smem:$0x3F99]  }
0x1a: {  	s8 =	sadd.s32 $0xFFFFE003, lr  }
0x1b: {  	s9 =	sadd.s32 $0xFFFFFEF7, lr;
	s5 =	simm.s32 $0xFFFFFFFF;
	p2 =	slt.u32 s8, $0xFFFFF086  }
0x1c: {  	p1 =	slt.u32 s9, $0xF7A;
	s5 =	simm.s32 @!p2 $0x0  }
0x1d: {  	s5 =	simm.s32 @p1 $0x1;
	p0 =	seq.s32 s7, s2  }
0x1e: {  	s7 =	smul.u32 @!p0 $0xF7A, s2;
	p2 =	seq.s32 @!p0 s5, $0x0  }
0x1f: {  	s9 =	smul.u32 $0xF7A, s1;
	s8 =	simm.s32 @!p0 $0x1BF5;
	p2 =	por !p2, p0  }
0x20: {  	[sflag:s8] =	ssyncset.s32 @!p0 $0xFFFFF086;
	s6 =	sadd.s32 @!p0 s3, s7;
	s7 =	simm.s32 @!p0 $0x108  }
0x21: {  	s3 =	sadd.s32 s3, s9;
	s6 =	sadd.s32 @!p0 $0x88, s6;
	s7 =	simm.s32 @p2 $0x1082  }
0x22: {  	[simem:s7], [sflag:s8] =	dma.local @!p0 [hbm:s6], $0xF7A  }
0x23: {  	s9 =	sor.u32 $0xD0000000, s2;
	s6 =	simm.s32 $0x108;
	_ =	swait.ge @!p0 [sflag:s8], $0x0  }
0x24: {  	s3 =	sadd.s32 $0x88, s3;
	s6 =	simm.s32 @!p1 $0x1082;
	[sflag:s4] =	ssyncset.s32 $0xFFFFF086  }
0x25: {  	[simem:s6], [sflag:s4] =	dma.local [hbm:s3], $0xF7A  }
0x26: {  	[smem:$0x3F99] =	sst s1;
	(tag) =	ssettag s2;
	_ =	strace s9  }
0x27: {  	s1 =	sld [smem:$0x3FA9]  }
0x28: {  	s2 =	sld [smem:$0x3FAA]  }
0x29: {  	s4 =	sld [smem:$0x3FAC]  }
0x2a: {  	p0 =	seq.s32 s5, $0x0;
	s5 =	sld [smem:$0x3FAD]  }
0x2b: {  	s6 =	sld [smem:$0x3FAE]  }
0x2c: {  	s7 =	sld [smem:$0x3FAF]  }
0x2d: {  	s3 =	simm.s32 $0x108;
	s8 =	sld [smem:$0x3FB0]  }
0x2e: {  	s3 =	simm.s32 @!p0 $0x1082;
	s9 =	sld [smem:$0x3FB1]  }
0x2f: {  	lr =	sadd.s32 s0, s3;
	s0 =	sld [smem:$0x3FA8]  }
0x30: {  	s3 =	sld [smem:$0x3FAB]  }
0x31: {  	[smem:$0x3FB4] =	sst s10  }
0x32: {  	s10 =	sld [smem:$0x3FB2];
	_ =	sdelay $0x3  }
0x33: {  	p0 =	seq.s32 s10, $0x1;
	s10 =	sld [smem:$0x3FB4];
	_ =	sdelay $0x3  }
0x34: {  	[smem:$0x3FB4] =	sst s10  }
0x35: {  	s10 =	sld [smem:$0x3FB3];
	_ =	sdelay $0x3  }
0x36: {  	p1 =	seq.s32 s10, $0x1;
	s10 =	sld [smem:$0x3FB4];
	_ =	sdelay $0x3  }
0x37: {  	[smem:$0x3FB4] =	sst s10  }
0x38: {  	s10 =	sld [smem:$0x3FB5]  }
0x39: {  	_ = 	snop;
	(pc) =	sbr.ind lr, $3  }
0x3a: {  	_ = 	snop  }
0x3b: {  	_ = 	snop  }
0x3c: {  	p2 =	seq.s32 s10, $0x1;
	s10 =	sld [smem:$0x3FB4]  }
0x3d: {  	_ =	shalt  }
0x3e: {  	_ =	shalt  }
0x3f: {  	_ =	shalt  }
0x40: {  	_ =	shalt  }
0x41: {  	_ =	shalt  }
0x42: {  	_ =	shalt  }
0x43: {  	_ =	shalt  }
0x44: {  	_ =	shalt  }
0x45: {  	_ =	shalt  }
0x46: {  	_ =	shalt  }
0x47: {  	_ =	shalt  }
0x48: {  	_ =	shalt  }
0x49: {  	_ =	shalt  }
0x4a: {  	_ =	shalt  }
0x4b: {  	_ =	shalt  }
0x4c: {  	_ =	shalt  }
0x4d: {  	_ =	shalt  }
0x4e: {  	_ =	shalt  }
0x4f: {  	_ =	shalt  }
0x50: {  	_ =	shalt  }
0x51: {  	_ =	shalt  }
0x52: {  	_ =	shalt  }
0x53: {  	_ =	shalt  }
0x54: {  	_ =	shalt  }
0x55: {  	_ =	shalt  }
0x56: {  	_ =	shalt  }
0x57: {  	_ =	shalt  }
0x58: {  	_ =	shalt  }
0x59: {  	_ =	shalt  }
0x5a: {  	_ =	shalt  }
0x5b: {  	_ =	shalt  }
0x5c: {  	_ =	shalt  }
0x5d: {  	_ =	shalt  }
0x5e: {  	_ =	shalt  }
0x5f: {  	_ =	shalt  }
0x60: {  	_ =	shalt  }
0x61: {  	_ =	shalt  }
0x62: {  	_ =	shalt  }
0x63: {  	_ =	shalt  }
0x64: {  	_ =	shalt  }
0x65: {  	_ =	shalt  }
0x66: {  	_ =	shalt  }
0x67: {  	_ =	shalt  }
0x68: {  	_ =	shalt  }
0x69: {  	_ =	shalt  }
0x6a: {  	_ =	shalt  }
0x6b: {  	_ =	shalt  }
0x6c: {  	_ =	shalt  }
0x6d: {  	_ =	shalt  }
0x6e: {  	_ =	shalt  }
0x6f: {  	_ =	shalt  }
0x70: {  	_ =	shalt  }
0x71: {  	_ =	shalt  }
0x72: {  	_ =	shalt  }
0x73: {  	_ =	shalt  }
0x74: {  	_ =	shalt  }
0x75: {  	_ =	shalt  }
0x76: {  	_ =	shalt  }
0x77: {  	_ =	shalt  }
0x78: {  	_ =	shalt  }
0x79: {  	_ =	shalt  }
0x7a: {  	_ =	shalt  }
0x7b: {  	_ =	shalt  }
0x7c: {  	_ =	shalt  }
0x7d: {  	_ =	shalt  }
0x7e: {  	_ =	shalt  }
0x7f: {  	_ =	shalt  }
0x80: {  	_ =	shalt  }
0x81: {  	_ =	shalt  }
0x82: {  	_ =	shalt  }
0x83: {  	_ =	shalt  }
0x84: {  	_ =	shalt  }
0x85: {  	_ =	shalt  }
0x86: {  	_ =	shalt  }
0x87: {  	_ =	shalt  }
.Lfunc_end0:
.L_simem_size_0:
called_computation.1_lowered:
.L_overlay_start_0:
0x88: {  	s2 =	sld [smem:$0x3FD9]  }
0x89: {  	s3 =	sld [smem:$0x3FFE];
	_ =	sdelay $0x1  }
0x8a: {  	s1 =	srdreg.scid  }
0x8b: {  	s0 =	sand.u32 $0x1, s1  }
0x8c: {  	s17 =	sshll.u32 s0, $0xA;
	s2 =	sadd.s32 s3, s2  }
0x8d: {  	s2 =	sadd.s32 s2, s17  }
0x8e: {  	[smem:$0x3FC0] =	sst s2  }
0x8f: {  	_ = 	snop  }
0x90: {  	s2 =	sld [smem:$0x3FD0];
	(tm) =	ssettm $0x1  }
0x91: {  	s18 =	sld [smem:$0x3FFB];
	_ =	sdelay $0x3  }
0x92: {  	_ =	strace s18  }
0x93: {  	s3 =	sld [smem:$0x3FFC];
	_ =	sdelay $0x3  }
0x94: {  	_ =	strace s3  }
0x95: {  	s3 =	sld [smem:$0x3FFD];
	_ =	sdelay $0x3  }
0x96: {  	_ =	strace s3  }
0x97: {  	_ =	strace $0x8FFFFFFF  }
0x98: {  	s19 =	sld [smem:$0x3FDB];
	_ =	sdelay $0x1  }
0x99: {  	s4 =	simm.s32 $_scs_section_size  }
0x9a: {  	s5 =	simm.s32 $_size__tile_overlayer_lowered;
	s6 =	simm.s32 $_tile_overlayer_lowered  }
0x9b: {  	s22 =	simm.s32 $0x1BFF;
	s21 =	sshll.u32 s6, $0x1;
	s3 =	sadd.s32 s4, s19  }
0x9c: {  	s7 =	simm.s32 $0x0;
	s20 =	sshll.u32 s5, $0x1;
	s5 =	sadd.s32 s21, s3  }
0x9d: {  	[timem:s7], [sflag:s22] =	dma.local [hbm:s5], s20  }
0x9e: {  	_ =	swait.ge [sflag:s22], s20  }
0x9f: {  	s4 =	ssub.s32 $0x0, s20;
	[sflag:s22] =	ssyncset.done $0x0  }
0xa0: {  	[sflag:s22] =	ssyncadd.s32 s4;
	_ =	sdelay $0x1  }
0xa1: {  	s23 =	simm.s32 $0x1B8B  }
0xa2: {  	_ =	swait.ge [sflag:s23], $0x1  }
0xa3: {  	[sflag:s23] =	ssyncset.done $0x0  }
0xa4: {  	s25 =	simm.s32 $0x1B8E;
	s24 =	sld [smem:$0x3FFE];
	[sflag:s23] =	ssyncadd.s32 $0xFFFFFFFF  }
0xa5: {  	s26 =	simm.s32 $execute0_lowered;
	[smem:$0x3FD2] =	sst s25  }
0xa6: {  	s5 =	sshll.u32 s26, $0x1;
	_ =	strace $0x80000049;
	[dreg:$0x1] =	wrdreg $0xFFFFFFFF  }
0xa7: {  	s28 =	simm.s32 $_size_execute0_lowered;
	s3 =	sadd.s32 s3, s5;
	[dreg:$0x0] =	wrdreg $0x0  }
0xa8: {  	s5 =	sshll.u32 s28, $0x1;
	[dreg:$0x2] =	wrdreg s3  }
0xa9: {  	[dreg:$0x3] =	wrdreg s5  }
0xaa: {  	[dreg:$0x4] =	wrdreg $0xC0  }
0xab: {  	_ =	task [dreg:s7], $0x5FFFF  }
0xac: {  	[dreg:$0x1] =	wrdreg $0xFFFFFFFF  }
0xad: {  	[dreg:$0x0] =	wrdreg $0x60  }
0xae: {  	[dreg:$0x2] =	wrdreg s24  }
0xaf: {  	[dreg:$0x3] =	wrdreg s2  }
0xb0: {  	[dreg:$0x4] =	wrdreg $0x120000  }
0xb1: {  	[dreg:$0x5] =	wrdreg $0x9  }
0xb2: {  	_ =	task.clear_ibuf [dreg:s7], $0x6FFFF;
	_ =	strace $0x90000049  }
0xb3: {  	s29 =	simm.s32 $0x9;
	_ =	strace $0x8000004B  }
0xb4: {  	_ =	swait.ge [sflag:s29], $0x1  }
0xb5: {  	[sflag:s29] =	ssyncadd.s32 $0xFFFFFFFF  }
0xb6: {  	_ =	strace $0x9000004B  }
0xb7: {  	_ =	sfence  }
0xb8: {  	s30 =	sld [smem:$0x0];
	_ =	sdelay $0x2  }
0xb9: {  	s31 =	sshll.u32 s1, $0xD;
	s1 =	sshrl.u32 s1, $0x2  }
0xba: {  	s3 =	sand.u32 $0x4000, s31;
	s1 =	sadd.s32 s1, s30  }
0xbb: {  	s0 =	sor.u32 s3, s0;
	s1 =	sshll.u32 s1, $0x11  }
0xbc: {  	s0 =	sor.u32 s1, s0  }
0xbd: {  	s0 =	sadd.s32 $0x8F2B, s0  }
0xbe: {  	[sflag:s0] =	ssyncadd.remote.s32 $0x1  }
0xbf: {  	_ =	sfence.sel $0xFFFF  }
0xc0: {  	[dreg:$0x0] =	wrdreg $0xFFFFFFFF;
	(pc) =	sbr.abs _section_cstart, $3  }
0xc1: {  	[dreg:$0x1] =	wrdreg $0xFFFFFFFF  }
0xc2: {  	_ =	task.clear_ibuf [dreg:s7], $0x2FFFF;
	_ =	strace $0x9FFFFFFF  }
0xc3: {  	(tm) =	ssettm $0x7FFFFFFF  }
tec
execute0_lowered:
.L_overlay_start_1:
0x0: {  	(tag) =	ssettag $0x1  }
0x1: {  	s7 =	rddreg [dreg:$0x0]  }
0x2: {  	s9 =	rddreg [dreg:$0x1]  }
0x3: {  	s2 =	rddreg [dreg:$0x2];
	s3 =	simm.s32 $0x0  }
0x4: {  	s0 =	stileid.u32;
	s4 =	srdreg.scid;
	s16 =	simm.s32 $0x80  }
0x5: {  	s17 =	simm.s32 $0xA000;
	s18 =	simm.s32 $0xC000;
	s19 =	simm.s32 $0x100  }
0x6: {  	s20 =	simm.s32 $0xE000;
	s21 =	simm.s32 $0x180;
	s22 =	simm.s32 $0x10000  }
0x7: {  	s23 =	simm.s32 $0x1;
	s26 =	simm.s32 $0x4;
	s28 =	simm.s32 $0x0  }
0x8: {  	[smem:$0x7FF] =	sst s3;
	s8 =	smul.u32 $0xA00, s0;
	s4 =	sand.u32 $0x1, s4  }
0x9: {  	s5 =	sadd.s32 $0x1A00, s7;
	s6 =	sadd.s32 $0x15400, s7;
	s12 =	smul.u32 $0x9E00, s0  }
0xa: {  	s14 =	sshll.u32 s0, $0x6;
	_ =	strace $0x8000004A;
	s10 =	smul.u32 $0x13C00, s4  }
0xb: {  	s11 =	ssub.s32 $0x2, s4;
	p0 =	seq.s32 s4, $0x0;
	s14 =	sor.u32 $0x1C05, s14  }
0xc: {  	s8 =	sadd.s32 s8, s7;
	s31 =	sshrl.u32 s11, $0x1;
	s24 =	sshrl.u32 s12, $0x3  }
.Ltmp0:
0xd: {  	s15 =	sadd.s32 s12, s2;
	s12 =	simm.s32 $0x5;
	(pc) =	sbr.rel .LBB2_1-.Ltmp0, $4  }
0xe: {  	s10 =	sadd.s32 s10, s7;
	s11 =	ssub.s32 s11, s31;
	s7 =	sadd.s32 $0x28E00, s8  }
0xf: {  	s8 =	sadd.s32 $0x32E00, s8;
	s9 =	sadd.s32 s9, s24;
	s15 =	sshrl.u32 s15, $0x3  }
0x10: {  	s25 =	sadd.s32 $0x42000, s10;
	s10 =	smax.u32 s11, $0x1;
	s11 =	smov.u32 s6  }
0x11: {  	s11 =	smov.u32 @p0 s5;
	s24 =	sadd.s32 s24, s25;
	s25 =	simm.s32 $0x3  }
.LBB2_4:
0x12: {  	_ =	swait.ge [sflag:s26], $0x2000  }
0x13: {  	[sflag:s26] =	ssyncset.done $0x0  }
0x14: {  	[sflag:s26] =	ssyncadd.s32 $0xFFFFE000  }
0x15: {  	[spmem:s2] =	stream.indirect.scatter.add.f32 [tilespmem:s22], [sflag:$0x5], $0x40, s31, s16, $0xb8;
	[tilespmem:$0x1BE00] =	vst v63  }
0x16: {  	_ =	swait.ge [sflag:s12], $0x2000  }
0x17: {  	s28 =	sadd.s32 $0x1, s28;
	[sflag:s12] =	ssyncset.done $0x0  }
0x18: {  	p0 =	sne.s32 s28, s10;
	[sflag:s12] =	ssyncadd.s32 $0xFFFFE000  }
.Ltmp1:
0x19: {  	[bflag:$0x0] =	sbarrier.arrive $0xFFFF;
	(pc) =	sbr.rel @!p0 .LBB2_5-.Ltmp1, $4  }
0x1a: {  	[hbm:s24], [sflag:s14] =	dma.local [spmem:s15], $0x13C0  }
0x1b: {  	_ =	swait.ge [sflag:s12], $0x13C0  }
0x1c: {  	[sflag:s12] =	ssyncset.done $0x0  }
0x1d: {  	[sflag:s12] =	ssyncadd.s32 $0xFFFFEC40  }
.LBB2_1:
0x1e: {  	[tilespmem:s3], [sflag:$0x5] =	stream.linear.gather [hbm4b:s7+s3], $0x5000, $0x38;
	[tilespmem:$0x1BE00] =	vst v63  }
0x1f: {  	_ =	swait.ge [sflag:s12], $0x5000  }
0x20: {  	[sflag:s12] =	ssyncset.done $0x0  }
0x21: {  	s0 =	simm.s32 $0x5000;
	[sflag:s12] =	ssyncadd.s32 $0xFFFFB000  }
0x22: {  	[tilespmem:s0], [sflag:$0x5] =	stream.linear.gather [hbm4b:s8+s3], $0x5000, $0x38;
	[tilespmem:$0x1BE00] =	vst v63  }
0x23: {  	_ =	swait.ge [sflag:s12], $0x5000  }
0x24: {  	[sflag:s12] =	ssyncset.done $0x0  }
0x25: {  	[sflag:s12] =	ssyncadd.s32 $0xFFFFB000  }
0x26: {  	[spmem:s15], [sflag:s14] =	dma.local [hbm:s9], $0x13C0  }
0x27: {  	_ =	swait.ge [sflag:s12], $0x13C0  }
0x28: {  	[sflag:s12] =	ssyncset.done $0x0  }
0x29: {  	[sflag:s12] =	ssyncadd.s32 $0xFFFFEC40  }
0x2a: {  	[bflag:$0x0] =	sbarrier.arrive $0xFFFF  }
0x2b: {  	[tilespmem:s17], [sflag:$0x1] =	stream.indirect.gather [hbm4b:s11+s16], $0x40, s3, s16, $0xb8;
	[tilespmem:$0x1BE00] =	vst v63  }
0x2c: {  	_ = 	snop  }
0x2d: {  	[tilespmem:s18], [sflag:$0x2] =	stream.indirect.gather [hbm4b:s11+s16], $0x40, s16, s16, $0xb8;
	[tilespmem:$0x1BE00] =	vst v63  }
0x2e: {  	_ = 	snop  }
0x2f: {  	[tilespmem:s20], [sflag:$0x3] =	stream.indirect.gather [hbm4b:s11+s16], $0x40, s19, s16, $0xb8;
	[tilespmem:$0x1BE00] =	vst v63  }
0x30: {  	s29 =	simm.s32 $0x0  }
0x31: {  	[tilespmem:s22], [sflag:$0x4] =	stream.indirect.gather [hbm4b:s11+s16], $0x40, s21, s16, $0xb8;
	[tilespmem:$0x1BE00] =	vst v63  }
.LBB2_2:
0x32: {  	_ =	swait.ge [sflag:s23], $0x2000  }
0x33: {  	s30 =	sshra.s32 s29, $0x2;
	[sflag:s23] =	ssyncset.done $0x0  }
0x34: {  	s31 =	sadd.s32 $0x5000, s30;
	[sflag:s23] =	ssyncadd.s32 $0xFFFFE000  }
0x35: {  	[spmem:s2] =	stream.indirect.scatter.add.f32 [tilespmem:s17], [sflag:$0x5], $0x40, s31, s16, $0xb8;
	[tilespmem:$0x1BE00] =	vst v63  }
0x36: {  	_ =	swait.ge [sflag:s12], $0x2000  }
0x37: {  	p0 =	seq.s32 s29, $0x13800;
	[sflag:s12] =	ssyncset.done $0x0  }
0x38: {  	s31 =	simm.s32 @p0 $0x2;
	[sflag:s12] =	ssyncadd.s32 $0xFFFFE000  }
0x39: {  	_ =	swait.ge @p0 [sflag:s31], $0x2000  }
0x3a: {  	[sflag:s31] =	ssyncset.done @p0 $0x0  }
0x3b: {  	[sflag:s31] =	ssyncadd.s32 @p0 $0xFFFFE000;
	s31 =	sshra.s32 @p0 s29, $0x2  }
0x3c: {  	s0 =	simm.s32 @p0 $0x80;
	s1 =	simm.s32 @p0 $0xC000;
	s31 =	sadd.s32 @p0 $0x5080, s31  }
0x3d: {  	[spmem:s2] =	stream.indirect.scatter.add.f32 @p0 [tilespmem:s1], [sflag:$0x5], $0x40, s31, s0, $0xb8;
	[tilespmem:$0x1BE00] =	vst v63  }
0x3e: {  	s0 =	simm.s32 @p0 $0x5  }
0x3f: {  	_ =	swait.ge @p0 [sflag:s0], $0x2000  }
0x40: {  	[sflag:s0] =	ssyncset.done @p0 $0x0  }
0x41: {  	[sflag:s0] =	ssyncadd.s32 @p0 $0xFFFFE000;
	s0 =	sshra.s32 @!p0 s29, $0x2  }
0x42: {  	s13 =	simm.s32 @!p0 $0xA000;
	s31 =	simm.s32 @!p0 $0x80;
	s1 =	sadd.s32 @!p0 $0x200, s0  }
0x43: {  	[tilespmem:s13], [sflag:$0x1] =	stream.indirect.gather @!p0 [hbm4b:s11+s31], $0x40, s1, s31, $0xb8;
	[tilespmem:$0x1BE00] =	vst v63  }
0x44: {  	s1 =	simm.s32 @!p0 $0x2  }
0x45: {  	_ =	swait.ge @!p0 [sflag:s1], $0x2000  }
0x46: {  	[sflag:s1] =	ssyncset.done @!p0 $0x0  }
0x47: {  	s13 =	simm.s32 @!p0 $0xC000;
	[sflag:s1] =	ssyncadd.s32 @!p0 $0xFFFFE000;
	s1 =	sadd.s32 @!p0 $0x5080, s0  }
0x48: {  	[spmem:s2] =	stream.indirect.scatter.add.f32 @!p0 [tilespmem:s13], [sflag:$0x5], $0x40, s1, s31, $0xb8;
	[tilespmem:$0x1BE00] =	vst v63  }
0x49: {  	p1 =	sne.s32 @!p0 s4, $0x0;
	s1 =	simm.s32 @!p0 $0x5  }
0x4a: {  	p2 =	por !p1, p0;
	_ =	swait.ge @!p0 [sflag:s1], $0x2000  }
0x4b: {  	p1 =	por p1, p0;
	s0 =	sadd.s32 @!p0 $0x280, s0;
	[sflag:s1] =	ssyncset.done @!p0 $0x0  }
0x4c: {  	s13 =	simm.s32 @!p2 $0xC000;
	[sflag:s1] =	ssyncadd.s32 @!p0 $0xFFFFE000;
	s1 =	simm.s32 @!p2 $0x80  }
0x4d: {  	[tilespmem:s13], [sflag:$0x2] =	stream.indirect.gather @!p2 [hbm4b:s6+s1], $0x40, s0, s1, $0xb8;
	[tilespmem:$0x1BE00] =	vst v63  }
0x4e: {  	s1 =	simm.s32 @!p1 $0x80;
	s13 =	simm.s32 @!p1 $0xC000  }
0x4f: {  	[tilespmem:s13], [sflag:$0x2] =	stream.indirect.gather @!p1 [hbm4b:s5+s1], $0x40, s0, s1, $0xb8;
	[tilespmem:$0x1BE00] =	vst v63  }
0x50: {  	_ =	swait.ge [sflag:s25], $0x2000  }
0x51: {  	[sflag:s25] =	ssyncset.done $0x0  }
.Ltmp2:
0x52: {  	s13 =	sadd.s32 $0x5100, s30;
	[sflag:s25] =	ssyncadd.s32 $0xFFFFE000;
	(pc) =	sbr.rel @p0 .LBB2_4-.Ltmp2, $4  }
0x53: {  	[spmem:s2] =	stream.indirect.scatter.add.f32 [tilespmem:s20], [sflag:$0x5], $0x40, s13, s16, $0xb8;
	[tilespmem:$0x1BE00] =	vst v63  }
0x54: {  	_ =	swait.ge [sflag:s12], $0x2000  }
0x55: {  	[sflag:s12] =	ssyncset.done $0x0  }
0x56: {  	s31 =	sadd.s32 $0x5180, s30;
	[sflag:s12] =	ssyncadd.s32 $0xFFFFE000  }
0x57: {  	s0 =	sadd.s32 $0x300, s30  }
0x58: {  	[tilespmem:s20], [sflag:$0x3] =	stream.indirect.gather [hbm4b:s11+s16], $0x40, s0, s16, $0xb8;
	[tilespmem:$0x1BE00] =	vst v63  }
0x59: {  	_ =	swait.ge [sflag:s26], $0x2000  }
0x5a: {  	[sflag:s26] =	ssyncset.done $0x0  }
0x5b: {  	[sflag:s26] =	ssyncadd.s32 $0xFFFFE000  }
0x5c: {  	[spmem:s2] =	stream.indirect.scatter.add.f32 [tilespmem:s22], [sflag:$0x5], $0x40, s31, s16, $0xb8;
	[tilespmem:$0x1BE00] =	vst v63  }
.Ltmp3:
0x5d: {  	_ = 	snop;
	(pc) =	sbr.rel .LBB2_2-.Ltmp3, $4  }
0x5e: {  	_ =	swait.ge [sflag:s12], $0x2000  }
0x5f: {  	[sflag:s12] =	ssyncset.done $0x0  }
0x60: {  	s29 =	sadd.s32 $0x800, s29;
	s31 =	sadd.s32 $0x380, s30;
	[sflag:s12] =	ssyncadd.s32 $0xFFFFE000  }
0x61: {  	[tilespmem:s22], [sflag:$0x4] =	stream.indirect.gather [hbm4b:s11+s16], $0x40, s31, s16, $0xb8;
	[tilespmem:$0x1BE00] =	vst v63  }
.LBB2_5:
0x62: {  	_ =	sfence.sel $0x180000  }
0x63: {  	[bflag:$0x0] =	sbarrier.arrive $0xFFFF  }
0x64: {  	_ =	strace $0x9000004A  }
0x65: {  	s0 =	stileid.u32;
	[bflag:$0x2] =	sbarrier.arrive $0xFFFF  }
0x66: {  	p0 =	sne.s32 s0, $0x0;
	s0 =	rddreg [dreg:$0x3]  }
0x67: {  	s0 =	sadd.s32 @!p0 $0x100000, s0  }
0x68: {  	[sflag:s0] =	ssyncadd.tile.s32 @!p0 $0x1;
	_ =	shalt  }
.Lfunc_end2:
_tile_overlayer_lowered:
.L_overlay_start_2:
0x69: {  	(tag) =	ssettag $0x2  }
0x6a: {  	s0 =	rddreg [dreg:$0x0];
	s2 =	stileid.u32  }
0x6b: {  	s1 =	rddreg [dreg:$0x1];
	p0 =	sne.s32 s2, $0x0  }
0x6c: {  	s3 =	rddreg [dreg:$0x2];
	[bflag:$0x3] =	sbarrier.arrive $0xFFFF;
	s2 =	simm.s32 @!p0 $0x1C05  }
0x6d: {  	[timem:s3], [sflag:s2] =	dma.local @!p0 [hbm:s0], s1  }
0x6e: {  	s0 =	simm.s32 @!p0 $0x5  }
0x6f: {  	_ =	swait.ge @!p0 [sflag:s0], s1  }
0x70: {  	s1 =	ssub.s32 @!p0 $0x0, s1;
	[sflag:s0] =	ssyncset.done @!p0 $0x0  }
0x71: {  	[sflag:s0] =	ssyncadd.s32 @!p0 s1  }
0x72: {  	[bflag:$0x3] =	sbarrier.arrive $0xFFFF  }
0x73: {  	_ =	shalt  }

</sc_bundles>
